<compile_context>
chip_gen: v7x
topology: tpu7x:2x2x1
jax: 0.10.2.dev20260603
libtpu: 0.0.44.dev20260713+nightly
codegen_flags: <defaults>
</compile_context>

<pallas_src>
import functools

import jax
import jax.numpy as jnp
import numpy as np
from jax import lax
from jax.experimental import pallas as pl
from jax.experimental.pallas import tpu as pltpu
from jax.experimental.pallas import tpu_sc as plsc

N = 10000
E = 320000
F_IN = 128
HID = 8
HEADS = 8
C = 40

NC = 2
NS = 16
LANES = 16
NW = NC * NS
EPW = E // NW
CH = 80
NCHUNK = EPW // CH
N_PAD = 10240
RPS = N_PAD // NS

WA1 = 96
WB1 = 32
WO1 = 80
WA2 = 64
WB2 = 32
WO2 = 48

NBLK = 1000
NBLK1 = 640




def _prep1_body(x_ref, m1_ref, m1d_ref, tbla_ref, tblb_ref):
    xb = x_ref[...]
    tbla_ref[...] = jnp.dot(xb, m1_ref[...],
                            preferred_element_type=jnp.float32).astype(jnp.bfloat16)
    tblb_ref[...] = jnp.dot(xb, m1d_ref[...],
                            preferred_element_type=jnp.float32).astype(jnp.bfloat16)


def _mid_body(acc_ref, r8t_ref, m2_ref, m2d_ref, tbla_ref, tblb_ref):
    accs = acc_ref[0] + acc_ref[1]
    den_rep = jnp.dot(accs[:, 64:72], r8t_ref[...],
                      preferred_element_type=jnp.float32)
    x1v = accs[:, :64] / (den_rep + 1e-16)
    x1 = jnp.where(x1v > 0, x1v, jnp.exp(x1v) - 1.0)
    tbla_ref[...] = jnp.dot(x1, m2_ref[...],
                            preferred_element_type=jnp.float32).astype(jnp.bfloat16)
    tblb_ref[...] = jnp.dot(x1, m2d_ref[...],
                            preferred_element_type=jnp.float32).astype(jnp.bfloat16)


def _post_body(acc2_ref, out_ref):
    accs = acc2_ref[0] + acc2_ref[1]
    num = accs[:, :40]
    den = accs[:, 40:41]
    o = num / (den + 1e-16)
    m = jnp.max(o, axis=1, keepdims=True)
    sh = o - m
    out_ref[...] = sh - jnp.log(jnp.sum(jnp.exp(sh), axis=1, keepdims=True))




def _unpack(v):
    return plsc.unpack(v, format=plsc.PackFormat.INTERLEAVED)


def _lrelu_exp(sv):
    return jnp.exp(jnp.where(sv >= 0, sv, 0.2 * sv))


def _edge_loop1(bufa, bufb, bufo):
    def edge(i, _):
        ea, _ea2 = _unpack(bufa[i, pl.ds(64, 32)])
        da, _da2 = _unpack(bufb[i, pl.ds(0, 32)])
        w = _lrelu_exp(ea + da)
        g0, g1 = _unpack(bufa[i, pl.ds(0, 32)])
        g2, g3 = _unpack(bufa[i, pl.ds(32, 32)])
        bufo[i, pl.ds(0, 16)] = g0 * w
        bufo[i, pl.ds(16, 16)] = g1 * w
        bufo[i, pl.ds(32, 16)] = g2 * w
        bufo[i, pl.ds(48, 16)] = g3 * w
        bufo[i, pl.ds(64, 16)] = w
        return 0

    lax.fori_loop(0, CH, edge, 0, unroll=4)


def _edge_loop2(bufa, bufb, bufo):
    lane = lax.iota(jnp.int32, LANES)
    low8 = lane < 8

    def edge(i, _):
        g2, es = _unpack(bufa[i, pl.ds(32, 32)])
        dd, _dd2 = _unpack(bufb[i, pl.ds(0, 32)])
        w = _lrelu_exp(es + dd)
        g0, g1 = _unpack(bufa[i, pl.ds(0, 32)])
        bufo[i, pl.ds(0, 16)] = g0 * w
        bufo[i, pl.ds(16, 16)] = g1 * w
        bufo[i, pl.ds(32, 16)] = jnp.where(low8, g2 * w, w)
        return 0

    lax.fori_loop(0, CH, edge, 0, unroll=4)


def _sc_body_factory(edge_loop):
    def body(tbla, tblb, src2d, dst2d, zrows, out,
             srcall, dstall, bufa0, bufa1, bufb0, bufb1, bufo0, bufo1, acc,
             sga0, sga1, sgb0, sgb1, ss0, ss1):
        c = lax.axis_index("c")
        s = lax.axis_index("s")
        row0 = s * RPS
        pltpu.sync_copy(zrows.at[pl.ds(row0, RPS)], acc.at[pl.ds(row0, RPS)])
        wid = s * NC + c
        crow = wid * NCHUNK
        pltpu.sync_copy(src2d.at[pl.ds(crow, NCHUNK)], srcall)
        pltpu.sync_copy(dst2d.at[pl.ds(crow, NCHUNK)], dstall)
        plsc.subcore_barrier()

        bufa = (bufa0, bufa1)
        bufb = (bufb0, bufb1)
        bufo = (bufo0, bufo1)
        sga = (sga0, sga1)
        sgb = (sgb0, sgb1)
        ss = (ss0, ss1)

        def issue_gather(k, b):
            pltpu.async_copy(tbla.at[srcall.at[k]], bufa[b], sga[b])
            pltpu.async_copy(tblb.at[dstall.at[k]], bufb[b], sgb[b])

        def wait_gather(k, b):
            pltpu.make_async_copy(tbla.at[srcall.at[k]], bufa[b], sga[b]).wait()
            pltpu.make_async_copy(tblb.at[dstall.at[k]], bufb[b], sgb[b]).wait()

        def issue_scatter(k, b):
            pltpu.async_copy(bufo[b], acc.at[dstall.at[k]], ss[b], add=True)

        def wait_scatter(k, b):
            pltpu.make_async_copy(bufo[b], acc.at[dstall.at[k]], ss[b]).wait()

        issue_gather(0, 0)
        issue_gather(1, 1)

        def pair(kk, _):
            for b in range(2):
                k = kk * 2 + b
                wait_gather(k, b)

                @pl.when(k >= 2)
                def _():
                    wait_scatter(k - 2, b)

                edge_loop(bufa[b], bufb[b], bufo[b])
                issue_scatter(k, b)

                @pl.when(k + 2 < NCHUNK)
                def _():
                    issue_gather(k + 2, b)
            return 0

        lax.fori_loop(0, NCHUNK // 2, pair, 0)

        kt = NCHUNK - 1
        wait_gather(kt, 0)
        wait_scatter(kt - 2, 0)
        edge_loop(bufa[0], bufb[0], bufo[0])
        issue_scatter(kt, 0)
        wait_scatter(kt - 1, 1)
        wait_scatter(kt, 0)
        plsc.subcore_barrier()
        pltpu.sync_copy(acc.at[pl.ds(row0, RPS)], out.at[c, pl.ds(row0, RPS)])

    return body


def _make_sc(edge_loop, wa, wb, wo):
    mesh = plsc.VectorSubcoreMesh(core_axis_name="c", subcore_axis_name="s",
                                  num_cores=NC, num_subcores=NS)
    return pl.kernel(
        _sc_body_factory(edge_loop),
        out_type=jax.ShapeDtypeStruct((NC, N_PAD, wo), jnp.float32),
        mesh=mesh,
        scratch_types=[
            pltpu.VMEM((NCHUNK, CH), jnp.int32),
            pltpu.VMEM((NCHUNK, CH), jnp.int32),
            pltpu.VMEM((CH, wa), jnp.bfloat16),
            pltpu.VMEM((CH, wa), jnp.bfloat16),
            pltpu.VMEM((CH, wb), jnp.bfloat16),
            pltpu.VMEM((CH, wb), jnp.bfloat16),
            pltpu.VMEM((CH, wo), jnp.float32),
            pltpu.VMEM((CH, wo), jnp.float32),
            pltpu.VMEM_SHARED((N_PAD, wo), jnp.float32),
            pltpu.SemaphoreType.DMA,
            pltpu.SemaphoreType.DMA,
            pltpu.SemaphoreType.DMA,
            pltpu.SemaphoreType.DMA,
            pltpu.SemaphoreType.DMA,
            pltpu.SemaphoreType.DMA,
        ],
        compiler_params=pltpu.CompilerParams(use_tc_tiling_on_sc=False,
                                             needs_layout_passes=False),
    )




def kernel(x, edge_index, W1, a1s, a1d, W2, a2s, a2d):
    src2d = edge_index[0].reshape(NW * NCHUNK, CH)
    dst2d = edge_index[1].reshape(NW * NCHUNK, CH)

    w1f = jnp.transpose(W1, (1, 0, 2)).reshape(F_IN, HEADS * HID)
    eye8 = jnp.eye(HEADS, dtype=jnp.float32)
    a1s_m = jnp.einsum("ho,hk->hok", a1s, eye8).reshape(64, HEADS)
    a1d_m = jnp.einsum("ho,hk->hok", a1d, eye8).reshape(64, HEADS)
    esmat = w1f @ a1s_m
    edmat = w1f @ a1d_m

    k16 = np.arange(16)
    idx_m1 = np.zeros(WA1, dtype=np.int64)
    for g in range(4):
        base = (g // 2) * 32
        off = (g % 2)
        idx_m1[base + 2 * k16 + off] = (k16 % 8) * 8 + 2 * g + k16 // 8
    idx_m1[64 + 2 * k16] = 64 + (k16 % 8)
    idx_m1[64 + 2 * k16 + 1] = 64 + (k16 % 8)
    m1 = jnp.concatenate([w1f, esmat], axis=1)[:, idx_m1]
    idx_m1d = np.zeros(WB1, dtype=np.int64)
    idx_m1d[2 * k16] = k16 % 8
    idx_m1d[2 * k16 + 1] = k16 % 8
    m1d = edmat[:, idx_m1d]

    r8t = jnp.tile(eye8, (1, 8))

    c64 = np.arange(64)
    logical = (c64 % 8) * 8 + 2 * (c64 // 16) + (c64 % 16) // 8
    w2s = W2[logical, :]
    esv = (w2s @ a2s)[:, None]
    edv = (w2s @ a2d)[:, None]
    z16 = jnp.zeros((64, 1), jnp.float32)
    cols2 = []
    for kk in range(16):
        cols2.append(w2s[:, kk:kk + 1])
        cols2.append(w2s[:, 16 + kk:17 + kk])
    for kk in range(16):
        cols2.append(w2s[:, 32 + kk:33 + kk] if kk < 8 else z16)
        cols2.append(esv)
    m2 = jnp.concatenate(cols2, axis=1)
    m2d = jnp.concatenate([edv, edv] * 16, axis=1)

    z1 = jnp.zeros((N_PAD, WO1), jnp.float32)
    z2 = jnp.zeros((N_PAD, WO2), jnp.float32)

    x_pad = jnp.pad(x, ((0, N_PAD - N), (0, 0)))
    gridp = (N_PAD // NBLK1,)
    tbla1, tblb1 = pl.pallas_call(
        _prep1_body,
        grid=gridp,
        in_specs=[
            pl.BlockSpec((NBLK1, F_IN), lambda i: (i, 0)),
            pl.BlockSpec((F_IN, WA1), lambda i: (0, 0)),
            pl.BlockSpec((F_IN, WB1), lambda i: (0, 0)),
        ],
        out_specs=[
            pl.BlockSpec((NBLK1, WA1), lambda i: (i, 0)),
            pl.BlockSpec((NBLK1, WB1), lambda i: (i, 0)),
        ],
        out_shape=[
            jax.ShapeDtypeStruct((N_PAD, WA1), jnp.bfloat16),
            jax.ShapeDtypeStruct((N_PAD, WB1), jnp.bfloat16),
        ],
    )(x_pad, m1, m1d)

    sc1 = _make_sc(_edge_loop1, WA1, WB1, WO1)
    acc1 = sc1(tbla1, tblb1, src2d, dst2d, z1)

    tbla2, tblb2 = pl.pallas_call(
        _mid_body,
        grid=gridp,
        in_specs=[
            pl.BlockSpec((NC, NBLK1, WO1), lambda i: (0, i, 0)),
            pl.BlockSpec((HEADS, 64), lambda i: (0, 0)),
            pl.BlockSpec((64, WA2), lambda i: (0, 0)),
            pl.BlockSpec((64, WB2), lambda i: (0, 0)),
        ],
        out_specs=[
            pl.BlockSpec((NBLK1, WA2), lambda i: (i, 0)),
            pl.BlockSpec((NBLK1, WB2), lambda i: (i, 0)),
        ],
        out_shape=[
            jax.ShapeDtypeStruct((N_PAD, WA2), jnp.bfloat16),
            jax.ShapeDtypeStruct((N_PAD, WB2), jnp.bfloat16),
        ],
    )(acc1, r8t, m2, m2d)

    sc2 = _make_sc(_edge_loop2, WA2, WB2, WO2)
    acc2 = sc2(tbla2, tblb2, src2d, dst2d, z2)

    out = pl.pallas_call(
        _post_body,
        grid=(N // NBLK,),
        in_specs=[pl.BlockSpec((NC, NBLK, WO2), lambda i: (0, i, 0))],
        out_specs=pl.BlockSpec((NBLK, C), lambda i: (i, 0)),
        out_shape=jax.ShapeDtypeStruct((N, C), jnp.float32),
    )(acc2)
    return out

# --- scband reference (transcript-rebuilt; emitter-appended) ---
"""Pipeline reference for scband-gatnet-6889127542860 (READ-ONLY COPY).

The authoritative reference and input builder live on the scoring server;
editing this copy changes nothing except your own understanding.
"""

import jax, jax.numpy as jnp
import numpy as np

N = 10000
E = 320000
F_IN = 128
HID = 8
HEADS = 8
C = 40


def setup_inputs(seed: int = 0) -> dict:
    key = jax.random.key(seed)
    ks = jax.random.split(key, 8)
    x = jax.random.normal(ks[0], (N, F_IN), dtype=jnp.float32)
    edge_index = jax.random.randint(ks[1], (2, E), 0, N, dtype=jnp.int32)
    s1 = 1.0 / np.sqrt(F_IN)
    W1 = jax.random.normal(ks[2], (HEADS, F_IN, HID), dtype=jnp.float32) * s1
    a1s = jax.random.normal(ks[3], (HEADS, HID), dtype=jnp.float32) * (1.0 / np.sqrt(HID))
    a1d = jax.random.normal(ks[4], (HEADS, HID), dtype=jnp.float32) * (1.0 / np.sqrt(HID))
    s2 = 1.0 / np.sqrt(HEADS * HID)
    W2 = jax.random.normal(ks[5], (HEADS * HID, C), dtype=jnp.float32) * s2
    a2s = jax.random.normal(ks[6], (C,), dtype=jnp.float32) * (1.0 / np.sqrt(C))
    a2d = jax.random.normal(ks[7], (C,), dtype=jnp.float32) * (1.0 / np.sqrt(C))
    return {"x": x, "edge_index": edge_index, "W1": W1, "a1s": a1s, "a1d": a1d,
            "W2": W2, "a2s": a2s, "a2d": a2d}


def _edge_softmax_aggregate(e, h_src_msg, dst, n_nodes):
    # e: [E, H], h_src_msg: [E, H, F], dst: [E]
    m = jax.ops.segment_max(e, dst, num_segments=n_nodes)
    m = jnp.where(jnp.isfinite(m), m, 0.0)
    m = jax.lax.stop_gradient(m)
    ex = jnp.exp(e - m[dst])
    den = jax.ops.segment_sum(ex, dst, num_segments=n_nodes)
    alpha = ex / (den[dst] + 1e-16)
    out = jax.ops.segment_sum(alpha[:, :, None] * h_src_msg, dst, num_segments=n_nodes)
    return out  # [N, H, F]


def reference(x, edge_index, W1, a1s, a1d, W2, a2s, a2d):
    src = edge_index[0]
    dst = edge_index[1]

    # --- GAT layer 1: 8 heads, concat ---
    h = jnp.einsum('nf,hfo->nho', x, W1)                  # [N, H, HID]
    es = jnp.sum(h * a1s[None, :, :], axis=-1)            # [N, H]
    ed = jnp.sum(h * a1d[None, :, :], axis=-1)            # [N, H]
    e = jax.nn.leaky_relu(es[src] + ed[dst], 0.2)         # [E, H]
    out1 = _edge_softmax_aggregate(e, h[src], dst, N)     # [N, H, HID]
    x1 = jax.nn.elu(out1.reshape(N, HEADS * HID))         # ELU between layers

    # --- GAT layer 2: 1 head ---
    h2 = x1 @ W2                                          # [N, C]
    es2 = h2 @ a2s                                        # [N]
    ed2 = h2 @ a2d                                        # [N]
    e2 = jax.nn.leaky_relu(es2[src] + ed2[dst], 0.2)      # [E]
    out2 = _edge_softmax_aggregate(e2[:, None], h2[src][:, None, :], dst, N)
    out2 = out2.reshape(N, C)

    return jax.nn.log_softmax(out2, axis=1)

if __name__ == "__main__":
    import jax
    _d = setup_inputs()
    print(jax.jit(kernel)(*tuple(_d.values())))

</pallas_src>

<mosaic_0001>
#map = affine_map<(d0, d1) -> (0, 0)>
#map1 = affine_map<(d0, d1) -> (0, 0, 0)>
module attributes {stable_mosaic.version = 14 : i64} {
  func.func @body(%arg0: i32, %arg1: i32, %arg2: memref<10240x64xbf16, #tpu.memory_space<hbm>>, %arg3: memref<10240x32xbf16, #tpu.memory_space<hbm>>, %arg4: memref<4000x80xi32, #tpu.memory_space<hbm>>, %arg5: memref<4000x80xi32, #tpu.memory_space<hbm>>, %arg6: memref<10240x48xf32, #tpu.memory_space<hbm>>, %arg7: memref<2x10240x48xf32, #tpu.memory_space<hbm>>, %arg8: memref<125x80xi32, #tpu.memory_space<vmem>>, %arg9: memref<125x80xi32, #tpu.memory_space<vmem>>, %arg10: memref<80x64xbf16, #tpu.memory_space<vmem>>, %arg11: memref<80x64xbf16, #tpu.memory_space<vmem>>, %arg12: memref<80x32xbf16, #tpu.memory_space<vmem>>, %arg13: memref<80x32xbf16, #tpu.memory_space<vmem>>, %arg14: memref<80x48xf32, #tpu.memory_space<vmem>>, %arg15: memref<80x48xf32, #tpu.memory_space<vmem>>, %arg16: memref<10240x48xf32, #tpu.memory_space<vmem_shared>>, %arg17: memref<!tpu.dma_semaphore, #tpu.memory_space<semaphore_mem>>, %arg18: memref<!tpu.dma_semaphore, #tpu.memory_space<semaphore_mem>>, %arg19: memref<!tpu.dma_semaphore, #tpu.memory_space<semaphore_mem>>, %arg20: memref<!tpu.dma_semaphore, #tpu.memory_space<semaphore_mem>>, %arg21: memref<!tpu.dma_semaphore, #tpu.memory_space<semaphore_mem>>, %arg22: memref<!tpu.dma_semaphore, #tpu.memory_space<semaphore_mem>>) attributes {dimension_semantics = [#tpu.dimension_semantics<core_parallel>, #tpu.dimension_semantics<subcore_parallel>], iteration_bounds = array<i64: 2, 16>, scalar_prefetch = 0 : i64, scratch_operands = 15 : i64, tpu.core_type = #tpu.core_type<sc_vector_subcore>, window_params = [{transform_indices = #map}, {transform_indices = #map}, {transform_indices = #map}, {transform_indices = #map}, {transform_indices = #map}, {transform_indices = #map1}]} {
    %mul3A = arith.constant 640 : i32
    %mul3A_0 = arith.muli %arg1, %mul3A : i32
    "tpu.region"() ({
      %run_scoped3A = tpu.sem_alloc : memref<!tpu.dma_semaphore, #tpu.memory_space<semaphore_mem>>
      %dma_start3A_89 = arith.constant 0 : i32
      %dma_start3A_90 = tpu.memref_slice %arg16[%mul3A_0, %dma_start3A_89] : memref<10240x48xf32, #tpu.memory_space<vmem_shared>> -> memref<640x48xf32, #tpu.memory_space<vmem_shared>>
      %dma_start3A_91 = arith.constant 0 : i32
      %dma_start3A_92 = tpu.memref_slice %arg6[%mul3A_0, %dma_start3A_91] : memref<10240x48xf32, #tpu.memory_space<hbm>> -> memref<640x48xf32, #tpu.memory_space<hbm>>
      tpu.enqueue_dma source(%dma_start3A_92 : memref<640x48xf32, #tpu.memory_space<hbm>>) target(%dma_start3A_90 : memref<640x48xf32, #tpu.memory_space<vmem_shared>>) target_semaphore(%run_scoped3A : memref<!tpu.dma_semaphore, #tpu.memory_space<semaphore_mem>>)
      %dma_wait3A_93 = arith.constant 0 : i32
      %dma_wait3A_94 = tpu.memref_slice %arg16[%mul3A_0, %dma_wait3A_93] : memref<10240x48xf32, #tpu.memory_space<vmem_shared>> -> memref<640x48xf32, #tpu.memory_space<vmem_shared>>
      %dma_wait3A_95 = arith.constant 0 : i32
      %dma_wait3A_96 = tpu.memref_slice %arg6[%mul3A_0, %dma_wait3A_95] : memref<10240x48xf32, #tpu.memory_space<hbm>> -> memref<640x48xf32, #tpu.memory_space<hbm>>
      tpu.wait_dma2 semaphore(%run_scoped3A : memref<!tpu.dma_semaphore, #tpu.memory_space<semaphore_mem>>) src(%dma_wait3A_96 : memref<640x48xf32, #tpu.memory_space<hbm>>) dst(%dma_wait3A_94 : memref<640x48xf32, #tpu.memory_space<vmem_shared>>)
      tpu.yield
    }) : () -> ()
    %mul3A_1 = arith.constant 2 : i32
    %mul3A_2 = arith.muli %arg1, %mul3A_1 : i32
    %add3A = arith.addi %mul3A_2, %arg0 : i32
    %mul3A_3 = arith.constant 125 : i32
    %mul3A_4 = arith.muli %add3A, %mul3A_3 : i32
    "tpu.region"() ({
      %run_scoped3A = tpu.sem_alloc : memref<!tpu.dma_semaphore, #tpu.memory_space<semaphore_mem>>
      %dma_start3A_89 = arith.constant 0 : i32
      %dma_start3A_90 = tpu.memref_slice %arg4[%mul3A_4, %dma_start3A_89] : memref<4000x80xi32, #tpu.memory_space<hbm>> -> memref<125x80xi32, #tpu.memory_space<hbm>>
      %dma_start3A_91 = arith.constant 0 : i32
      %dma_start3A_92 = tpu.memref_slice %arg4[%mul3A_4, %dma_start3A_91] : memref<4000x80xi32, #tpu.memory_space<hbm>> -> memref<125x80xi32, #tpu.memory_space<hbm>>
      tpu.enqueue_dma source(%dma_start3A_92 : memref<125x80xi32, #tpu.memory_space<hbm>>) target(%arg8 : memref<125x80xi32, #tpu.memory_space<vmem>>) target_semaphore(%run_scoped3A : memref<!tpu.dma_semaphore, #tpu.memory_space<semaphore_mem>>)
      %dma_wait3A_93 = arith.constant 0 : i32
      %dma_wait3A_94 = tpu.memref_slice %arg4[%mul3A_4, %dma_wait3A_93] : memref<4000x80xi32, #tpu.memory_space<hbm>> -> memref<125x80xi32, #tpu.memory_space<hbm>>
      %dma_wait3A_95 = arith.constant 0 : i32
      %dma_wait3A_96 = tpu.memref_slice %arg4[%mul3A_4, %dma_wait3A_95] : memref<4000x80xi32, #tpu.memory_space<hbm>> -> memref<125x80xi32, #tpu.memory_space<hbm>>
      tpu.wait_dma2 semaphore(%run_scoped3A : memref<!tpu.dma_semaphore, #tpu.memory_space<semaphore_mem>>) src(%dma_wait3A_96 : memref<125x80xi32, #tpu.memory_space<hbm>>) dst(%arg8 : memref<125x80xi32, #tpu.memory_space<vmem>>)
      tpu.yield
    }) : () -> ()
    "tpu.region"() ({
      %run_scoped3A = tpu.sem_alloc : memref<!tpu.dma_semaphore, #tpu.memory_space<semaphore_mem>>
      %dma_start3A_89 = arith.constant 0 : i32
      %dma_start3A_90 = tpu.memref_slice %arg5[%mul3A_4, %dma_start3A_89] : memref<4000x80xi32, #tpu.memory_space<hbm>> -> memref<125x80xi32, #tpu.memory_space<hbm>>
      %dma_start3A_91 = arith.constant 0 : i32
      %dma_start3A_92 = tpu.memref_slice %arg5[%mul3A_4, %dma_start3A_91] : memref<4000x80xi32, #tpu.memory_space<hbm>> -> memref<125x80xi32, #tpu.memory_space<hbm>>
      tpu.enqueue_dma source(%dma_start3A_92 : memref<125x80xi32, #tpu.memory_space<hbm>>) target(%arg9 : memref<125x80xi32, #tpu.memory_space<vmem>>) target_semaphore(%run_scoped3A : memref<!tpu.dma_semaphore, #tpu.memory_space<semaphore_mem>>)
      %dma_wait3A_93 = arith.constant 0 : i32
      %dma_wait3A_94 = tpu.memref_slice %arg5[%mul3A_4, %dma_wait3A_93] : memref<4000x80xi32, #tpu.memory_space<hbm>> -> memref<125x80xi32, #tpu.memory_space<hbm>>
      %dma_wait3A_95 = arith.constant 0 : i32
      %dma_wait3A_96 = tpu.memref_slice %arg5[%mul3A_4, %dma_wait3A_95] : memref<4000x80xi32, #tpu.memory_space<hbm>> -> memref<125x80xi32, #tpu.memory_space<hbm>>
      tpu.wait_dma2 semaphore(%run_scoped3A : memref<!tpu.dma_semaphore, #tpu.memory_space<semaphore_mem>>) src(%dma_wait3A_96 : memref<125x80xi32, #tpu.memory_space<hbm>>) dst(%arg9 : memref<125x80xi32, #tpu.memory_space<vmem>>)
      tpu.yield
    }) : () -> ()
    %barrier3A = arith.constant 0 : index
    tpu.barrier barrier_id(%barrier3A)
    %dma_start3A = arith.constant 0 : i32
    %dma_start3A_5 = arith.constant 0 : i32
    %dma_start3A_6 = tpu.memref_slice %arg8[%dma_start3A, %dma_start3A_5] : memref<125x80xi32, #tpu.memory_space<vmem>> -> memref<1x80xi32, #tpu.memory_space<vmem>>
    %dma_start3A_7 = tpu.memref_squeeze %dma_start3A_6 : memref<1x80xi32, #tpu.memory_space<vmem>> -> memref<80xi32, #tpu.memory_space<vmem>>
    %dma_start3A_8 = arith.constant 0 : i32
    %dma_start3A_9 = arith.constant 0 : i32
    %dma_start3A_10 = tpu.memref_slice %arg2[%dma_start3A_8, %dma_start3A_9] : memref<10240x64xbf16, #tpu.memory_space<hbm>> -> memref<10240x64xbf16, #tpu.memory_space<hbm>>
    tpu.enqueue_indirect_dma source(%dma_start3A_10 : memref<10240x64xbf16, #tpu.memory_space<hbm>>) target(%arg10 : memref<80x64xbf16, #tpu.memory_space<vmem>>) offsets(%dma_start3A_7 : memref<80xi32, #tpu.memory_space<vmem>>) semaphore(%arg17 : memref<!tpu.dma_semaphore, #tpu.memory_space<semaphore_mem>>)
    %dma_start3A_11 = arith.constant 0 : i32
    %dma_start3A_12 = arith.constant 0 : i32
    %dma_start3A_13 = tpu.memref_slice %arg9[%dma_start3A_11, %dma_start3A_12] : memref<125x80xi32, #tpu.memory_space<vmem>> -> memref<1x80xi32, #tpu.memory_space<vmem>>
    %dma_start3A_14 = tpu.memref_squeeze %dma_start3A_13 : memref<1x80xi32, #tpu.memory_space<vmem>> -> memref<80xi32, #tpu.memory_space<vmem>>
    %dma_start3A_15 = arith.constant 0 : i32
    %dma_start3A_16 = arith.constant 0 : i32
    %dma_start3A_17 = tpu.memref_slice %arg3[%dma_start3A_15, %dma_start3A_16] : memref<10240x32xbf16, #tpu.memory_space<hbm>> -> memref<10240x32xbf16, #tpu.memory_space<hbm>>
    tpu.enqueue_indirect_dma source(%dma_start3A_17 : memref<10240x32xbf16, #tpu.memory_space<hbm>>) target(%arg12 : memref<80x32xbf16, #tpu.memory_space<vmem>>) offsets(%dma_start3A_14 : memref<80xi32, #tpu.memory_space<vmem>>) semaphore(%arg19 : memref<!tpu.dma_semaphore, #tpu.memory_space<semaphore_mem>>)
    %dma_start3A_18 = arith.constant 1 : i32
    %dma_start3A_19 = arith.constant 0 : i32
    %dma_start3A_20 = tpu.memref_slice %arg8[%dma_start3A_18, %dma_start3A_19] : memref<125x80xi32, #tpu.memory_space<vmem>> -> memref<1x80xi32, #tpu.memory_space<vmem>>
    %dma_start3A_21 = tpu.memref_squeeze %dma_start3A_20 : memref<1x80xi32, #tpu.memory_space<vmem>> -> memref<80xi32, #tpu.memory_space<vmem>>
    %dma_start3A_22 = arith.constant 0 : i32
    %dma_start3A_23 = arith.constant 0 : i32
    %dma_start3A_24 = tpu.memref_slice %arg2[%dma_start3A_22, %dma_start3A_23] : memref<10240x64xbf16, #tpu.memory_space<hbm>> -> memref<10240x64xbf16, #tpu.memory_space<hbm>>
    tpu.enqueue_indirect_dma source(%dma_start3A_24 : memref<10240x64xbf16, #tpu.memory_space<hbm>>) target(%arg11 : memref<80x64xbf16, #tpu.memory_space<vmem>>) offsets(%dma_start3A_21 : memref<80xi32, #tpu.memory_space<vmem>>) semaphore(%arg18 : memref<!tpu.dma_semaphore, #tpu.memory_space<semaphore_mem>>)
    %dma_start3A_25 = arith.constant 1 : i32
    %dma_start3A_26 = arith.constant 0 : i32
    %dma_start3A_27 = tpu.memref_slice %arg9[%dma_start3A_25, %dma_start3A_26] : memref<125x80xi32, #tpu.memory_space<vmem>> -> memref<1x80xi32, #tpu.memory_space<vmem>>
    %dma_start3A_28 = tpu.memref_squeeze %dma_start3A_27 : memref<1x80xi32, #tpu.memory_space<vmem>> -> memref<80xi32, #tpu.memory_space<vmem>>
    %dma_start3A_29 = arith.constant 0 : i32
    %dma_start3A_30 = arith.constant 0 : i32
    %dma_start3A_31 = tpu.memref_slice %arg3[%dma_start3A_29, %dma_start3A_30] : memref<10240x32xbf16, #tpu.memory_space<hbm>> -> memref<10240x32xbf16, #tpu.memory_space<hbm>>
    tpu.enqueue_indirect_dma source(%dma_start3A_31 : memref<10240x32xbf16, #tpu.memory_space<hbm>>) target(%arg13 : memref<80x32xbf16, #tpu.memory_space<vmem>>) offsets(%dma_start3A_28 : memref<80xi32, #tpu.memory_space<vmem>>) semaphore(%arg20 : memref<!tpu.dma_semaphore, #tpu.memory_space<semaphore_mem>>)
    %scan3A = arith.constant 0 : i32
    %scan3A_32 = arith.constant 0 : i32
    %scan3A_33 = arith.constant 62 : i32
    %scan3A_34 = arith.addi %scan3A_32, %scan3A_33 : i32
    %scan3A_35 = arith.constant 1 : i32
    %scan3A_36 = scf.for %scan3A_89 = %scan3A_32 to %scan3A_34 step %scan3A_35 iter_args(%scan3A_90 = %scan3A) -> (i32)  : i32 {
      %mul3A_91 = arith.constant 2 : i32
      %mul3A_92 = arith.muli %scan3A_89, %mul3A_91 : i32
      %add3A_93 = arith.constant 0 : i32
      %add3A_94 = arith.addi %mul3A_92, %add3A_93 : i32
      %dma_wait3A_95 = arith.constant 0 : i32
      %dma_wait3A_96 = tpu.memref_slice %arg8[%add3A_94, %dma_wait3A_95] : memref<125x80xi32, #tpu.memory_space<vmem>> -> memref<1x80xi32, #tpu.memory_space<vmem>>
      %dma_wait3A_97 = tpu.memref_squeeze %dma_wait3A_96 : memref<1x80xi32, #tpu.memory_space<vmem>> -> memref<80xi32, #tpu.memory_space<vmem>>
      %dma_wait3A_98 = arith.constant 0 : i32
      %dma_wait3A_99 = arith.constant 0 : i32
      %dma_wait3A_100 = tpu.memref_slice %arg2[%dma_wait3A_98, %dma_wait3A_99] : memref<10240x64xbf16, #tpu.memory_space<hbm>> -> memref<10240x64xbf16, #tpu.memory_space<hbm>>
      tpu.wait_indirect_dma semaphore(%arg17 : memref<!tpu.dma_semaphore, #tpu.memory_space<semaphore_mem>>) src(%dma_wait3A_100 : memref<10240x64xbf16, #tpu.memory_space<hbm>>) dst(%arg10 : memref<80x64xbf16, #tpu.memory_space<vmem>>)
      %dma_wait3A_101 = arith.constant 0 : i32
      %dma_wait3A_102 = tpu.memref_slice %arg9[%add3A_94, %dma_wait3A_101] : memref<125x80xi32, #tpu.memory_space<vmem>> -> memref<1x80xi32, #tpu.memory_space<vmem>>
      %dma_wait3A_103 = tpu.memref_squeeze %dma_wait3A_102 : memref<1x80xi32, #tpu.memory_space<vmem>> -> memref<80xi32, #tpu.memory_space<vmem>>
      %dma_wait3A_104 = arith.constant 0 : i32
      %dma_wait3A_105 = arith.constant 0 : i32
      %dma_wait3A_106 = tpu.memref_slice %arg3[%dma_wait3A_104, %dma_wait3A_105] : memref<10240x32xbf16, #tpu.memory_space<hbm>> -> memref<10240x32xbf16, #tpu.memory_space<hbm>>
      tpu.wait_indirect_dma semaphore(%arg19 : memref<!tpu.dma_semaphore, #tpu.memory_space<semaphore_mem>>) src(%dma_wait3A_106 : memref<10240x32xbf16, #tpu.memory_space<hbm>>) dst(%arg12 : memref<80x32xbf16, #tpu.memory_space<vmem>>)
      %ge3A = arith.constant 2 : i32
      %ge3A_107 = arith.cmpi sge, %add3A_94, %ge3A : i32
      %convert_element_type3A = arith.extui %ge3A_107 : i1 to i32
      %cond3A = arith.constant 0 : i32
      %cond3A_108 = arith.cmpi ne, %convert_element_type3A, %cond3A : i32
      scf.if %cond3A_108 {
        %sub3A = arith.constant 2 : i32
        %sub3A_179 = arith.subi %add3A_94, %sub3A : i32
        %dma_wait3A_180 = arith.constant 0 : i32
        %dma_wait3A_181 = tpu.memref_slice %arg9[%sub3A_179, %dma_wait3A_180] : memref<125x80xi32, #tpu.memory_space<vmem>> -> memref<1x80xi32, #tpu.memory_space<vmem>>
        %dma_wait3A_182 = tpu.memref_squeeze %dma_wait3A_181 : memref<1x80xi32, #tpu.memory_space<vmem>> -> memref<80xi32, #tpu.memory_space<vmem>>
        %dma_wait3A_183 = arith.constant 0 : i32
        %dma_wait3A_184 = arith.constant 0 : i32
        %dma_wait3A_185 = tpu.memref_slice %arg16[%dma_wait3A_183, %dma_wait3A_184] : memref<10240x48xf32, #tpu.memory_space<vmem_shared>> -> memref<10240x48xf32, #tpu.memory_space<vmem_shared>>
        tpu.wait_indirect_dma semaphore(%arg21 : memref<!tpu.dma_semaphore, #tpu.memory_space<semaphore_mem>>) src(%arg14 : memref<80x48xf32, #tpu.memory_space<vmem>>) dst(%dma_wait3A_185 : memref<10240x48xf32, #tpu.memory_space<vmem_shared>>)
      } else {
      }
      %iota3A_109 = tpu.iota {dimensions = array<i32: 0>} : vector<16xi32>
      %lt3A_110 = arith.constant 8 : i32
      %lt3A_111 = vector.broadcast %lt3A_110 : i32 to vector<16xi32>
      %lt3A_112 = arith.cmpi slt, %iota3A_109, %lt3A_111 : vector<16xi32>
      %scan3A_113 = arith.constant 0 : i32
      %scan3A_114 = arith.constant 0 : i32
      %scan3A_115 = arith.constant 80 : i32
      %scan3A_116 = arith.addi %scan3A_114, %scan3A_115 : i32
      %scan3A_117 = arith.constant 4 : i32
      %scan3A_118 = scf.for %scan3A_179 = %scan3A_114 to %scan3A_116 step %scan3A_117 iter_args(%scan3A_180 = %scan3A_113) -> (i32)  : i32 {
        %get3A = arith.index_cast %scan3A_179 : i32 to index
        %get3A_181 = arith.constant 32 : index
        %get3A_182 = tpu.vector_load %arg10[%get3A, %get3A_181] {strides = array<i32>} : memref<80x64xbf16, #tpu.memory_space<vmem>>, vector<32xbf16>,
        %unpack3A = tpu.unpack_subelements %get3A_182, 0 {pack_format = #tpu.pack_format<interleaved>} : vector<32xbf16> -> vector<16xf32>
        %unpack3A_183 = tpu.unpack_subelements %get3A_182, 1 {pack_format = #tpu.pack_format<interleaved>} : vector<32xbf16> -> vector<16xf32>
        %get3A_184 = arith.index_cast %scan3A_179 : i32 to index
        %get3A_185 = arith.constant 0 : index
        %get3A_186 = tpu.vector_load %arg12[%get3A_184, %get3A_185] {strides = array<i32>} : memref<80x32xbf16, #tpu.memory_space<vmem>>, vector<32xbf16>,
        %unpack3A_187 = tpu.unpack_subelements %get3A_186, 0 {pack_format = #tpu.pack_format<interleaved>} : vector<32xbf16> -> vector<16xf32>
        %unpack3A_188 = tpu.unpack_subelements %get3A_186, 1 {pack_format = #tpu.pack_format<interleaved>} : vector<32xbf16> -> vector<16xf32>
        %add3A_189 = arith.addf %unpack3A_183, %unpack3A_187 : vector<16xf32>
        %ge3A_190 = arith.constant 0.000000e+00 : f32
        %ge3A_191 = vector.broadcast %ge3A_190 : f32 to vector<16xf32>
        %ge3A_192 = arith.cmpf oge, %add3A_189, %ge3A_191 : vector<16xf32>
        %mul3A_193 = arith.constant 2.000000e-01 : f32
        %mul3A_194 = vector.broadcast %mul3A_193 : f32 to vector<16xf32>
        %mul3A_195 = arith.mulf %mul3A_194, %add3A_189 : vector<16xf32>
        %select_n3A = arith.select %ge3A_192, %add3A_189, %mul3A_195 : vector<16xi1>, vector<16xf32>
        %exp3A = math.exp %select_n3A : vector<16xf32>
        %get3A_196 = arith.index_cast %scan3A_179 : i32 to index
        %get3A_197 = arith.constant 0 : index
        %get3A_198 = tpu.vector_load %arg10[%get3A_196, %get3A_197] {strides = array<i32>} : memref<80x64xbf16, #tpu.memory_space<vmem>>, vector<32xbf16>,
        %unpack3A_199 = tpu.unpack_subelements %get3A_198, 0 {pack_format = #tpu.pack_format<interleaved>} : vector<32xbf16> -> vector<16xf32>
        %unpack3A_200 = tpu.unpack_subelements %get3A_198, 1 {pack_format = #tpu.pack_format<interleaved>} : vector<32xbf16> -> vector<16xf32>
        %mul3A_201 = arith.mulf %unpack3A_199, %exp3A : vector<16xf32>
        %swap3A = arith.index_cast %scan3A_179 : i32 to index
        %swap3A_202 = arith.constant 0 : index
        %swap3A_203 = tpu.vector_load %arg14[%swap3A, %swap3A_202] {strides = array<i32>} : memref<80x48xf32, #tpu.memory_space<vmem>>, vector<16xf32>,
        tpu.vector_store %arg14[%swap3A, %swap3A_202], %mul3A_201 {strides = array<i32>} : memref<80x48xf32, #tpu.memory_space<vmem>>, vector<16xf32>,
        %mul3A_204 = arith.mulf %unpack3A_200, %exp3A : vector<16xf32>
        %swap3A_205 = arith.index_cast %scan3A_179 : i32 to index
        %swap3A_206 = arith.constant 16 : index
        %swap3A_207 = tpu.vector_load %arg14[%swap3A_205, %swap3A_206] {strides = array<i32>} : memref<80x48xf32, #tpu.memory_space<vmem>>, vector<16xf32>,
        tpu.vector_store %arg14[%swap3A_205, %swap3A_206], %mul3A_204 {strides = array<i32>} : memref<80x48xf32, #tpu.memory_space<vmem>>, vector<16xf32>,
        %mul3A_208 = arith.mulf %unpack3A, %exp3A : vector<16xf32>
        %select_n3A_209 = arith.select %lt3A_112, %mul3A_208, %exp3A : vector<16xi1>, vector<16xf32>
        %swap3A_210 = arith.index_cast %scan3A_179 : i32 to index
        %swap3A_211 = arith.constant 32 : index
        %swap3A_212 = tpu.vector_load %arg14[%swap3A_210, %swap3A_211] {strides = array<i32>} : memref<80x48xf32, #tpu.memory_space<vmem>>, vector<16xf32>,
        tpu.vector_store %arg14[%swap3A_210, %swap3A_211], %select_n3A_209 {strides = array<i32>} : memref<80x48xf32, #tpu.memory_space<vmem>>, vector<16xf32>,
        %scan3A_213 = arith.constant 0 : i32
        %scan3A_214 = arith.constant 1 : i32
        %scan3A_215 = arith.addi %scan3A_179, %scan3A_214 : i32
        %get3A_216 = arith.index_cast %scan3A_215 : i32 to index
        %get3A_217 = arith.constant 32 : index
        %get3A_218 = tpu.vector_load %arg10[%get3A_216, %get3A_217] {strides = array<i32>} : memref<80x64xbf16, #tpu.memory_space<vmem>>, vector<32xbf16>,
        %unpack3A_219 = tpu.unpack_subelements %get3A_218, 0 {pack_format = #tpu.pack_format<interleaved>} : vector<32xbf16> -> vector<16xf32>
        %unpack3A_220 = tpu.unpack_subelements %get3A_218, 1 {pack_format = #tpu.pack_format<interleaved>} : vector<32xbf16> -> vector<16xf32>
        %get3A_221 = arith.index_cast %scan3A_215 : i32 to index
        %get3A_222 = arith.constant 0 : index
        %get3A_223 = tpu.vector_load %arg12[%get3A_221, %get3A_222] {strides = array<i32>} : memref<80x32xbf16, #tpu.memory_space<vmem>>, vector<32xbf16>,
        %unpack3A_224 = tpu.unpack_subelements %get3A_223, 0 {pack_format = #tpu.pack_format<interleaved>} : vector<32xbf16> -> vector<16xf32>
        %unpack3A_225 = tpu.unpack_subelements %get3A_223, 1 {pack_format = #tpu.pack_format<interleaved>} : vector<32xbf16> -> vector<16xf32>
        %add3A_226 = arith.addf %unpack3A_220, %unpack3A_224 : vector<16xf32>
        %ge3A_227 = arith.constant 0.000000e+00 : f32
        %ge3A_228 = vector.broadcast %ge3A_227 : f32 to vector<16xf32>
        %ge3A_229 = arith.cmpf oge, %add3A_226, %ge3A_228 : vector<16xf32>
        %mul3A_230 = arith.constant 2.000000e-01 : f32
        %mul3A_231 = vector.broadcast %mul3A_230 : f32 to vector<16xf32>
        %mul3A_232 = arith.mulf %mul3A_231, %add3A_226 : vector<16xf32>
        %select_n3A_233 = arith.select %ge3A_229, %add3A_226, %mul3A_232 : vector<16xi1>, vector<16xf32>
        %exp3A_234 = math.exp %select_n3A_233 : vector<16xf32>
        %get3A_235 = arith.index_cast %scan3A_215 : i32 to index
        %get3A_236 = arith.constant 0 : index
        %get3A_237 = tpu.vector_load %arg10[%get3A_235, %get3A_236] {strides = array<i32>} : memref<80x64xbf16, #tpu.memory_space<vmem>>, vector<32xbf16>,
        %unpack3A_238 = tpu.unpack_subelements %get3A_237, 0 {pack_format = #tpu.pack_format<interleaved>} : vector<32xbf16> -> vector<16xf32>
        %unpack3A_239 = tpu.unpack_subelements %get3A_237, 1 {pack_format = #tpu.pack_format<interleaved>} : vector<32xbf16> -> vector<16xf32>
        %mul3A_240 = arith.mulf %unpack3A_238, %exp3A_234 : vector<16xf32>
        %swap3A_241 = arith.index_cast %scan3A_215 : i32 to index
        %swap3A_242 = arith.constant 0 : index
        %swap3A_243 = tpu.vector_load %arg14[%swap3A_241, %swap3A_242] {strides = array<i32>} : memref<80x48xf32, #tpu.memory_space<vmem>>, vector<16xf32>,
        tpu.vector_store %arg14[%swap3A_241, %swap3A_242], %mul3A_240 {strides = array<i32>} : memref<80x48xf32, #tpu.memory_space<vmem>>, vector<16xf32>,
        %mul3A_244 = arith.mulf %unpack3A_239, %exp3A_234 : vector<16xf32>
        %swap3A_245 = arith.index_cast %scan3A_215 : i32 to index
        %swap3A_246 = arith.constant 16 : index
        %swap3A_247 = tpu.vector_load %arg14[%swap3A_245, %swap3A_246] {strides = array<i32>} : memref<80x48xf32, #tpu.memory_space<vmem>>, vector<16xf32>,
        tpu.vector_store %arg14[%swap3A_245, %swap3A_246], %mul3A_244 {strides = array<i32>} : memref<80x48xf32, #tpu.memory_space<vmem>>, vector<16xf32>,
        %mul3A_248 = arith.mulf %unpack3A_219, %exp3A_234 : vector<16xf32>
        %select_n3A_249 = arith.select %lt3A_112, %mul3A_248, %exp3A_234 : vector<16xi1>, vector<16xf32>
        %swap3A_250 = arith.index_cast %scan3A_215 : i32 to index
        %swap3A_251 = arith.constant 32 : index
        %swap3A_252 = tpu.vector_load %arg14[%swap3A_250, %swap3A_251] {strides = array<i32>} : memref<80x48xf32, #tpu.memory_space<vmem>>, vector<16xf32>,
        tpu.vector_store %arg14[%swap3A_250, %swap3A_251], %select_n3A_249 {strides = array<i32>} : memref<80x48xf32, #tpu.memory_space<vmem>>, vector<16xf32>,
        %scan3A_253 = arith.constant 0 : i32
        %scan3A_254 = arith.constant 2 : i32
        %scan3A_255 = arith.addi %scan3A_179, %scan3A_254 : i32
        %get3A_256 = arith.index_cast %scan3A_255 : i32 to index
        %get3A_257 = arith.constant 32 : index
        %get3A_258 = tpu.vector_load %arg10[%get3A_256, %get3A_257] {strides = array<i32>} : memref<80x64xbf16, #tpu.memory_space<vmem>>, vector<32xbf16>,
        %unpack3A_259 = tpu.unpack_subelements %get3A_258, 0 {pack_format = #tpu.pack_format<interleaved>} : vector<32xbf16> -> vector<16xf32>
        %unpack3A_260 = tpu.unpack_subelements %get3A_258, 1 {pack_format = #tpu.pack_format<interleaved>} : vector<32xbf16> -> vector<16xf32>
        %get3A_261 = arith.index_cast %scan3A_255 : i32 to index
        %get3A_262 = arith.constant 0 : index
        %get3A_263 = tpu.vector_load %arg12[%get3A_261, %get3A_262] {strides = array<i32>} : memref<80x32xbf16, #tpu.memory_space<vmem>>, vector<32xbf16>,
        %unpack3A_264 = tpu.unpack_subelements %get3A_263, 0 {pack_format = #tpu.pack_format<interleaved>} : vector<32xbf16> -> vector<16xf32>
        %unpack3A_265 = tpu.unpack_subelements %get3A_263, 1 {pack_format = #tpu.pack_format<interleaved>} : vector<32xbf16> -> vector<16xf32>
        %add3A_266 = arith.addf %unpack3A_260, %unpack3A_264 : vector<16xf32>
        %ge3A_267 = arith.constant 0.000000e+00 : f32
        %ge3A_268 = vector.broadcast %ge3A_267 : f32 to vector<16xf32>
        %ge3A_269 = arith.cmpf oge, %add3A_266, %ge3A_268 : vector<16xf32>
        %mul3A_270 = arith.constant 2.000000e-01 : f32
        %mul3A_271 = vector.broadcast %mul3A_270 : f32 to vector<16xf32>
        %mul3A_272 = arith.mulf %mul3A_271, %add3A_266 : vector<16xf32>
        %select_n3A_273 = arith.select %ge3A_269, %add3A_266, %mul3A_272 : vector<16xi1>, vector<16xf32>
        %exp3A_274 = math.exp %select_n3A_273 : vector<16xf32>
        %get3A_275 = arith.index_cast %scan3A_255 : i32 to index
        %get3A_276 = arith.constant 0 : index
        %get3A_277 = tpu.vector_load %arg10[%get3A_275, %get3A_276] {strides = array<i32>} : memref<80x64xbf16, #tpu.memory_space<vmem>>, vector<32xbf16>,
        %unpack3A_278 = tpu.unpack_subelements %get3A_277, 0 {pack_format = #tpu.pack_format<interleaved>} : vector<32xbf16> -> vector<16xf32>
        %unpack3A_279 = tpu.unpack_subelements %get3A_277, 1 {pack_format = #tpu.pack_format<interleaved>} : vector<32xbf16> -> vector<16xf32>
        %mul3A_280 = arith.mulf %unpack3A_278, %exp3A_274 : vector<16xf32>
        %swap3A_281 = arith.index_cast %scan3A_255 : i32 to index
        %swap3A_282 = arith.constant 0 : index
        %swap3A_283 = tpu.vector_load %arg14[%swap3A_281, %swap3A_282] {strides = array<i32>} : memref<80x48xf32, #tpu.memory_space<vmem>>, vector<16xf32>,
        tpu.vector_store %arg14[%swap3A_281, %swap3A_282], %mul3A_280 {strides = array<i32>} : memref<80x48xf32, #tpu.memory_space<vmem>>, vector<16xf32>,
        %mul3A_284 = arith.mulf %unpack3A_279, %exp3A_274 : vector<16xf32>
        %swap3A_285 = arith.index_cast %scan3A_255 : i32 to index
        %swap3A_286 = arith.constant 16 : index
        %swap3A_287 = tpu.vector_load %arg14[%swap3A_285, %swap3A_286] {strides = array<i32>} : memref<80x48xf32, #tpu.memory_space<vmem>>, vector<16xf32>,
        tpu.vector_store %arg14[%swap3A_285, %swap3A_286], %mul3A_284 {strides = array<i32>} : memref<80x48xf32, #tpu.memory_space<vmem>>, vector<16xf32>,
        %mul3A_288 = arith.mulf %unpack3A_259, %exp3A_274 : vector<16xf32>
        %select_n3A_289 = arith.select %lt3A_112, %mul3A_288, %exp3A_274 : vector<16xi1>, vector<16xf32>
        %swap3A_290 = arith.index_cast %scan3A_255 : i32 to index
        %swap3A_291 = arith.constant 32 : index
        %swap3A_292 = tpu.vector_load %arg14[%swap3A_290, %swap3A_291] {strides = array<i32>} : memref<80x48xf32, #tpu.memory_space<vmem>>, vector<16xf32>,
        tpu.vector_store %arg14[%swap3A_290, %swap3A_291], %select_n3A_289 {strides = array<i32>} : memref<80x48xf32, #tpu.memory_space<vmem>>, vector<16xf32>,
        %scan3A_293 = arith.constant 0 : i32
        %scan3A_294 = arith.constant 3 : i32
        %scan3A_295 = arith.addi %scan3A_179, %scan3A_294 : i32
        %get3A_296 = arith.index_cast %scan3A_295 : i32 to index
        %get3A_297 = arith.constant 32 : index
        %get3A_298 = tpu.vector_load %arg10[%get3A_296, %get3A_297] {strides = array<i32>} : memref<80x64xbf16, #tpu.memory_space<vmem>>, vector<32xbf16>,
        %unpack3A_299 = tpu.unpack_subelements %get3A_298, 0 {pack_format = #tpu.pack_format<interleaved>} : vector<32xbf16> -> vector<16xf32>
        %unpack3A_300 = tpu.unpack_subelements %get3A_298, 1 {pack_format = #tpu.pack_format<interleaved>} : vector<32xbf16> -> vector<16xf32>
        %get3A_301 = arith.index_cast %scan3A_295 : i32 to index
        %get3A_302 = arith.constant 0 : index
        %get3A_303 = tpu.vector_load %arg12[%get3A_301, %get3A_302] {strides = array<i32>} : memref<80x32xbf16, #tpu.memory_space<vmem>>, vector<32xbf16>,
        %unpack3A_304 = tpu.unpack_subelements %get3A_303, 0 {pack_format = #tpu.pack_format<interleaved>} : vector<32xbf16> -> vector<16xf32>
        %unpack3A_305 = tpu.unpack_subelements %get3A_303, 1 {pack_format = #tpu.pack_format<interleaved>} : vector<32xbf16> -> vector<16xf32>
        %add3A_306 = arith.addf %unpack3A_300, %unpack3A_304 : vector<16xf32>
        %ge3A_307 = arith.constant 0.000000e+00 : f32
        %ge3A_308 = vector.broadcast %ge3A_307 : f32 to vector<16xf32>
        %ge3A_309 = arith.cmpf oge, %add3A_306, %ge3A_308 : vector<16xf32>
        %mul3A_310 = arith.constant 2.000000e-01 : f32
        %mul3A_311 = vector.broadcast %mul3A_310 : f32 to vector<16xf32>
        %mul3A_312 = arith.mulf %mul3A_311, %add3A_306 : vector<16xf32>
        %select_n3A_313 = arith.select %ge3A_309, %add3A_306, %mul3A_312 : vector<16xi1>, vector<16xf32>
        %exp3A_314 = math.exp %select_n3A_313 : vector<16xf32>
        %get3A_315 = arith.index_cast %scan3A_295 : i32 to index
        %get3A_316 = arith.constant 0 : index
        %get3A_317 = tpu.vector_load %arg10[%get3A_315, %get3A_316] {strides = array<i32>} : memref<80x64xbf16, #tpu.memory_space<vmem>>, vector<32xbf16>,
        %unpack3A_318 = tpu.unpack_subelements %get3A_317, 0 {pack_format = #tpu.pack_format<interleaved>} : vector<32xbf16> -> vector<16xf32>
        %unpack3A_319 = tpu.unpack_subelements %get3A_317, 1 {pack_format = #tpu.pack_format<interleaved>} : vector<32xbf16> -> vector<16xf32>
        %mul3A_320 = arith.mulf %unpack3A_318, %exp3A_314 : vector<16xf32>
        %swap3A_321 = arith.index_cast %scan3A_295 : i32 to index
        %swap3A_322 = arith.constant 0 : index
        %swap3A_323 = tpu.vector_load %arg14[%swap3A_321, %swap3A_322] {strides = array<i32>} : memref<80x48xf32, #tpu.memory_space<vmem>>, vector<16xf32>,
        tpu.vector_store %arg14[%swap3A_321, %swap3A_322], %mul3A_320 {strides = array<i32>} : memref<80x48xf32, #tpu.memory_space<vmem>>, vector<16xf32>,
        %mul3A_324 = arith.mulf %unpack3A_319, %exp3A_314 : vector<16xf32>
        %swap3A_325 = arith.index_cast %scan3A_295 : i32 to index
        %swap3A_326 = arith.constant 16 : index
        %swap3A_327 = tpu.vector_load %arg14[%swap3A_325, %swap3A_326] {strides = array<i32>} : memref<80x48xf32, #tpu.memory_space<vmem>>, vector<16xf32>,
        tpu.vector_store %arg14[%swap3A_325, %swap3A_326], %mul3A_324 {strides = array<i32>} : memref<80x48xf32, #tpu.memory_space<vmem>>, vector<16xf32>,
        %mul3A_328 = arith.mulf %unpack3A_299, %exp3A_314 : vector<16xf32>
        %select_n3A_329 = arith.select %lt3A_112, %mul3A_328, %exp3A_314 : vector<16xi1>, vector<16xf32>
        %swap3A_330 = arith.index_cast %scan3A_295 : i32 to index
        %swap3A_331 = arith.constant 32 : index
        %swap3A_332 = tpu.vector_load %arg14[%swap3A_330, %swap3A_331] {strides = array<i32>} : memref<80x48xf32, #tpu.memory_space<vmem>>, vector<16xf32>,
        tpu.vector_store %arg14[%swap3A_330, %swap3A_331], %select_n3A_329 {strides = array<i32>} : memref<80x48xf32, #tpu.memory_space<vmem>>, vector<16xf32>,
        %scan3A_333 = arith.constant 0 : i32
        scf.yield %scan3A_333 : i32
      }
      %scan3A_119 = arith.constant 80 : i32
      %dma_start3A_120 = arith.constant 0 : i32
      %dma_start3A_121 = tpu.memref_slice %arg9[%add3A_94, %dma_start3A_120] : memref<125x80xi32, #tpu.memory_space<vmem>> -> memref<1x80xi32, #tpu.memory_space<vmem>>
      %dma_start3A_122 = tpu.memref_squeeze %dma_start3A_121 : memref<1x80xi32, #tpu.memory_space<vmem>> -> memref<80xi32, #tpu.memory_space<vmem>>
      %dma_start3A_123 = arith.constant 0 : i32
      %dma_start3A_124 = arith.constant 0 : i32
      %dma_start3A_125 = tpu.memref_slice %arg16[%dma_start3A_123, %dma_start3A_124] : memref<10240x48xf32, #tpu.memory_space<vmem_shared>> -> memref<10240x48xf32, #tpu.memory_space<vmem_shared>>
      tpu.enqueue_indirect_dma source(%arg14 : memref<80x48xf32, #tpu.memory_space<vmem>>) target(%dma_start3A_125 : memref<10240x48xf32, #tpu.memory_space<vmem_shared>>) offsets(%dma_start3A_122 : memref<80xi32, #tpu.memory_space<vmem>>) semaphore(%arg21 : memref<!tpu.dma_semaphore, #tpu.memory_space<semaphore_mem>>) {add = true}
      %add3A_126 = arith.constant 2 : i32
      %add3A_127 = arith.addi %add3A_94, %add3A_126 : i32
      %lt3A_128 = arith.constant 125 : i32
      %lt3A_129 = arith.cmpi slt, %add3A_127, %lt3A_128 : i32
      %convert_element_type3A_130 = arith.extui %lt3A_129 : i1 to i32
      %cond3A_131 = arith.constant 0 : i32
      %cond3A_132 = arith.cmpi ne, %convert_element_type3A_130, %cond3A_131 : i32
      scf.if %cond3A_132 {
        %add3A_179 = arith.constant 2 : i32
        %add3A_180 = arith.addi %add3A_94, %add3A_179 : i32
        %dma_start3A_181 = arith.constant 0 : i32
        %dma_start3A_182 = tpu.memref_slice %arg8[%add3A_180, %dma_start3A_181] : memref<125x80xi32, #tpu.memory_space<vmem>> -> memref<1x80xi32, #tpu.memory_space<vmem>>
        %dma_start3A_183 = tpu.memref_squeeze %dma_start3A_182 : memref<1x80xi32, #tpu.memory_space<vmem>> -> memref<80xi32, #tpu.memory_space<vmem>>
        %dma_start3A_184 = arith.constant 0 : i32
        %dma_start3A_185 = arith.constant 0 : i32
        %dma_start3A_186 = tpu.memref_slice %arg2[%dma_start3A_184, %dma_start3A_185] : memref<10240x64xbf16, #tpu.memory_space<hbm>> -> memref<10240x64xbf16, #tpu.memory_space<hbm>>
        tpu.enqueue_indirect_dma source(%dma_start3A_186 : memref<10240x64xbf16, #tpu.memory_space<hbm>>) target(%arg10 : memref<80x64xbf16, #tpu.memory_space<vmem>>) offsets(%dma_start3A_183 : memref<80xi32, #tpu.memory_space<vmem>>) semaphore(%arg17 : memref<!tpu.dma_semaphore, #tpu.memory_space<semaphore_mem>>)
        %dma_start3A_187 = arith.constant 0 : i32
        %dma_start3A_188 = tpu.memref_slice %arg9[%add3A_180, %dma_start3A_187] : memref<125x80xi32, #tpu.memory_space<vmem>> -> memref<1x80xi32, #tpu.memory_space<vmem>>
        %dma_start3A_189 = tpu.memref_squeeze %dma_start3A_188 : memref<1x80xi32, #tpu.memory_space<vmem>> -> memref<80xi32, #tpu.memory_space<vmem>>
        %dma_start3A_190 = arith.constant 0 : i32
        %dma_start3A_191 = arith.constant 0 : i32
        %dma_start3A_192 = tpu.memref_slice %arg3[%dma_start3A_190, %dma_start3A_191] : memref<10240x32xbf16, #tpu.memory_space<hbm>> -> memref<10240x32xbf16, #tpu.memory_space<hbm>>
        tpu.enqueue_indirect_dma source(%dma_start3A_192 : memref<10240x32xbf16, #tpu.memory_space<hbm>>) target(%arg12 : memref<80x32xbf16, #tpu.memory_space<vmem>>) offsets(%dma_start3A_189 : memref<80xi32, #tpu.memory_space<vmem>>) semaphore(%arg19 : memref<!tpu.dma_semaphore, #tpu.memory_space<semaphore_mem>>)
      } else {
      }
      %mul3A_133 = arith.constant 2 : i32
      %mul3A_134 = arith.muli %scan3A_89, %mul3A_133 : i32
      %add3A_135 = arith.constant 1 : i32
      %add3A_136 = arith.addi %mul3A_134, %add3A_135 : i32
      %dma_wait3A_137 = arith.constant 0 : i32
      %dma_wait3A_138 = tpu.memref_slice %arg8[%add3A_136, %dma_wait3A_137] : memref<125x80xi32, #tpu.memory_space<vmem>> -> memref<1x80xi32, #tpu.memory_space<vmem>>
      %dma_wait3A_139 = tpu.memref_squeeze %dma_wait3A_138 : memref<1x80xi32, #tpu.memory_space<vmem>> -> memref<80xi32, #tpu.memory_space<vmem>>
      %dma_wait3A_140 = arith.constant 0 : i32
      %dma_wait3A_141 = arith.constant 0 : i32
      %dma_wait3A_142 = tpu.memref_slice %arg2[%dma_wait3A_140, %dma_wait3A_141] : memref<10240x64xbf16, #tpu.memory_space<hbm>> -> memref<10240x64xbf16, #tpu.memory_space<hbm>>
      tpu.wait_indirect_dma semaphore(%arg18 : memref<!tpu.dma_semaphore, #tpu.memory_space<semaphore_mem>>) src(%dma_wait3A_142 : memref<10240x64xbf16, #tpu.memory_space<hbm>>) dst(%arg11 : memref<80x64xbf16, #tpu.memory_space<vmem>>)
      %dma_wait3A_143 = arith.constant 0 : i32
      %dma_wait3A_144 = tpu.memref_slice %arg9[%add3A_136, %dma_wait3A_143] : memref<125x80xi32, #tpu.memory_space<vmem>> -> memref<1x80xi32, #tpu.memory_space<vmem>>
      %dma_wait3A_145 = tpu.memref_squeeze %dma_wait3A_144 : memref<1x80xi32, #tpu.memory_space<vmem>> -> memref<80xi32, #tpu.memory_space<vmem>>
      %dma_wait3A_146 = arith.constant 0 : i32
      %dma_wait3A_147 = arith.constant 0 : i32
      %dma_wait3A_148 = tpu.memref_slice %arg3[%dma_wait3A_146, %dma_wait3A_147] : memref<10240x32xbf16, #tpu.memory_space<hbm>> -> memref<10240x32xbf16, #tpu.memory_space<hbm>>
      tpu.wait_indirect_dma semaphore(%arg20 : memref<!tpu.dma_semaphore, #tpu.memory_space<semaphore_mem>>) src(%dma_wait3A_148 : memref<10240x32xbf16, #tpu.memory_space<hbm>>) dst(%arg13 : memref<80x32xbf16, #tpu.memory_space<vmem>>)
      %ge3A_149 = arith.constant 2 : i32
      %ge3A_150 = arith.cmpi sge, %add3A_136, %ge3A_149 : i32
      %convert_element_type3A_151 = arith.extui %ge3A_150 : i1 to i32
      %cond3A_152 = arith.constant 0 : i32
      %cond3A_153 = arith.cmpi ne, %convert_element_type3A_151, %cond3A_152 : i32
      scf.if %cond3A_153 {
        %sub3A = arith.constant 2 : i32
        %sub3A_179 = arith.subi %add3A_136, %sub3A : i32
        %dma_wait3A_180 = arith.constant 0 : i32
        %dma_wait3A_181 = tpu.memref_slice %arg9[%sub3A_179, %dma_wait3A_180] : memref<125x80xi32, #tpu.memory_space<vmem>> -> memref<1x80xi32, #tpu.memory_space<vmem>>
        %dma_wait3A_182 = tpu.memref_squeeze %dma_wait3A_181 : memref<1x80xi32, #tpu.memory_space<vmem>> -> memref<80xi32, #tpu.memory_space<vmem>>
        %dma_wait3A_183 = arith.constant 0 : i32
        %dma_wait3A_184 = arith.constant 0 : i32
        %dma_wait3A_185 = tpu.memref_slice %arg16[%dma_wait3A_183, %dma_wait3A_184] : memref<10240x48xf32, #tpu.memory_space<vmem_shared>> -> memref<10240x48xf32, #tpu.memory_space<vmem_shared>>
        tpu.wait_indirect_dma semaphore(%arg22 : memref<!tpu.dma_semaphore, #tpu.memory_space<semaphore_mem>>) src(%arg15 : memref<80x48xf32, #tpu.memory_space<vmem>>) dst(%dma_wait3A_185 : memref<10240x48xf32, #tpu.memory_space<vmem_shared>>)
      } else {
      }
      %iota3A_154 = tpu.iota {dimensions = array<i32: 0>} : vector<16xi32>
      %lt3A_155 = arith.constant 8 : i32
      %lt3A_156 = vector.broadcast %lt3A_155 : i32 to vector<16xi32>
      %lt3A_157 = arith.cmpi slt, %iota3A_154, %lt3A_156 : vector<16xi32>
      %scan3A_158 = arith.constant 0 : i32
      %scan3A_159 = arith.constant 0 : i32
      %scan3A_160 = arith.constant 80 : i32
      %scan3A_161 = arith.addi %scan3A_159, %scan3A_160 : i32
      %scan3A_162 = arith.constant 4 : i32
      %scan3A_163 = scf.for %scan3A_179 = %scan3A_159 to %scan3A_161 step %scan3A_162 iter_args(%scan3A_180 = %scan3A_158) -> (i32)  : i32 {
        %get3A = arith.index_cast %scan3A_179 : i32 to index
        %get3A_181 = arith.constant 32 : index
        %get3A_182 = tpu.vector_load %arg11[%get3A, %get3A_181] {strides = array<i32>} : memref<80x64xbf16, #tpu.memory_space<vmem>>, vector<32xbf16>,
        %unpack3A = tpu.unpack_subelements %get3A_182, 0 {pack_format = #tpu.pack_format<interleaved>} : vector<32xbf16> -> vector<16xf32>
        %unpack3A_183 = tpu.unpack_subelements %get3A_182, 1 {pack_format = #tpu.pack_format<interleaved>} : vector<32xbf16> -> vector<16xf32>
        %get3A_184 = arith.index_cast %scan3A_179 : i32 to index
        %get3A_185 = arith.constant 0 : index
        %get3A_186 = tpu.vector_load %arg13[%get3A_184, %get3A_185] {strides = array<i32>} : memref<80x32xbf16, #tpu.memory_space<vmem>>, vector<32xbf16>,
        %unpack3A_187 = tpu.unpack_subelements %get3A_186, 0 {pack_format = #tpu.pack_format<interleaved>} : vector<32xbf16> -> vector<16xf32>
        %unpack3A_188 = tpu.unpack_subelements %get3A_186, 1 {pack_format = #tpu.pack_format<interleaved>} : vector<32xbf16> -> vector<16xf32>
        %add3A_189 = arith.addf %unpack3A_183, %unpack3A_187 : vector<16xf32>
        %ge3A_190 = arith.constant 0.000000e+00 : f32
        %ge3A_191 = vector.broadcast %ge3A_190 : f32 to vector<16xf32>
        %ge3A_192 = arith.cmpf oge, %add3A_189, %ge3A_191 : vector<16xf32>
        %mul3A_193 = arith.constant 2.000000e-01 : f32
        %mul3A_194 = vector.broadcast %mul3A_193 : f32 to vector<16xf32>
        %mul3A_195 = arith.mulf %mul3A_194, %add3A_189 : vector<16xf32>
        %select_n3A = arith.select %ge3A_192, %add3A_189, %mul3A_195 : vector<16xi1>, vector<16xf32>
        %exp3A = math.exp %select_n3A : vector<16xf32>
        %get3A_196 = arith.index_cast %scan3A_179 : i32 to index
        %get3A_197 = arith.constant 0 : index
        %get3A_198 = tpu.vector_load %arg11[%get3A_196, %get3A_197] {strides = array<i32>} : memref<80x64xbf16, #tpu.memory_space<vmem>>, vector<32xbf16>,
        %unpack3A_199 = tpu.unpack_subelements %get3A_198, 0 {pack_format = #tpu.pack_format<interleaved>} : vector<32xbf16> -> vector<16xf32>
        %unpack3A_200 = tpu.unpack_subelements %get3A_198, 1 {pack_format = #tpu.pack_format<interleaved>} : vector<32xbf16> -> vector<16xf32>
        %mul3A_201 = arith.mulf %unpack3A_199, %exp3A : vector<16xf32>
        %swap3A = arith.index_cast %scan3A_179 : i32 to index
        %swap3A_202 = arith.constant 0 : index
        %swap3A_203 = tpu.vector_load %arg15[%swap3A, %swap3A_202] {strides = array<i32>} : memref<80x48xf32, #tpu.memory_space<vmem>>, vector<16xf32>,
        tpu.vector_store %arg15[%swap3A, %swap3A_202], %mul3A_201 {strides = array<i32>} : memref<80x48xf32, #tpu.memory_space<vmem>>, vector<16xf32>,
        %mul3A_204 = arith.mulf %unpack3A_200, %exp3A : vector<16xf32>
        %swap3A_205 = arith.index_cast %scan3A_179 : i32 to index
        %swap3A_206 = arith.constant 16 : index
        %swap3A_207 = tpu.vector_load %arg15[%swap3A_205, %swap3A_206] {strides = array<i32>} : memref<80x48xf32, #tpu.memory_space<vmem>>, vector<16xf32>,
        tpu.vector_store %arg15[%swap3A_205, %swap3A_206], %mul3A_204 {strides = array<i32>} : memref<80x48xf32, #tpu.memory_space<vmem>>, vector<16xf32>,
        %mul3A_208 = arith.mulf %unpack3A, %exp3A : vector<16xf32>
        %select_n3A_209 = arith.select %lt3A_157, %mul3A_208, %exp3A : vector<16xi1>, vector<16xf32>
        %swap3A_210 = arith.index_cast %scan3A_179 : i32 to index
        %swap3A_211 = arith.constant 32 : index
        %swap3A_212 = tpu.vector_load %arg15[%swap3A_210, %swap3A_211] {strides = array<i32>} : memref<80x48xf32, #tpu.memory_space<vmem>>, vector<16xf32>,
        tpu.vector_store %arg15[%swap3A_210, %swap3A_211], %select_n3A_209 {strides = array<i32>} : memref<80x48xf32, #tpu.memory_space<vmem>>, vector<16xf32>,
        %scan3A_213 = arith.constant 0 : i32
        %scan3A_214 = arith.constant 1 : i32
        %scan3A_215 = arith.addi %scan3A_179, %scan3A_214 : i32
        %get3A_216 = arith.index_cast %scan3A_215 : i32 to index
        %get3A_217 = arith.constant 32 : index
        %get3A_218 = tpu.vector_load %arg11[%get3A_216, %get3A_217] {strides = array<i32>} : memref<80x64xbf16, #tpu.memory_space<vmem>>, vector<32xbf16>,
        %unpack3A_219 = tpu.unpack_subelements %get3A_218, 0 {pack_format = #tpu.pack_format<interleaved>} : vector<32xbf16> -> vector<16xf32>
        %unpack3A_220 = tpu.unpack_subelements %get3A_218, 1 {pack_format = #tpu.pack_format<interleaved>} : vector<32xbf16> -> vector<16xf32>
        %get3A_221 = arith.index_cast %scan3A_215 : i32 to index
        %get3A_222 = arith.constant 0 : index
        %get3A_223 = tpu.vector_load %arg13[%get3A_221, %get3A_222] {strides = array<i32>} : memref<80x32xbf16, #tpu.memory_space<vmem>>, vector<32xbf16>,
        %unpack3A_224 = tpu.unpack_subelements %get3A_223, 0 {pack_format = #tpu.pack_format<interleaved>} : vector<32xbf16> -> vector<16xf32>
        %unpack3A_225 = tpu.unpack_subelements %get3A_223, 1 {pack_format = #tpu.pack_format<interleaved>} : vector<32xbf16> -> vector<16xf32>
        %add3A_226 = arith.addf %unpack3A_220, %unpack3A_224 : vector<16xf32>
        %ge3A_227 = arith.constant 0.000000e+00 : f32
        %ge3A_228 = vector.broadcast %ge3A_227 : f32 to vector<16xf32>
        %ge3A_229 = arith.cmpf oge, %add3A_226, %ge3A_228 : vector<16xf32>
        %mul3A_230 = arith.constant 2.000000e-01 : f32
        %mul3A_231 = vector.broadcast %mul3A_230 : f32 to vector<16xf32>
        %mul3A_232 = arith.mulf %mul3A_231, %add3A_226 : vector<16xf32>
        %select_n3A_233 = arith.select %ge3A_229, %add3A_226, %mul3A_232 : vector<16xi1>, vector<16xf32>
        %exp3A_234 = math.exp %select_n3A_233 : vector<16xf32>
        %get3A_235 = arith.index_cast %scan3A_215 : i32 to index
        %get3A_236 = arith.constant 0 : index
        %get3A_237 = tpu.vector_load %arg11[%get3A_235, %get3A_236] {strides = array<i32>} : memref<80x64xbf16, #tpu.memory_space<vmem>>, vector<32xbf16>,
        %unpack3A_238 = tpu.unpack_subelements %get3A_237, 0 {pack_format = #tpu.pack_format<interleaved>} : vector<32xbf16> -> vector<16xf32>
        %unpack3A_239 = tpu.unpack_subelements %get3A_237, 1 {pack_format = #tpu.pack_format<interleaved>} : vector<32xbf16> -> vector<16xf32>
        %mul3A_240 = arith.mulf %unpack3A_238, %exp3A_234 : vector<16xf32>
        %swap3A_241 = arith.index_cast %scan3A_215 : i32 to index
        %swap3A_242 = arith.constant 0 : index
        %swap3A_243 = tpu.vector_load %arg15[%swap3A_241, %swap3A_242] {strides = array<i32>} : memref<80x48xf32, #tpu.memory_space<vmem>>, vector<16xf32>,
        tpu.vector_store %arg15[%swap3A_241, %swap3A_242], %mul3A_240 {strides = array<i32>} : memref<80x48xf32, #tpu.memory_space<vmem>>, vector<16xf32>,
        %mul3A_244 = arith.mulf %unpack3A_239, %exp3A_234 : vector<16xf32>
        %swap3A_245 = arith.index_cast %scan3A_215 : i32 to index
        %swap3A_246 = arith.constant 16 : index
        %swap3A_247 = tpu.vector_load %arg15[%swap3A_245, %swap3A_246] {strides = array<i32>} : memref<80x48xf32, #tpu.memory_space<vmem>>, vector<16xf32>,
        tpu.vector_store %arg15[%swap3A_245, %swap3A_246], %mul3A_244 {strides = array<i32>} : memref<80x48xf32, #tpu.memory_space<vmem>>, vector<16xf32>,
        %mul3A_248 = arith.mulf %unpack3A_219, %exp3A_234 : vector<16xf32>
        %select_n3A_249 = arith.select %lt3A_157, %mul3A_248, %exp3A_234 : vector<16xi1>, vector<16xf32>
        %swap3A_250 = arith.index_cast %scan3A_215 : i32 to index
        %swap3A_251 = arith.constant 32 : index
        %swap3A_252 = tpu.vector_load %arg15[%swap3A_250, %swap3A_251] {strides = array<i32>} : memref<80x48xf32, #tpu.memory_space<vmem>>, vector<16xf32>,
        tpu.vector_store %arg15[%swap3A_250, %swap3A_251], %select_n3A_249 {strides = array<i32>} : memref<80x48xf32, #tpu.memory_space<vmem>>, vector<16xf32>,
        %scan3A_253 = arith.constant 0 : i32
        %scan3A_254 = arith.constant 2 : i32
        %scan3A_255 = arith.addi %scan3A_179, %scan3A_254 : i32
        %get3A_256 = arith.index_cast %scan3A_255 : i32 to index
        %get3A_257 = arith.constant 32 : index
        %get3A_258 = tpu.vector_load %arg11[%get3A_256, %get3A_257] {strides = array<i32>} : memref<80x64xbf16, #tpu.memory_space<vmem>>, vector<32xbf16>,
        %unpack3A_259 = tpu.unpack_subelements %get3A_258, 0 {pack_format = #tpu.pack_format<interleaved>} : vector<32xbf16> -> vector<16xf32>
        %unpack3A_260 = tpu.unpack_subelements %get3A_258, 1 {pack_format = #tpu.pack_format<interleaved>} : vector<32xbf16> -> vector<16xf32>
        %get3A_261 = arith.index_cast %scan3A_255 : i32 to index
        %get3A_262 = arith.constant 0 : index
        %get3A_263 = tpu.vector_load %arg13[%get3A_261, %get3A_262] {strides = array<i32>} : memref<80x32xbf16, #tpu.memory_space<vmem>>, vector<32xbf16>,
        %unpack3A_264 = tpu.unpack_subelements %get3A_263, 0 {pack_format = #tpu.pack_format<interleaved>} : vector<32xbf16> -> vector<16xf32>
        %unpack3A_265 = tpu.unpack_subelements %get3A_263, 1 {pack_format = #tpu.pack_format<interleaved>} : vector<32xbf16> -> vector<16xf32>
        %add3A_266 = arith.addf %unpack3A_260, %unpack3A_264 : vector<16xf32>
        %ge3A_267 = arith.constant 0.000000e+00 : f32
        %ge3A_268 = vector.broadcast %ge3A_267 : f32 to vector<16xf32>
        %ge3A_269 = arith.cmpf oge, %add3A_266, %ge3A_268 : vector<16xf32>
        %mul3A_270 = arith.constant 2.000000e-01 : f32
        %mul3A_271 = vector.broadcast %mul3A_270 : f32 to vector<16xf32>
        %mul3A_272 = arith.mulf %mul3A_271, %add3A_266 : vector<16xf32>
        %select_n3A_273 = arith.select %ge3A_269, %add3A_266, %mul3A_272 : vector<16xi1>, vector<16xf32>
        %exp3A_274 = math.exp %select_n3A_273 : vector<16xf32>
        %get3A_275 = arith.index_cast %scan3A_255 : i32 to index
        %get3A_276 = arith.constant 0 : index
        %get3A_277 = tpu.vector_load %arg11[%get3A_275, %get3A_276] {strides = array<i32>} : memref<80x64xbf16, #tpu.memory_space<vmem>>, vector<32xbf16>,
        %unpack3A_278 = tpu.unpack_subelements %get3A_277, 0 {pack_format = #tpu.pack_format<interleaved>} : vector<32xbf16> -> vector<16xf32>
        %unpack3A_279 = tpu.unpack_subelements %get3A_277, 1 {pack_format = #tpu.pack_format<interleaved>} : vector<32xbf16> -> vector<16xf32>
        %mul3A_280 = arith.mulf %unpack3A_278, %exp3A_274 : vector<16xf32>
        %swap3A_281 = arith.index_cast %scan3A_255 : i32 to index
        %swap3A_282 = arith.constant 0 : index
        %swap3A_283 = tpu.vector_load %arg15[%swap3A_281, %swap3A_282] {strides = array<i32>} : memref<80x48xf32, #tpu.memory_space<vmem>>, vector<16xf32>,
        tpu.vector_store %arg15[%swap3A_281, %swap3A_282], %mul3A_280 {strides = array<i32>} : memref<80x48xf32, #tpu.memory_space<vmem>>, vector<16xf32>,
        %mul3A_284 = arith.mulf %unpack3A_279, %exp3A_274 : vector<16xf32>
        %swap3A_285 = arith.index_cast %scan3A_255 : i32 to index
        %swap3A_286 = arith.constant 16 : index
        %swap3A_287 = tpu.vector_load %arg15[%swap3A_285, %swap3A_286] {strides = array<i32>} : memref<80x48xf32, #tpu.memory_space<vmem>>, vector<16xf32>,
        tpu.vector_store %arg15[%swap3A_285, %swap3A_286], %mul3A_284 {strides = array<i32>} : memref<80x48xf32, #tpu.memory_space<vmem>>, vector<16xf32>,
        %mul3A_288 = arith.mulf %unpack3A_259, %exp3A_274 : vector<16xf32>
        %select_n3A_289 = arith.select %lt3A_157, %mul3A_288, %exp3A_274 : vector<16xi1>, vector<16xf32>
        %swap3A_290 = arith.index_cast %scan3A_255 : i32 to index
        %swap3A_291 = arith.constant 32 : index
        %swap3A_292 = tpu.vector_load %arg15[%swap3A_290, %swap3A_291] {strides = array<i32>} : memref<80x48xf32, #tpu.memory_space<vmem>>, vector<16xf32>,
        tpu.vector_store %arg15[%swap3A_290, %swap3A_291], %select_n3A_289 {strides = array<i32>} : memref<80x48xf32, #tpu.memory_space<vmem>>, vector<16xf32>,
        %scan3A_293 = arith.constant 0 : i32
        %scan3A_294 = arith.constant 3 : i32
        %scan3A_295 = arith.addi %scan3A_179, %scan3A_294 : i32
        %get3A_296 = arith.index_cast %scan3A_295 : i32 to index
        %get3A_297 = arith.constant 32 : index
        %get3A_298 = tpu.vector_load %arg11[%get3A_296, %get3A_297] {strides = array<i32>} : memref<80x64xbf16, #tpu.memory_space<vmem>>, vector<32xbf16>,
        %unpack3A_299 = tpu.unpack_subelements %get3A_298, 0 {pack_format = #tpu.pack_format<interleaved>} : vector<32xbf16> -> vector<16xf32>
        %unpack3A_300 = tpu.unpack_subelements %get3A_298, 1 {pack_format = #tpu.pack_format<interleaved>} : vector<32xbf16> -> vector<16xf32>
        %get3A_301 = arith.index_cast %scan3A_295 : i32 to index
        %get3A_302 = arith.constant 0 : index
        %get3A_303 = tpu.vector_load %arg13[%get3A_301, %get3A_302] {strides = array<i32>} : memref<80x32xbf16, #tpu.memory_space<vmem>>, vector<32xbf16>,
        %unpack3A_304 = tpu.unpack_subelements %get3A_303, 0 {pack_format = #tpu.pack_format<interleaved>} : vector<32xbf16> -> vector<16xf32>
        %unpack3A_305 = tpu.unpack_subelements %get3A_303, 1 {pack_format = #tpu.pack_format<interleaved>} : vector<32xbf16> -> vector<16xf32>
        %add3A_306 = arith.addf %unpack3A_300, %unpack3A_304 : vector<16xf32>
        %ge3A_307 = arith.constant 0.000000e+00 : f32
        %ge3A_308 = vector.broadcast %ge3A_307 : f32 to vector<16xf32>
        %ge3A_309 = arith.cmpf oge, %add3A_306, %ge3A_308 : vector<16xf32>
        %mul3A_310 = arith.constant 2.000000e-01 : f32
        %mul3A_311 = vector.broadcast %mul3A_310 : f32 to vector<16xf32>
        %mul3A_312 = arith.mulf %mul3A_311, %add3A_306 : vector<16xf32>
        %select_n3A_313 = arith.select %ge3A_309, %add3A_306, %mul3A_312 : vector<16xi1>, vector<16xf32>
        %exp3A_314 = math.exp %select_n3A_313 : vector<16xf32>
        %get3A_315 = arith.index_cast %scan3A_295 : i32 to index
        %get3A_316 = arith.constant 0 : index
        %get3A_317 = tpu.vector_load %arg11[%get3A_315, %get3A_316] {strides = array<i32>} : memref<80x64xbf16, #tpu.memory_space<vmem>>, vector<32xbf16>,
        %unpack3A_318 = tpu.unpack_subelements %get3A_317, 0 {pack_format = #tpu.pack_format<interleaved>} : vector<32xbf16> -> vector<16xf32>
        %unpack3A_319 = tpu.unpack_subelements %get3A_317, 1 {pack_format = #tpu.pack_format<interleaved>} : vector<32xbf16> -> vector<16xf32>
        %mul3A_320 = arith.mulf %unpack3A_318, %exp3A_314 : vector<16xf32>
        %swap3A_321 = arith.index_cast %scan3A_295 : i32 to index
        %swap3A_322 = arith.constant 0 : index
        %swap3A_323 = tpu.vector_load %arg15[%swap3A_321, %swap3A_322] {strides = array<i32>} : memref<80x48xf32, #tpu.memory_space<vmem>>, vector<16xf32>,
        tpu.vector_store %arg15[%swap3A_321, %swap3A_322], %mul3A_320 {strides = array<i32>} : memref<80x48xf32, #tpu.memory_space<vmem>>, vector<16xf32>,
        %mul3A_324 = arith.mulf %unpack3A_319, %exp3A_314 : vector<16xf32>
        %swap3A_325 = arith.index_cast %scan3A_295 : i32 to index
        %swap3A_326 = arith.constant 16 : index
        %swap3A_327 = tpu.vector_load %arg15[%swap3A_325, %swap3A_326] {strides = array<i32>} : memref<80x48xf32, #tpu.memory_space<vmem>>, vector<16xf32>,
        tpu.vector_store %arg15[%swap3A_325, %swap3A_326], %mul3A_324 {strides = array<i32>} : memref<80x48xf32, #tpu.memory_space<vmem>>, vector<16xf32>,
        %mul3A_328 = arith.mulf %unpack3A_299, %exp3A_314 : vector<16xf32>
        %select_n3A_329 = arith.select %lt3A_157, %mul3A_328, %exp3A_314 : vector<16xi1>, vector<16xf32>
        %swap3A_330 = arith.index_cast %scan3A_295 : i32 to index
        %swap3A_331 = arith.constant 32 : index
        %swap3A_332 = tpu.vector_load %arg15[%swap3A_330, %swap3A_331] {strides = array<i32>} : memref<80x48xf32, #tpu.memory_space<vmem>>, vector<16xf32>,
        tpu.vector_store %arg15[%swap3A_330, %swap3A_331], %select_n3A_329 {strides = array<i32>} : memref<80x48xf32, #tpu.memory_space<vmem>>, vector<16xf32>,
        %scan3A_333 = arith.constant 0 : i32
        scf.yield %scan3A_333 : i32
      }
      %scan3A_164 = arith.constant 80 : i32
      %dma_start3A_165 = arith.constant 0 : i32
      %dma_start3A_166 = tpu.memref_slice %arg9[%add3A_136, %dma_start3A_165] : memref<125x80xi32, #tpu.memory_space<vmem>> -> memref<1x80xi32, #tpu.memory_space<vmem>>
      %dma_start3A_167 = tpu.memref_squeeze %dma_start3A_166 : memref<1x80xi32, #tpu.memory_space<vmem>> -> memref<80xi32, #tpu.memory_space<vmem>>
      %dma_start3A_168 = arith.constant 0 : i32
      %dma_start3A_169 = arith.constant 0 : i32
      %dma_start3A_170 = tpu.memref_slice %arg16[%dma_start3A_168, %dma_start3A_169] : memref<10240x48xf32, #tpu.memory_space<vmem_shared>> -> memref<10240x48xf32, #tpu.memory_space<vmem_shared>>
      tpu.enqueue_indirect_dma source(%arg15 : memref<80x48xf32, #tpu.memory_space<vmem>>) target(%dma_start3A_170 : memref<10240x48xf32, #tpu.memory_space<vmem_shared>>) offsets(%dma_start3A_167 : memref<80xi32, #tpu.memory_space<vmem>>) semaphore(%arg22 : memref<!tpu.dma_semaphore, #tpu.memory_space<semaphore_mem>>) {add = true}
      %add3A_171 = arith.constant 2 : i32
      %add3A_172 = arith.addi %add3A_136, %add3A_171 : i32
      %lt3A_173 = arith.constant 125 : i32
      %lt3A_174 = arith.cmpi slt, %add3A_172, %lt3A_173 : i32
      %convert_element_type3A_175 = arith.extui %lt3A_174 : i1 to i32
      %cond3A_176 = arith.constant 0 : i32
      %cond3A_177 = arith.cmpi ne, %convert_element_type3A_175, %cond3A_176 : i32
      scf.if %cond3A_177 {
        %add3A_179 = arith.constant 2 : i32
        %add3A_180 = arith.addi %add3A_136, %add3A_179 : i32
        %dma_start3A_181 = arith.constant 0 : i32
        %dma_start3A_182 = tpu.memref_slice %arg8[%add3A_180, %dma_start3A_181] : memref<125x80xi32, #tpu.memory_space<vmem>> -> memref<1x80xi32, #tpu.memory_space<vmem>>
        %dma_start3A_183 = tpu.memref_squeeze %dma_start3A_182 : memref<1x80xi32, #tpu.memory_space<vmem>> -> memref<80xi32, #tpu.memory_space<vmem>>
        %dma_start3A_184 = arith.constant 0 : i32
        %dma_start3A_185 = arith.constant 0 : i32
        %dma_start3A_186 = tpu.memref_slice %arg2[%dma_start3A_184, %dma_start3A_185] : memref<10240x64xbf16, #tpu.memory_space<hbm>> -> memref<10240x64xbf16, #tpu.memory_space<hbm>>
        tpu.enqueue_indirect_dma source(%dma_start3A_186 : memref<10240x64xbf16, #tpu.memory_space<hbm>>) target(%arg11 : memref<80x64xbf16, #tpu.memory_space<vmem>>) offsets(%dma_start3A_183 : memref<80xi32, #tpu.memory_space<vmem>>) semaphore(%arg18 : memref<!tpu.dma_semaphore, #tpu.memory_space<semaphore_mem>>)
        %dma_start3A_187 = arith.constant 0 : i32
        %dma_start3A_188 = tpu.memref_slice %arg9[%add3A_180, %dma_start3A_187] : memref<125x80xi32, #tpu.memory_space<vmem>> -> memref<1x80xi32, #tpu.memory_space<vmem>>
        %dma_start3A_189 = tpu.memref_squeeze %dma_start3A_188 : memref<1x80xi32, #tpu.memory_space<vmem>> -> memref<80xi32, #tpu.memory_space<vmem>>
        %dma_start3A_190 = arith.constant 0 : i32
        %dma_start3A_191 = arith.constant 0 : i32
        %dma_start3A_192 = tpu.memref_slice %arg3[%dma_start3A_190, %dma_start3A_191] : memref<10240x32xbf16, #tpu.memory_space<hbm>> -> memref<10240x32xbf16, #tpu.memory_space<hbm>>
        tpu.enqueue_indirect_dma source(%dma_start3A_192 : memref<10240x32xbf16, #tpu.memory_space<hbm>>) target(%arg13 : memref<80x32xbf16, #tpu.memory_space<vmem>>) offsets(%dma_start3A_189 : memref<80xi32, #tpu.memory_space<vmem>>) semaphore(%arg20 : memref<!tpu.dma_semaphore, #tpu.memory_space<semaphore_mem>>)
      } else {
      }
      %scan3A_178 = arith.constant 0 : i32
      scf.yield %scan3A_178 : i32
    }
    %scan3A_37 = arith.constant 62 : i32
    %dma_wait3A = arith.constant 124 : i32
    %dma_wait3A_38 = arith.constant 0 : i32
    %dma_wait3A_39 = tpu.memref_slice %arg8[%dma_wait3A, %dma_wait3A_38] : memref<125x80xi32, #tpu.memory_space<vmem>> -> memref<1x80xi32, #tpu.memory_space<vmem>>
    %dma_wait3A_40 = tpu.memref_squeeze %dma_wait3A_39 : memref<1x80xi32, #tpu.memory_space<vmem>> -> memref<80xi32, #tpu.memory_space<vmem>>
    %dma_wait3A_41 = arith.constant 0 : i32
    %dma_wait3A_42 = arith.constant 0 : i32
    %dma_wait3A_43 = tpu.memref_slice %arg2[%dma_wait3A_41, %dma_wait3A_42] : memref<10240x64xbf16, #tpu.memory_space<hbm>> -> memref<10240x64xbf16, #tpu.memory_space<hbm>>
    tpu.wait_indirect_dma semaphore(%arg17 : memref<!tpu.dma_semaphore, #tpu.memory_space<semaphore_mem>>) src(%dma_wait3A_43 : memref<10240x64xbf16, #tpu.memory_space<hbm>>) dst(%arg10 : memref<80x64xbf16, #tpu.memory_space<vmem>>)
    %dma_wait3A_44 = arith.constant 124 : i32
    %dma_wait3A_45 = arith.constant 0 : i32
    %dma_wait3A_46 = tpu.memref_slice %arg9[%dma_wait3A_44, %dma_wait3A_45] : memref<125x80xi32, #tpu.memory_space<vmem>> -> memref<1x80xi32, #tpu.memory_space<vmem>>
    %dma_wait3A_47 = tpu.memref_squeeze %dma_wait3A_46 : memref<1x80xi32, #tpu.memory_space<vmem>> -> memref<80xi32, #tpu.memory_space<vmem>>
    %dma_wait3A_48 = arith.constant 0 : i32
    %dma_wait3A_49 = arith.constant 0 : i32
    %dma_wait3A_50 = tpu.memref_slice %arg3[%dma_wait3A_48, %dma_wait3A_49] : memref<10240x32xbf16, #tpu.memory_space<hbm>> -> memref<10240x32xbf16, #tpu.memory_space<hbm>>
    tpu.wait_indirect_dma semaphore(%arg19 : memref<!tpu.dma_semaphore, #tpu.memory_space<semaphore_mem>>) src(%dma_wait3A_50 : memref<10240x32xbf16, #tpu.memory_space<hbm>>) dst(%arg12 : memref<80x32xbf16, #tpu.memory_space<vmem>>)
    %dma_wait3A_51 = arith.constant 122 : i32
    %dma_wait3A_52 = arith.constant 0 : i32
    %dma_wait3A_53 = tpu.memref_slice %arg9[%dma_wait3A_51, %dma_wait3A_52] : memref<125x80xi32, #tpu.memory_space<vmem>> -> memref<1x80xi32, #tpu.memory_space<vmem>>
    %dma_wait3A_54 = tpu.memref_squeeze %dma_wait3A_53 : memref<1x80xi32, #tpu.memory_space<vmem>> -> memref<80xi32, #tpu.memory_space<vmem>>
    %dma_wait3A_55 = arith.constant 0 : i32
    %dma_wait3A_56 = arith.constant 0 : i32
    %dma_wait3A_57 = tpu.memref_slice %arg16[%dma_wait3A_55, %dma_wait3A_56] : memref<10240x48xf32, #tpu.memory_space<vmem_shared>> -> memref<10240x48xf32, #tpu.memory_space<vmem_shared>>
    tpu.wait_indirect_dma semaphore(%arg21 : memref<!tpu.dma_semaphore, #tpu.memory_space<semaphore_mem>>) src(%arg14 : memref<80x48xf32, #tpu.memory_space<vmem>>) dst(%dma_wait3A_57 : memref<10240x48xf32, #tpu.memory_space<vmem_shared>>)
    %iota3A = tpu.iota {dimensions = array<i32: 0>} : vector<16xi32>
    %lt3A = arith.constant 8 : i32
    %lt3A_58 = vector.broadcast %lt3A : i32 to vector<16xi32>
    %lt3A_59 = arith.cmpi slt, %iota3A, %lt3A_58 : vector<16xi32>
    %scan3A_60 = arith.constant 0 : i32
    %scan3A_61 = arith.constant 0 : i32
    %scan3A_62 = arith.constant 80 : i32
    %scan3A_63 = arith.addi %scan3A_61, %scan3A_62 : i32
    %scan3A_64 = arith.constant 4 : i32
    %scan3A_65 = scf.for %scan3A_89 = %scan3A_61 to %scan3A_63 step %scan3A_64 iter_args(%scan3A_90 = %scan3A_60) -> (i32)  : i32 {
      %get3A = arith.index_cast %scan3A_89 : i32 to index
      %get3A_91 = arith.constant 32 : index
      %get3A_92 = tpu.vector_load %arg10[%get3A, %get3A_91] {strides = array<i32>} : memref<80x64xbf16, #tpu.memory_space<vmem>>, vector<32xbf16>,
      %unpack3A = tpu.unpack_subelements %get3A_92, 0 {pack_format = #tpu.pack_format<interleaved>} : vector<32xbf16> -> vector<16xf32>
      %unpack3A_93 = tpu.unpack_subelements %get3A_92, 1 {pack_format = #tpu.pack_format<interleaved>} : vector<32xbf16> -> vector<16xf32>
      %get3A_94 = arith.index_cast %scan3A_89 : i32 to index
      %get3A_95 = arith.constant 0 : index
      %get3A_96 = tpu.vector_load %arg12[%get3A_94, %get3A_95] {strides = array<i32>} : memref<80x32xbf16, #tpu.memory_space<vmem>>, vector<32xbf16>,
      %unpack3A_97 = tpu.unpack_subelements %get3A_96, 0 {pack_format = #tpu.pack_format<interleaved>} : vector<32xbf16> -> vector<16xf32>
      %unpack3A_98 = tpu.unpack_subelements %get3A_96, 1 {pack_format = #tpu.pack_format<interleaved>} : vector<32xbf16> -> vector<16xf32>
      %add3A_99 = arith.addf %unpack3A_93, %unpack3A_97 : vector<16xf32>
      %ge3A = arith.constant 0.000000e+00 : f32
      %ge3A_100 = vector.broadcast %ge3A : f32 to vector<16xf32>
      %ge3A_101 = arith.cmpf oge, %add3A_99, %ge3A_100 : vector<16xf32>
      %mul3A_102 = arith.constant 2.000000e-01 : f32
      %mul3A_103 = vector.broadcast %mul3A_102 : f32 to vector<16xf32>
      %mul3A_104 = arith.mulf %mul3A_103, %add3A_99 : vector<16xf32>
      %select_n3A = arith.select %ge3A_101, %add3A_99, %mul3A_104 : vector<16xi1>, vector<16xf32>
      %exp3A = math.exp %select_n3A : vector<16xf32>
      %get3A_105 = arith.index_cast %scan3A_89 : i32 to index
      %get3A_106 = arith.constant 0 : index
      %get3A_107 = tpu.vector_load %arg10[%get3A_105, %get3A_106] {strides = array<i32>} : memref<80x64xbf16, #tpu.memory_space<vmem>>, vector<32xbf16>,
      %unpack3A_108 = tpu.unpack_subelements %get3A_107, 0 {pack_format = #tpu.pack_format<interleaved>} : vector<32xbf16> -> vector<16xf32>
      %unpack3A_109 = tpu.unpack_subelements %get3A_107, 1 {pack_format = #tpu.pack_format<interleaved>} : vector<32xbf16> -> vector<16xf32>
      %mul3A_110 = arith.mulf %unpack3A_108, %exp3A : vector<16xf32>
      %swap3A = arith.index_cast %scan3A_89 : i32 to index
      %swap3A_111 = arith.constant 0 : index
      %swap3A_112 = tpu.vector_load %arg14[%swap3A, %swap3A_111] {strides = array<i32>} : memref<80x48xf32, #tpu.memory_space<vmem>>, vector<16xf32>,
      tpu.vector_store %arg14[%swap3A, %swap3A_111], %mul3A_110 {strides = array<i32>} : memref<80x48xf32, #tpu.memory_space<vmem>>, vector<16xf32>,
      %mul3A_113 = arith.mulf %unpack3A_109, %exp3A : vector<16xf32>
      %swap3A_114 = arith.index_cast %scan3A_89 : i32 to index
      %swap3A_115 = arith.constant 16 : index
      %swap3A_116 = tpu.vector_load %arg14[%swap3A_114, %swap3A_115] {strides = array<i32>} : memref<80x48xf32, #tpu.memory_space<vmem>>, vector<16xf32>,
      tpu.vector_store %arg14[%swap3A_114, %swap3A_115], %mul3A_113 {strides = array<i32>} : memref<80x48xf32, #tpu.memory_space<vmem>>, vector<16xf32>,
      %mul3A_117 = arith.mulf %unpack3A, %exp3A : vector<16xf32>
      %select_n3A_118 = arith.select %lt3A_59, %mul3A_117, %exp3A : vector<16xi1>, vector<16xf32>
      %swap3A_119 = arith.index_cast %scan3A_89 : i32 to index
      %swap3A_120 = arith.constant 32 : index
      %swap3A_121 = tpu.vector_load %arg14[%swap3A_119, %swap3A_120] {strides = array<i32>} : memref<80x48xf32, #tpu.memory_space<vmem>>, vector<16xf32>,
      tpu.vector_store %arg14[%swap3A_119, %swap3A_120], %select_n3A_118 {strides = array<i32>} : memref<80x48xf32, #tpu.memory_space<vmem>>, vector<16xf32>,
      %scan3A_122 = arith.constant 0 : i32
      %scan3A_123 = arith.constant 1 : i32
      %scan3A_124 = arith.addi %scan3A_89, %scan3A_123 : i32
      %get3A_125 = arith.index_cast %scan3A_124 : i32 to index
      %get3A_126 = arith.constant 32 : index
      %get3A_127 = tpu.vector_load %arg10[%get3A_125, %get3A_126] {strides = array<i32>} : memref<80x64xbf16, #tpu.memory_space<vmem>>, vector<32xbf16>,
      %unpack3A_128 = tpu.unpack_subelements %get3A_127, 0 {pack_format = #tpu.pack_format<interleaved>} : vector<32xbf16> -> vector<16xf32>
      %unpack3A_129 = tpu.unpack_subelements %get3A_127, 1 {pack_format = #tpu.pack_format<interleaved>} : vector<32xbf16> -> vector<16xf32>
      %get3A_130 = arith.index_cast %scan3A_124 : i32 to index
      %get3A_131 = arith.constant 0 : index
      %get3A_132 = tpu.vector_load %arg12[%get3A_130, %get3A_131] {strides = array<i32>} : memref<80x32xbf16, #tpu.memory_space<vmem>>, vector<32xbf16>,
      %unpack3A_133 = tpu.unpack_subelements %get3A_132, 0 {pack_format = #tpu.pack_format<interleaved>} : vector<32xbf16> -> vector<16xf32>
      %unpack3A_134 = tpu.unpack_subelements %get3A_132, 1 {pack_format = #tpu.pack_format<interleaved>} : vector<32xbf16> -> vector<16xf32>
      %add3A_135 = arith.addf %unpack3A_129, %unpack3A_133 : vector<16xf32>
      %ge3A_136 = arith.constant 0.000000e+00 : f32
      %ge3A_137 = vector.broadcast %ge3A_136 : f32 to vector<16xf32>
      %ge3A_138 = arith.cmpf oge, %add3A_135, %ge3A_137 : vector<16xf32>
      %mul3A_139 = arith.constant 2.000000e-01 : f32
      %mul3A_140 = vector.broadcast %mul3A_139 : f32 to vector<16xf32>
      %mul3A_141 = arith.mulf %mul3A_140, %add3A_135 : vector<16xf32>
      %select_n3A_142 = arith.select %ge3A_138, %add3A_135, %mul3A_141 : vector<16xi1>, vector<16xf32>
      %exp3A_143 = math.exp %select_n3A_142 : vector<16xf32>
      %get3A_144 = arith.index_cast %scan3A_124 : i32 to index
      %get3A_145 = arith.constant 0 : index
      %get3A_146 = tpu.vector_load %arg10[%get3A_144, %get3A_145] {strides = array<i32>} : memref<80x64xbf16, #tpu.memory_space<vmem>>, vector<32xbf16>,
      %unpack3A_147 = tpu.unpack_subelements %get3A_146, 0 {pack_format = #tpu.pack_format<interleaved>} : vector<32xbf16> -> vector<16xf32>
      %unpack3A_148 = tpu.unpack_subelements %get3A_146, 1 {pack_format = #tpu.pack_format<interleaved>} : vector<32xbf16> -> vector<16xf32>
      %mul3A_149 = arith.mulf %unpack3A_147, %exp3A_143 : vector<16xf32>
      %swap3A_150 = arith.index_cast %scan3A_124 : i32 to index
      %swap3A_151 = arith.constant 0 : index
      %swap3A_152 = tpu.vector_load %arg14[%swap3A_150, %swap3A_151] {strides = array<i32>} : memref<80x48xf32, #tpu.memory_space<vmem>>, vector<16xf32>,
      tpu.vector_store %arg14[%swap3A_150, %swap3A_151], %mul3A_149 {strides = array<i32>} : memref<80x48xf32, #tpu.memory_space<vmem>>, vector<16xf32>,
      %mul3A_153 = arith.mulf %unpack3A_148, %exp3A_143 : vector<16xf32>
      %swap3A_154 = arith.index_cast %scan3A_124 : i32 to index
      %swap3A_155 = arith.constant 16 : index
      %swap3A_156 = tpu.vector_load %arg14[%swap3A_154, %swap3A_155] {strides = array<i32>} : memref<80x48xf32, #tpu.memory_space<vmem>>, vector<16xf32>,
      tpu.vector_store %arg14[%swap3A_154, %swap3A_155], %mul3A_153 {strides = array<i32>} : memref<80x48xf32, #tpu.memory_space<vmem>>, vector<16xf32>,
      %mul3A_157 = arith.mulf %unpack3A_128, %exp3A_143 : vector<16xf32>
      %select_n3A_158 = arith.select %lt3A_59, %mul3A_157, %exp3A_143 : vector<16xi1>, vector<16xf32>
      %swap3A_159 = arith.index_cast %scan3A_124 : i32 to index
      %swap3A_160 = arith.constant 32 : index
      %swap3A_161 = tpu.vector_load %arg14[%swap3A_159, %swap3A_160] {strides = array<i32>} : memref<80x48xf32, #tpu.memory_space<vmem>>, vector<16xf32>,
      tpu.vector_store %arg14[%swap3A_159, %swap3A_160], %select_n3A_158 {strides = array<i32>} : memref<80x48xf32, #tpu.memory_space<vmem>>, vector<16xf32>,
      %scan3A_162 = arith.constant 0 : i32
      %scan3A_163 = arith.constant 2 : i32
      %scan3A_164 = arith.addi %scan3A_89, %scan3A_163 : i32
      %get3A_165 = arith.index_cast %scan3A_164 : i32 to index
      %get3A_166 = arith.constant 32 : index
      %get3A_167 = tpu.vector_load %arg10[%get3A_165, %get3A_166] {strides = array<i32>} : memref<80x64xbf16, #tpu.memory_space<vmem>>, vector<32xbf16>,
      %unpack3A_168 = tpu.unpack_subelements %get3A_167, 0 {pack_format = #tpu.pack_format<interleaved>} : vector<32xbf16> -> vector<16xf32>
      %unpack3A_169 = tpu.unpack_subelements %get3A_167, 1 {pack_format = #tpu.pack_format<interleaved>} : vector<32xbf16> -> vector<16xf32>
      %get3A_170 = arith.index_cast %scan3A_164 : i32 to index
      %get3A_171 = arith.constant 0 : index
      %get3A_172 = tpu.vector_load %arg12[%get3A_170, %get3A_171] {strides = array<i32>} : memref<80x32xbf16, #tpu.memory_space<vmem>>, vector<32xbf16>,
      %unpack3A_173 = tpu.unpack_subelements %get3A_172, 0 {pack_format = #tpu.pack_format<interleaved>} : vector<32xbf16> -> vector<16xf32>
      %unpack3A_174 = tpu.unpack_subelements %get3A_172, 1 {pack_format = #tpu.pack_format<interleaved>} : vector<32xbf16> -> vector<16xf32>
      %add3A_175 = arith.addf %unpack3A_169, %unpack3A_173 : vector<16xf32>
      %ge3A_176 = arith.constant 0.000000e+00 : f32
      %ge3A_177 = vector.broadcast %ge3A_176 : f32 to vector<16xf32>
      %ge3A_178 = arith.cmpf oge, %add3A_175, %ge3A_177 : vector<16xf32>
      %mul3A_179 = arith.constant 2.000000e-01 : f32
      %mul3A_180 = vector.broadcast %mul3A_179 : f32 to vector<16xf32>
      %mul3A_181 = arith.mulf %mul3A_180, %add3A_175 : vector<16xf32>
      %select_n3A_182 = arith.select %ge3A_178, %add3A_175, %mul3A_181 : vector<16xi1>, vector<16xf32>
      %exp3A_183 = math.exp %select_n3A_182 : vector<16xf32>
      %get3A_184 = arith.index_cast %scan3A_164 : i32 to index
      %get3A_185 = arith.constant 0 : index
      %get3A_186 = tpu.vector_load %arg10[%get3A_184, %get3A_185] {strides = array<i32>} : memref<80x64xbf16, #tpu.memory_space<vmem>>, vector<32xbf16>,
      %unpack3A_187 = tpu.unpack_subelements %get3A_186, 0 {pack_format = #tpu.pack_format<interleaved>} : vector<32xbf16> -> vector<16xf32>
      %unpack3A_188 = tpu.unpack_subelements %get3A_186, 1 {pack_format = #tpu.pack_format<interleaved>} : vector<32xbf16> -> vector<16xf32>
      %mul3A_189 = arith.mulf %unpack3A_187, %exp3A_183 : vector<16xf32>
      %swap3A_190 = arith.index_cast %scan3A_164 : i32 to index
      %swap3A_191 = arith.constant 0 : index
      %swap3A_192 = tpu.vector_load %arg14[%swap3A_190, %swap3A_191] {strides = array<i32>} : memref<80x48xf32, #tpu.memory_space<vmem>>, vector<16xf32>,
      tpu.vector_store %arg14[%swap3A_190, %swap3A_191], %mul3A_189 {strides = array<i32>} : memref<80x48xf32, #tpu.memory_space<vmem>>, vector<16xf32>,
      %mul3A_193 = arith.mulf %unpack3A_188, %exp3A_183 : vector<16xf32>
      %swap3A_194 = arith.index_cast %scan3A_164 : i32 to index
      %swap3A_195 = arith.constant 16 : index
      %swap3A_196 = tpu.vector_load %arg14[%swap3A_194, %swap3A_195] {strides = array<i32>} : memref<80x48xf32, #tpu.memory_space<vmem>>, vector<16xf32>,
      tpu.vector_store %arg14[%swap3A_194, %swap3A_195], %mul3A_193 {strides = array<i32>} : memref<80x48xf32, #tpu.memory_space<vmem>>, vector<16xf32>,
      %mul3A_197 = arith.mulf %unpack3A_168, %exp3A_183 : vector<16xf32>
      %select_n3A_198 = arith.select %lt3A_59, %mul3A_197, %exp3A_183 : vector<16xi1>, vector<16xf32>
      %swap3A_199 = arith.index_cast %scan3A_164 : i32 to index
      %swap3A_200 = arith.constant 32 : index
      %swap3A_201 = tpu.vector_load %arg14[%swap3A_199, %swap3A_200] {strides = array<i32>} : memref<80x48xf32, #tpu.memory_space<vmem>>, vector<16xf32>,
      tpu.vector_store %arg14[%swap3A_199, %swap3A_200], %select_n3A_198 {strides = array<i32>} : memref<80x48xf32, #tpu.memory_space<vmem>>, vector<16xf32>,
      %scan3A_202 = arith.constant 0 : i32
      %scan3A_203 = arith.constant 3 : i32
      %scan3A_204 = arith.addi %scan3A_89, %scan3A_203 : i32
      %get3A_205 = arith.index_cast %scan3A_204 : i32 to index
      %get3A_206 = arith.constant 32 : index
      %get3A_207 = tpu.vector_load %arg10[%get3A_205, %get3A_206] {strides = array<i32>} : memref<80x64xbf16, #tpu.memory_space<vmem>>, vector<32xbf16>,
      %unpack3A_208 = tpu.unpack_subelements %get3A_207, 0 {pack_format = #tpu.pack_format<interleaved>} : vector<32xbf16> -> vector<16xf32>
      %unpack3A_209 = tpu.unpack_subelements %get3A_207, 1 {pack_format = #tpu.pack_format<interleaved>} : vector<32xbf16> -> vector<16xf32>
      %get3A_210 = arith.index_cast %scan3A_204 : i32 to index
      %get3A_211 = arith.constant 0 : index
      %get3A_212 = tpu.vector_load %arg12[%get3A_210, %get3A_211] {strides = array<i32>} : memref<80x32xbf16, #tpu.memory_space<vmem>>, vector<32xbf16>,
      %unpack3A_213 = tpu.unpack_subelements %get3A_212, 0 {pack_format = #tpu.pack_format<interleaved>} : vector<32xbf16> -> vector<16xf32>
      %unpack3A_214 = tpu.unpack_subelements %get3A_212, 1 {pack_format = #tpu.pack_format<interleaved>} : vector<32xbf16> -> vector<16xf32>
      %add3A_215 = arith.addf %unpack3A_209, %unpack3A_213 : vector<16xf32>
      %ge3A_216 = arith.constant 0.000000e+00 : f32
      %ge3A_217 = vector.broadcast %ge3A_216 : f32 to vector<16xf32>
      %ge3A_218 = arith.cmpf oge, %add3A_215, %ge3A_217 : vector<16xf32>
      %mul3A_219 = arith.constant 2.000000e-01 : f32
      %mul3A_220 = vector.broadcast %mul3A_219 : f32 to vector<16xf32>
      %mul3A_221 = arith.mulf %mul3A_220, %add3A_215 : vector<16xf32>
      %select_n3A_222 = arith.select %ge3A_218, %add3A_215, %mul3A_221 : vector<16xi1>, vector<16xf32>
      %exp3A_223 = math.exp %select_n3A_222 : vector<16xf32>
      %get3A_224 = arith.index_cast %scan3A_204 : i32 to index
      %get3A_225 = arith.constant 0 : index
      %get3A_226 = tpu.vector_load %arg10[%get3A_224, %get3A_225] {strides = array<i32>} : memref<80x64xbf16, #tpu.memory_space<vmem>>, vector<32xbf16>,
      %unpack3A_227 = tpu.unpack_subelements %get3A_226, 0 {pack_format = #tpu.pack_format<interleaved>} : vector<32xbf16> -> vector<16xf32>
      %unpack3A_228 = tpu.unpack_subelements %get3A_226, 1 {pack_format = #tpu.pack_format<interleaved>} : vector<32xbf16> -> vector<16xf32>
      %mul3A_229 = arith.mulf %unpack3A_227, %exp3A_223 : vector<16xf32>
      %swap3A_230 = arith.index_cast %scan3A_204 : i32 to index
      %swap3A_231 = arith.constant 0 : index
      %swap3A_232 = tpu.vector_load %arg14[%swap3A_230, %swap3A_231] {strides = array<i32>} : memref<80x48xf32, #tpu.memory_space<vmem>>, vector<16xf32>,
      tpu.vector_store %arg14[%swap3A_230, %swap3A_231], %mul3A_229 {strides = array<i32>} : memref<80x48xf32, #tpu.memory_space<vmem>>, vector<16xf32>,
      %mul3A_233 = arith.mulf %unpack3A_228, %exp3A_223 : vector<16xf32>
      %swap3A_234 = arith.index_cast %scan3A_204 : i32 to index
      %swap3A_235 = arith.constant 16 : index
      %swap3A_236 = tpu.vector_load %arg14[%swap3A_234, %swap3A_235] {strides = array<i32>} : memref<80x48xf32, #tpu.memory_space<vmem>>, vector<16xf32>,
      tpu.vector_store %arg14[%swap3A_234, %swap3A_235], %mul3A_233 {strides = array<i32>} : memref<80x48xf32, #tpu.memory_space<vmem>>, vector<16xf32>,
      %mul3A_237 = arith.mulf %unpack3A_208, %exp3A_223 : vector<16xf32>
      %select_n3A_238 = arith.select %lt3A_59, %mul3A_237, %exp3A_223 : vector<16xi1>, vector<16xf32>
      %swap3A_239 = arith.index_cast %scan3A_204 : i32 to index
      %swap3A_240 = arith.constant 32 : index
      %swap3A_241 = tpu.vector_load %arg14[%swap3A_239, %swap3A_240] {strides = array<i32>} : memref<80x48xf32, #tpu.memory_space<vmem>>, vector<16xf32>,
      tpu.vector_store %arg14[%swap3A_239, %swap3A_240], %select_n3A_238 {strides = array<i32>} : memref<80x48xf32, #tpu.memory_space<vmem>>, vector<16xf32>,
      %scan3A_242 = arith.constant 0 : i32
      scf.yield %scan3A_242 : i32
    }
    %scan3A_66 = arith.constant 80 : i32
    %dma_start3A_67 = arith.constant 124 : i32
    %dma_start3A_68 = arith.constant 0 : i32
    %dma_start3A_69 = tpu.memref_slice %arg9[%dma_start3A_67, %dma_start3A_68] : memref<125x80xi32, #tpu.memory_space<vmem>> -> memref<1x80xi32, #tpu.memory_space<vmem>>
    %dma_start3A_70 = tpu.memref_squeeze %dma_start3A_69 : memref<1x80xi32, #tpu.memory_space<vmem>> -> memref<80xi32, #tpu.memory_space<vmem>>
    %dma_start3A_71 = arith.constant 0 : i32
    %dma_start3A_72 = arith.constant 0 : i32
    %dma_start3A_73 = tpu.memref_slice %arg16[%dma_start3A_71, %dma_start3A_72] : memref<10240x48xf32, #tpu.memory_space<vmem_shared>> -> memref<10240x48xf32, #tpu.memory_space<vmem_shared>>
    tpu.enqueue_indirect_dma source(%arg14 : memref<80x48xf32, #tpu.memory_space<vmem>>) target(%dma_start3A_73 : memref<10240x48xf32, #tpu.memory_space<vmem_shared>>) offsets(%dma_start3A_70 : memref<80xi32, #tpu.memory_space<vmem>>) semaphore(%arg21 : memref<!tpu.dma_semaphore, #tpu.memory_space<semaphore_mem>>) {add = true}
    %dma_wait3A_74 = arith.constant 123 : i32
    %dma_wait3A_75 = arith.constant 0 : i32
    %dma_wait3A_76 = tpu.memref_slice %arg9[%dma_wait3A_74, %dma_wait3A_75] : memref<125x80xi32, #tpu.memory_space<vmem>> -> memref<1x80xi32, #tpu.memory_space<vmem>>
    %dma_wait3A_77 = tpu.memref_squeeze %dma_wait3A_76 : memref<1x80xi32, #tpu.memory_space<vmem>> -> memref<80xi32, #tpu.memory_space<vmem>>
    %dma_wait3A_78 = arith.constant 0 : i32
    %dma_wait3A_79 = arith.constant 0 : i32
    %dma_wait3A_80 = tpu.memref_slice %arg16[%dma_wait3A_78, %dma_wait3A_79] : memref<10240x48xf32, #tpu.memory_space<vmem_shared>> -> memref<10240x48xf32, #tpu.memory_space<vmem_shared>>
    tpu.wait_indirect_dma semaphore(%arg22 : memref<!tpu.dma_semaphore, #tpu.memory_space<semaphore_mem>>) src(%arg15 : memref<80x48xf32, #tpu.memory_space<vmem>>) dst(%dma_wait3A_80 : memref<10240x48xf32, #tpu.memory_space<vmem_shared>>)
    %dma_wait3A_81 = arith.constant 124 : i32
    %dma_wait3A_82 = arith.constant 0 : i32
    %dma_wait3A_83 = tpu.memref_slice %arg9[%dma_wait3A_81, %dma_wait3A_82] : memref<125x80xi32, #tpu.memory_space<vmem>> -> memref<1x80xi32, #tpu.memory_space<vmem>>
    %dma_wait3A_84 = tpu.memref_squeeze %dma_wait3A_83 : memref<1x80xi32, #tpu.memory_space<vmem>> -> memref<80xi32, #tpu.memory_space<vmem>>
    %dma_wait3A_85 = arith.constant 0 : i32
    %dma_wait3A_86 = arith.constant 0 : i32
    %dma_wait3A_87 = tpu.memref_slice %arg16[%dma_wait3A_85, %dma_wait3A_86] : memref<10240x48xf32, #tpu.memory_space<vmem_shared>> -> memref<10240x48xf32, #tpu.memory_space<vmem_shared>>
    tpu.wait_indirect_dma semaphore(%arg21 : memref<!tpu.dma_semaphore, #tpu.memory_space<semaphore_mem>>) src(%arg14 : memref<80x48xf32, #tpu.memory_space<vmem>>) dst(%dma_wait3A_87 : memref<10240x48xf32, #tpu.memory_space<vmem_shared>>)
    %barrier3A_88 = arith.constant 0 : index
    tpu.barrier barrier_id(%barrier3A_88)
    "tpu.region"() ({
      %run_scoped3A = tpu.sem_alloc : memref<!tpu.dma_semaphore, #tpu.memory_space<semaphore_mem>>
      %dma_start3A_89 = arith.constant 0 : i32
      %dma_start3A_90 = tpu.memref_slice %arg7[%arg0, %mul3A_0, %dma_start3A_89] : memref<2x10240x48xf32, #tpu.memory_space<hbm>> -> memref<1x640x48xf32, #tpu.memory_space<hbm>>
      %dma_start3A_91 = tpu.memref_squeeze %dma_start3A_90 : memref<1x640x48xf32, #tpu.memory_space<hbm>> -> memref<640x48xf32, #tpu.memory_space<hbm>>
      %dma_start3A_92 = arith.constant 0 : i32
      %dma_start3A_93 = tpu.memref_slice %arg16[%mul3A_0, %dma_start3A_92] : memref<10240x48xf32, #tpu.memory_space<vmem_shared>> -> memref<640x48xf32, #tpu.memory_space<vmem_shared>>
      tpu.enqueue_dma source(%dma_start3A_93 : memref<640x48xf32, #tpu.memory_space<vmem_shared>>) target(%dma_start3A_91 : memref<640x48xf32, #tpu.memory_space<hbm>>) target_semaphore(%run_scoped3A : memref<!tpu.dma_semaphore, #tpu.memory_space<semaphore_mem>>)
      %dma_wait3A_94 = arith.constant 0 : i32
      %dma_wait3A_95 = tpu.memref_slice %arg7[%arg0, %mul3A_0, %dma_wait3A_94] : memref<2x10240x48xf32, #tpu.memory_space<hbm>> -> memref<1x640x48xf32, #tpu.memory_space<hbm>>
      %dma_wait3A_96 = tpu.memref_squeeze %dma_wait3A_95 : memref<1x640x48xf32, #tpu.memory_space<hbm>> -> memref<640x48xf32, #tpu.memory_space<hbm>>
      %dma_wait3A_97 = arith.constant 0 : i32
      %dma_wait3A_98 = tpu.memref_slice %arg16[%mul3A_0, %dma_wait3A_97] : memref<10240x48xf32, #tpu.memory_space<vmem_shared>> -> memref<640x48xf32, #tpu.memory_space<vmem_shared>>
      tpu.wait_dma2 semaphore(%run_scoped3A : memref<!tpu.dma_semaphore, #tpu.memory_space<semaphore_mem>>) src(%dma_wait3A_98 : memref<640x48xf32, #tpu.memory_space<vmem_shared>>) dst(%dma_wait3A_96 : memref<640x48xf32, #tpu.memory_space<hbm>>)
      tpu.yield
    }) : () -> ()
    return
  }
}

#map = affine_map<(d0, d1) -> (0, 0)>
#map1 = affine_map<(d0, d1) -> (0, 0, 0)>
module attributes {stable_mosaic.version = 14 : i64} {
  func.func @body(%arg0: i32, %arg1: i32, %arg2: memref<10240x96xbf16, #tpu.memory_space<hbm>>, %arg3: memref<10240x32xbf16, #tpu.memory_space<hbm>>, %arg4: memref<4000x80xi32, #tpu.memory_space<hbm>>, %arg5: memref<4000x80xi32, #tpu.memory_space<hbm>>, %arg6: memref<10240x80xf32, #tpu.memory_space<hbm>>, %arg7: memref<2x10240x80xf32, #tpu.memory_space<hbm>>, %arg8: memref<125x80xi32, #tpu.memory_space<vmem>>, %arg9: memref<125x80xi32, #tpu.memory_space<vmem>>, %arg10: memref<80x96xbf16, #tpu.memory_space<vmem>>, %arg11: memref<80x96xbf16, #tpu.memory_space<vmem>>, %arg12: memref<80x32xbf16, #tpu.memory_space<vmem>>, %arg13: memref<80x32xbf16, #tpu.memory_space<vmem>>, %arg14: memref<80x80xf32, #tpu.memory_space<vmem>>, %arg15: memref<80x80xf32, #tpu.memory_space<vmem>>, %arg16: memref<10240x80xf32, #tpu.memory_space<vmem_shared>>, %arg17: memref<!tpu.dma_semaphore, #tpu.memory_space<semaphore_mem>>, %arg18: memref<!tpu.dma_semaphore, #tpu.memory_space<semaphore_mem>>, %arg19: memref<!tpu.dma_semaphore, #tpu.memory_space<semaphore_mem>>, %arg20: memref<!tpu.dma_semaphore, #tpu.memory_space<semaphore_mem>>, %arg21: memref<!tpu.dma_semaphore, #tpu.memory_space<semaphore_mem>>, %arg22: memref<!tpu.dma_semaphore, #tpu.memory_space<semaphore_mem>>) attributes {dimension_semantics = [#tpu.dimension_semantics<core_parallel>, #tpu.dimension_semantics<subcore_parallel>], iteration_bounds = array<i64: 2, 16>, scalar_prefetch = 0 : i64, scratch_operands = 15 : i64, tpu.core_type = #tpu.core_type<sc_vector_subcore>, window_params = [{transform_indices = #map}, {transform_indices = #map}, {transform_indices = #map}, {transform_indices = #map}, {transform_indices = #map}, {transform_indices = #map1}]} {
    %mul3A = arith.constant 640 : i32
    %mul3A_0 = arith.muli %arg1, %mul3A : i32
    "tpu.region"() ({
      %run_scoped3A = tpu.sem_alloc : memref<!tpu.dma_semaphore, #tpu.memory_space<semaphore_mem>>
      %dma_start3A_87 = arith.constant 0 : i32
      %dma_start3A_88 = tpu.memref_slice %arg16[%mul3A_0, %dma_start3A_87] : memref<10240x80xf32, #tpu.memory_space<vmem_shared>> -> memref<640x80xf32, #tpu.memory_space<vmem_shared>>
      %dma_start3A_89 = arith.constant 0 : i32
      %dma_start3A_90 = tpu.memref_slice %arg6[%mul3A_0, %dma_start3A_89] : memref<10240x80xf32, #tpu.memory_space<hbm>> -> memref<640x80xf32, #tpu.memory_space<hbm>>
      tpu.enqueue_dma source(%dma_start3A_90 : memref<640x80xf32, #tpu.memory_space<hbm>>) target(%dma_start3A_88 : memref<640x80xf32, #tpu.memory_space<vmem_shared>>) target_semaphore(%run_scoped3A : memref<!tpu.dma_semaphore, #tpu.memory_space<semaphore_mem>>)
      %dma_wait3A_91 = arith.constant 0 : i32
      %dma_wait3A_92 = tpu.memref_slice %arg16[%mul3A_0, %dma_wait3A_91] : memref<10240x80xf32, #tpu.memory_space<vmem_shared>> -> memref<640x80xf32, #tpu.memory_space<vmem_shared>>
      %dma_wait3A_93 = arith.constant 0 : i32
      %dma_wait3A_94 = tpu.memref_slice %arg6[%mul3A_0, %dma_wait3A_93] : memref<10240x80xf32, #tpu.memory_space<hbm>> -> memref<640x80xf32, #tpu.memory_space<hbm>>
      tpu.wait_dma2 semaphore(%run_scoped3A : memref<!tpu.dma_semaphore, #tpu.memory_space<semaphore_mem>>) src(%dma_wait3A_94 : memref<640x80xf32, #tpu.memory_space<hbm>>) dst(%dma_wait3A_92 : memref<640x80xf32, #tpu.memory_space<vmem_shared>>)
      tpu.yield
    }) : () -> ()
    %mul3A_1 = arith.constant 2 : i32
    %mul3A_2 = arith.muli %arg1, %mul3A_1 : i32
    %add3A = arith.addi %mul3A_2, %arg0 : i32
    %mul3A_3 = arith.constant 125 : i32
    %mul3A_4 = arith.muli %add3A, %mul3A_3 : i32
    "tpu.region"() ({
      %run_scoped3A = tpu.sem_alloc : memref<!tpu.dma_semaphore, #tpu.memory_space<semaphore_mem>>
      %dma_start3A_87 = arith.constant 0 : i32
      %dma_start3A_88 = tpu.memref_slice %arg4[%mul3A_4, %dma_start3A_87] : memref<4000x80xi32, #tpu.memory_space<hbm>> -> memref<125x80xi32, #tpu.memory_space<hbm>>
      %dma_start3A_89 = arith.constant 0 : i32
      %dma_start3A_90 = tpu.memref_slice %arg4[%mul3A_4, %dma_start3A_89] : memref<4000x80xi32, #tpu.memory_space<hbm>> -> memref<125x80xi32, #tpu.memory_space<hbm>>
      tpu.enqueue_dma source(%dma_start3A_90 : memref<125x80xi32, #tpu.memory_space<hbm>>) target(%arg8 : memref<125x80xi32, #tpu.memory_space<vmem>>) target_semaphore(%run_scoped3A : memref<!tpu.dma_semaphore, #tpu.memory_space<semaphore_mem>>)
      %dma_wait3A_91 = arith.constant 0 : i32
      %dma_wait3A_92 = tpu.memref_slice %arg4[%mul3A_4, %dma_wait3A_91] : memref<4000x80xi32, #tpu.memory_space<hbm>> -> memref<125x80xi32, #tpu.memory_space<hbm>>
      %dma_wait3A_93 = arith.constant 0 : i32
      %dma_wait3A_94 = tpu.memref_slice %arg4[%mul3A_4, %dma_wait3A_93] : memref<4000x80xi32, #tpu.memory_space<hbm>> -> memref<125x80xi32, #tpu.memory_space<hbm>>
      tpu.wait_dma2 semaphore(%run_scoped3A : memref<!tpu.dma_semaphore, #tpu.memory_space<semaphore_mem>>) src(%dma_wait3A_94 : memref<125x80xi32, #tpu.memory_space<hbm>>) dst(%arg8 : memref<125x80xi32, #tpu.memory_space<vmem>>)
      tpu.yield
    }) : () -> ()
    "tpu.region"() ({
      %run_scoped3A = tpu.sem_alloc : memref<!tpu.dma_semaphore, #tpu.memory_space<semaphore_mem>>
      %dma_start3A_87 = arith.constant 0 : i32
      %dma_start3A_88 = tpu.memref_slice %arg5[%mul3A_4, %dma_start3A_87] : memref<4000x80xi32, #tpu.memory_space<hbm>> -> memref<125x80xi32, #tpu.memory_space<hbm>>
      %dma_start3A_89 = arith.constant 0 : i32
      %dma_start3A_90 = tpu.memref_slice %arg5[%mul3A_4, %dma_start3A_89] : memref<4000x80xi32, #tpu.memory_space<hbm>> -> memref<125x80xi32, #tpu.memory_space<hbm>>
      tpu.enqueue_dma source(%dma_start3A_90 : memref<125x80xi32, #tpu.memory_space<hbm>>) target(%arg9 : memref<125x80xi32, #tpu.memory_space<vmem>>) target_semaphore(%run_scoped3A : memref<!tpu.dma_semaphore, #tpu.memory_space<semaphore_mem>>)
      %dma_wait3A_91 = arith.constant 0 : i32
      %dma_wait3A_92 = tpu.memref_slice %arg5[%mul3A_4, %dma_wait3A_91] : memref<4000x80xi32, #tpu.memory_space<hbm>> -> memref<125x80xi32, #tpu.memory_space<hbm>>
      %dma_wait3A_93 = arith.constant 0 : i32
      %dma_wait3A_94 = tpu.memref_slice %arg5[%mul3A_4, %dma_wait3A_93] : memref<4000x80xi32, #tpu.memory_space<hbm>> -> memref<125x80xi32, #tpu.memory_space<hbm>>
      tpu.wait_dma2 semaphore(%run_scoped3A : memref<!tpu.dma_semaphore, #tpu.memory_space<semaphore_mem>>) src(%dma_wait3A_94 : memref<125x80xi32, #tpu.memory_space<hbm>>) dst(%arg9 : memref<125x80xi32, #tpu.memory_space<vmem>>)
      tpu.yield
    }) : () -> ()
    %barrier3A = arith.constant 0 : index
    tpu.barrier barrier_id(%barrier3A)
    %dma_start3A = arith.constant 0 : i32
    %dma_start3A_5 = arith.constant 0 : i32
    %dma_start3A_6 = tpu.memref_slice %arg8[%dma_start3A, %dma_start3A_5] : memref<125x80xi32, #tpu.memory_space<vmem>> -> memref<1x80xi32, #tpu.memory_space<vmem>>
    %dma_start3A_7 = tpu.memref_squeeze %dma_start3A_6 : memref<1x80xi32, #tpu.memory_space<vmem>> -> memref<80xi32, #tpu.memory_space<vmem>>
    %dma_start3A_8 = arith.constant 0 : i32
    %dma_start3A_9 = arith.constant 0 : i32
    %dma_start3A_10 = tpu.memref_slice %arg2[%dma_start3A_8, %dma_start3A_9] : memref<10240x96xbf16, #tpu.memory_space<hbm>> -> memref<10240x96xbf16, #tpu.memory_space<hbm>>
    tpu.enqueue_indirect_dma source(%dma_start3A_10 : memref<10240x96xbf16, #tpu.memory_space<hbm>>) target(%arg10 : memref<80x96xbf16, #tpu.memory_space<vmem>>) offsets(%dma_start3A_7 : memref<80xi32, #tpu.memory_space<vmem>>) semaphore(%arg17 : memref<!tpu.dma_semaphore, #tpu.memory_space<semaphore_mem>>)
    %dma_start3A_11 = arith.constant 0 : i32
    %dma_start3A_12 = arith.constant 0 : i32
    %dma_start3A_13 = tpu.memref_slice %arg9[%dma_start3A_11, %dma_start3A_12] : memref<125x80xi32, #tpu.memory_space<vmem>> -> memref<1x80xi32, #tpu.memory_space<vmem>>
    %dma_start3A_14 = tpu.memref_squeeze %dma_start3A_13 : memref<1x80xi32, #tpu.memory_space<vmem>> -> memref<80xi32, #tpu.memory_space<vmem>>
    %dma_start3A_15 = arith.constant 0 : i32
    %dma_start3A_16 = arith.constant 0 : i32
    %dma_start3A_17 = tpu.memref_slice %arg3[%dma_start3A_15, %dma_start3A_16] : memref<10240x32xbf16, #tpu.memory_space<hbm>> -> memref<10240x32xbf16, #tpu.memory_space<hbm>>
    tpu.enqueue_indirect_dma source(%dma_start3A_17 : memref<10240x32xbf16, #tpu.memory_space<hbm>>) target(%arg12 : memref<80x32xbf16, #tpu.memory_space<vmem>>) offsets(%dma_start3A_14 : memref<80xi32, #tpu.memory_space<vmem>>) semaphore(%arg19 : memref<!tpu.dma_semaphore, #tpu.memory_space<semaphore_mem>>)
    %dma_start3A_18 = arith.constant 1 : i32
    %dma_start3A_19 = arith.constant 0 : i32
    %dma_start3A_20 = tpu.memref_slice %arg8[%dma_start3A_18, %dma_start3A_19] : memref<125x80xi32, #tpu.memory_space<vmem>> -> memref<1x80xi32, #tpu.memory_space<vmem>>
    %dma_start3A_21 = tpu.memref_squeeze %dma_start3A_20 : memref<1x80xi32, #tpu.memory_space<vmem>> -> memref<80xi32, #tpu.memory_space<vmem>>
    %dma_start3A_22 = arith.constant 0 : i32
    %dma_start3A_23 = arith.constant 0 : i32
    %dma_start3A_24 = tpu.memref_slice %arg2[%dma_start3A_22, %dma_start3A_23] : memref<10240x96xbf16, #tpu.memory_space<hbm>> -> memref<10240x96xbf16, #tpu.memory_space<hbm>>
    tpu.enqueue_indirect_dma source(%dma_start3A_24 : memref<10240x96xbf16, #tpu.memory_space<hbm>>) target(%arg11 : memref<80x96xbf16, #tpu.memory_space<vmem>>) offsets(%dma_start3A_21 : memref<80xi32, #tpu.memory_space<vmem>>) semaphore(%arg18 : memref<!tpu.dma_semaphore, #tpu.memory_space<semaphore_mem>>)
    %dma_start3A_25 = arith.constant 1 : i32
    %dma_start3A_26 = arith.constant 0 : i32
    %dma_start3A_27 = tpu.memref_slice %arg9[%dma_start3A_25, %dma_start3A_26] : memref<125x80xi32, #tpu.memory_space<vmem>> -> memref<1x80xi32, #tpu.memory_space<vmem>>
    %dma_start3A_28 = tpu.memref_squeeze %dma_start3A_27 : memref<1x80xi32, #tpu.memory_space<vmem>> -> memref<80xi32, #tpu.memory_space<vmem>>
    %dma_start3A_29 = arith.constant 0 : i32
    %dma_start3A_30 = arith.constant 0 : i32
    %dma_start3A_31 = tpu.memref_slice %arg3[%dma_start3A_29, %dma_start3A_30] : memref<10240x32xbf16, #tpu.memory_space<hbm>> -> memref<10240x32xbf16, #tpu.memory_space<hbm>>
    tpu.enqueue_indirect_dma source(%dma_start3A_31 : memref<10240x32xbf16, #tpu.memory_space<hbm>>) target(%arg13 : memref<80x32xbf16, #tpu.memory_space<vmem>>) offsets(%dma_start3A_28 : memref<80xi32, #tpu.memory_space<vmem>>) semaphore(%arg20 : memref<!tpu.dma_semaphore, #tpu.memory_space<semaphore_mem>>)
    %scan3A = arith.constant 0 : i32
    %scan3A_32 = arith.constant 0 : i32
    %scan3A_33 = arith.constant 62 : i32
    %scan3A_34 = arith.addi %scan3A_32, %scan3A_33 : i32
    %scan3A_35 = arith.constant 1 : i32
    %scan3A_36 = scf.for %scan3A_87 = %scan3A_32 to %scan3A_34 step %scan3A_35 iter_args(%scan3A_88 = %scan3A) -> (i32)  : i32 {
      %mul3A_89 = arith.constant 2 : i32
      %mul3A_90 = arith.muli %scan3A_87, %mul3A_89 : i32
      %add3A_91 = arith.constant 0 : i32
      %add3A_92 = arith.addi %mul3A_90, %add3A_91 : i32
      %dma_wait3A_93 = arith.constant 0 : i32
      %dma_wait3A_94 = tpu.memref_slice %arg8[%add3A_92, %dma_wait3A_93] : memref<125x80xi32, #tpu.memory_space<vmem>> -> memref<1x80xi32, #tpu.memory_space<vmem>>
      %dma_wait3A_95 = tpu.memref_squeeze %dma_wait3A_94 : memref<1x80xi32, #tpu.memory_space<vmem>> -> memref<80xi32, #tpu.memory_space<vmem>>
      %dma_wait3A_96 = arith.constant 0 : i32
      %dma_wait3A_97 = arith.constant 0 : i32
      %dma_wait3A_98 = tpu.memref_slice %arg2[%dma_wait3A_96, %dma_wait3A_97] : memref<10240x96xbf16, #tpu.memory_space<hbm>> -> memref<10240x96xbf16, #tpu.memory_space<hbm>>
      tpu.wait_indirect_dma semaphore(%arg17 : memref<!tpu.dma_semaphore, #tpu.memory_space<semaphore_mem>>) src(%dma_wait3A_98 : memref<10240x96xbf16, #tpu.memory_space<hbm>>) dst(%arg10 : memref<80x96xbf16, #tpu.memory_space<vmem>>)
      %dma_wait3A_99 = arith.constant 0 : i32
      %dma_wait3A_100 = tpu.memref_slice %arg9[%add3A_92, %dma_wait3A_99] : memref<125x80xi32, #tpu.memory_space<vmem>> -> memref<1x80xi32, #tpu.memory_space<vmem>>
      %dma_wait3A_101 = tpu.memref_squeeze %dma_wait3A_100 : memref<1x80xi32, #tpu.memory_space<vmem>> -> memref<80xi32, #tpu.memory_space<vmem>>
      %dma_wait3A_102 = arith.constant 0 : i32
      %dma_wait3A_103 = arith.constant 0 : i32
      %dma_wait3A_104 = tpu.memref_slice %arg3[%dma_wait3A_102, %dma_wait3A_103] : memref<10240x32xbf16, #tpu.memory_space<hbm>> -> memref<10240x32xbf16, #tpu.memory_space<hbm>>
      tpu.wait_indirect_dma semaphore(%arg19 : memref<!tpu.dma_semaphore, #tpu.memory_space<semaphore_mem>>) src(%dma_wait3A_104 : memref<10240x32xbf16, #tpu.memory_space<hbm>>) dst(%arg12 : memref<80x32xbf16, #tpu.memory_space<vmem>>)
      %ge3A = arith.constant 2 : i32
      %ge3A_105 = arith.cmpi sge, %add3A_92, %ge3A : i32
      %convert_element_type3A = arith.extui %ge3A_105 : i1 to i32
      %cond3A = arith.constant 0 : i32
      %cond3A_106 = arith.cmpi ne, %convert_element_type3A, %cond3A : i32
      scf.if %cond3A_106 {
        %sub3A = arith.constant 2 : i32
        %sub3A_168 = arith.subi %add3A_92, %sub3A : i32
        %dma_wait3A_169 = arith.constant 0 : i32
        %dma_wait3A_170 = tpu.memref_slice %arg9[%sub3A_168, %dma_wait3A_169] : memref<125x80xi32, #tpu.memory_space<vmem>> -> memref<1x80xi32, #tpu.memory_space<vmem>>
        %dma_wait3A_171 = tpu.memref_squeeze %dma_wait3A_170 : memref<1x80xi32, #tpu.memory_space<vmem>> -> memref<80xi32, #tpu.memory_space<vmem>>
        %dma_wait3A_172 = arith.constant 0 : i32
        %dma_wait3A_173 = arith.constant 0 : i32
        %dma_wait3A_174 = tpu.memref_slice %arg16[%dma_wait3A_172, %dma_wait3A_173] : memref<10240x80xf32, #tpu.memory_space<vmem_shared>> -> memref<10240x80xf32, #tpu.memory_space<vmem_shared>>
        tpu.wait_indirect_dma semaphore(%arg21 : memref<!tpu.dma_semaphore, #tpu.memory_space<semaphore_mem>>) src(%arg14 : memref<80x80xf32, #tpu.memory_space<vmem>>) dst(%dma_wait3A_174 : memref<10240x80xf32, #tpu.memory_space<vmem_shared>>)
      } else {
      }
      %scan3A_107 = arith.constant 0 : i32
      %scan3A_108 = arith.constant 0 : i32
      %scan3A_109 = arith.constant 80 : i32
      %scan3A_110 = arith.addi %scan3A_108, %scan3A_109 : i32
      %scan3A_111 = arith.constant 4 : i32
      %scan3A_112 = scf.for %scan3A_168 = %scan3A_108 to %scan3A_110 step %scan3A_111 iter_args(%scan3A_169 = %scan3A_107) -> (i32)  : i32 {
        %get3A = arith.index_cast %scan3A_168 : i32 to index
        %get3A_170 = arith.constant 64 : index
        %get3A_171 = tpu.vector_load %arg10[%get3A, %get3A_170] {strides = array<i32>} : memref<80x96xbf16, #tpu.memory_space<vmem>>, vector<32xbf16>,
        %unpack3A = tpu.unpack_subelements %get3A_171, 0 {pack_format = #tpu.pack_format<interleaved>} : vector<32xbf16> -> vector<16xf32>
        %unpack3A_172 = tpu.unpack_subelements %get3A_171, 1 {pack_format = #tpu.pack_format<interleaved>} : vector<32xbf16> -> vector<16xf32>
        %get3A_173 = arith.index_cast %scan3A_168 : i32 to index
        %get3A_174 = arith.constant 0 : index
        %get3A_175 = tpu.vector_load %arg12[%get3A_173, %get3A_174] {strides = array<i32>} : memref<80x32xbf16, #tpu.memory_space<vmem>>, vector<32xbf16>,
        %unpack3A_176 = tpu.unpack_subelements %get3A_175, 0 {pack_format = #tpu.pack_format<interleaved>} : vector<32xbf16> -> vector<16xf32>
        %unpack3A_177 = tpu.unpack_subelements %get3A_175, 1 {pack_format = #tpu.pack_format<interleaved>} : vector<32xbf16> -> vector<16xf32>
        %add3A_178 = arith.addf %unpack3A, %unpack3A_176 : vector<16xf32>
        %ge3A_179 = arith.constant 0.000000e+00 : f32
        %ge3A_180 = vector.broadcast %ge3A_179 : f32 to vector<16xf32>
        %ge3A_181 = arith.cmpf oge, %add3A_178, %ge3A_180 : vector<16xf32>
        %mul3A_182 = arith.constant 2.000000e-01 : f32
        %mul3A_183 = vector.broadcast %mul3A_182 : f32 to vector<16xf32>
        %mul3A_184 = arith.mulf %mul3A_183, %add3A_178 : vector<16xf32>
        %select_n3A = arith.select %ge3A_181, %add3A_178, %mul3A_184 : vector<16xi1>, vector<16xf32>
        %exp3A = math.exp %select_n3A : vector<16xf32>
        %get3A_185 = arith.index_cast %scan3A_168 : i32 to index
        %get3A_186 = arith.constant 0 : index
        %get3A_187 = tpu.vector_load %arg10[%get3A_185, %get3A_186] {strides = array<i32>} : memref<80x96xbf16, #tpu.memory_space<vmem>>, vector<32xbf16>,
        %unpack3A_188 = tpu.unpack_subelements %get3A_187, 0 {pack_format = #tpu.pack_format<interleaved>} : vector<32xbf16> -> vector<16xf32>
        %unpack3A_189 = tpu.unpack_subelements %get3A_187, 1 {pack_format = #tpu.pack_format<interleaved>} : vector<32xbf16> -> vector<16xf32>
        %get3A_190 = arith.index_cast %scan3A_168 : i32 to index
        %get3A_191 = arith.constant 32 : index
        %get3A_192 = tpu.vector_load %arg10[%get3A_190, %get3A_191] {strides = array<i32>} : memref<80x96xbf16, #tpu.memory_space<vmem>>, vector<32xbf16>,
        %unpack3A_193 = tpu.unpack_subelements %get3A_192, 0 {pack_format = #tpu.pack_format<interleaved>} : vector<32xbf16> -> vector<16xf32>
        %unpack3A_194 = tpu.unpack_subelements %get3A_192, 1 {pack_format = #tpu.pack_format<interleaved>} : vector<32xbf16> -> vector<16xf32>
        %mul3A_195 = arith.mulf %unpack3A_188, %exp3A : vector<16xf32>
        %swap3A = arith.index_cast %scan3A_168 : i32 to index
        %swap3A_196 = arith.constant 0 : index
        %swap3A_197 = tpu.vector_load %arg14[%swap3A, %swap3A_196] {strides = array<i32>} : memref<80x80xf32, #tpu.memory_space<vmem>>, vector<16xf32>,
        tpu.vector_store %arg14[%swap3A, %swap3A_196], %mul3A_195 {strides = array<i32>} : memref<80x80xf32, #tpu.memory_space<vmem>>, vector<16xf32>,
        %mul3A_198 = arith.mulf %unpack3A_189, %exp3A : vector<16xf32>
        %swap3A_199 = arith.index_cast %scan3A_168 : i32 to index
        %swap3A_200 = arith.constant 16 : index
        %swap3A_201 = tpu.vector_load %arg14[%swap3A_199, %swap3A_200] {strides = array<i32>} : memref<80x80xf32, #tpu.memory_space<vmem>>, vector<16xf32>,
        tpu.vector_store %arg14[%swap3A_199, %swap3A_200], %mul3A_198 {strides = array<i32>} : memref<80x80xf32, #tpu.memory_space<vmem>>, vector<16xf32>,
        %mul3A_202 = arith.mulf %unpack3A_193, %exp3A : vector<16xf32>
        %swap3A_203 = arith.index_cast %scan3A_168 : i32 to index
        %swap3A_204 = arith.constant 32 : index
        %swap3A_205 = tpu.vector_load %arg14[%swap3A_203, %swap3A_204] {strides = array<i32>} : memref<80x80xf32, #tpu.memory_space<vmem>>, vector<16xf32>,
        tpu.vector_store %arg14[%swap3A_203, %swap3A_204], %mul3A_202 {strides = array<i32>} : memref<80x80xf32, #tpu.memory_space<vmem>>, vector<16xf32>,
        %mul3A_206 = arith.mulf %unpack3A_194, %exp3A : vector<16xf32>
        %swap3A_207 = arith.index_cast %scan3A_168 : i32 to index
        %swap3A_208 = arith.constant 48 : index
        %swap3A_209 = tpu.vector_load %arg14[%swap3A_207, %swap3A_208] {strides = array<i32>} : memref<80x80xf32, #tpu.memory_space<vmem>>, vector<16xf32>,
        tpu.vector_store %arg14[%swap3A_207, %swap3A_208], %mul3A_206 {strides = array<i32>} : memref<80x80xf32, #tpu.memory_space<vmem>>, vector<16xf32>,
        %swap3A_210 = arith.index_cast %scan3A_168 : i32 to index
        %swap3A_211 = arith.constant 64 : index
        %swap3A_212 = tpu.vector_load %arg14[%swap3A_210, %swap3A_211] {strides = array<i32>} : memref<80x80xf32, #tpu.memory_space<vmem>>, vector<16xf32>,
        tpu.vector_store %arg14[%swap3A_210, %swap3A_211], %exp3A {strides = array<i32>} : memref<80x80xf32, #tpu.memory_space<vmem>>, vector<16xf32>,
        %scan3A_213 = arith.constant 0 : i32
        %scan3A_214 = arith.constant 1 : i32
        %scan3A_215 = arith.addi %scan3A_168, %scan3A_214 : i32
        %get3A_216 = arith.index_cast %scan3A_215 : i32 to index
        %get3A_217 = arith.constant 64 : index
        %get3A_218 = tpu.vector_load %arg10[%get3A_216, %get3A_217] {strides = array<i32>} : memref<80x96xbf16, #tpu.memory_space<vmem>>, vector<32xbf16>,
        %unpack3A_219 = tpu.unpack_subelements %get3A_218, 0 {pack_format = #tpu.pack_format<interleaved>} : vector<32xbf16> -> vector<16xf32>
        %unpack3A_220 = tpu.unpack_subelements %get3A_218, 1 {pack_format = #tpu.pack_format<interleaved>} : vector<32xbf16> -> vector<16xf32>
        %get3A_221 = arith.index_cast %scan3A_215 : i32 to index
        %get3A_222 = arith.constant 0 : index
        %get3A_223 = tpu.vector_load %arg12[%get3A_221, %get3A_222] {strides = array<i32>} : memref<80x32xbf16, #tpu.memory_space<vmem>>, vector<32xbf16>,
        %unpack3A_224 = tpu.unpack_subelements %get3A_223, 0 {pack_format = #tpu.pack_format<interleaved>} : vector<32xbf16> -> vector<16xf32>
        %unpack3A_225 = tpu.unpack_subelements %get3A_223, 1 {pack_format = #tpu.pack_format<interleaved>} : vector<32xbf16> -> vector<16xf32>
        %add3A_226 = arith.addf %unpack3A_219, %unpack3A_224 : vector<16xf32>
        %ge3A_227 = arith.constant 0.000000e+00 : f32
        %ge3A_228 = vector.broadcast %ge3A_227 : f32 to vector<16xf32>
        %ge3A_229 = arith.cmpf oge, %add3A_226, %ge3A_228 : vector<16xf32>
        %mul3A_230 = arith.constant 2.000000e-01 : f32
        %mul3A_231 = vector.broadcast %mul3A_230 : f32 to vector<16xf32>
        %mul3A_232 = arith.mulf %mul3A_231, %add3A_226 : vector<16xf32>
        %select_n3A_233 = arith.select %ge3A_229, %add3A_226, %mul3A_232 : vector<16xi1>, vector<16xf32>
        %exp3A_234 = math.exp %select_n3A_233 : vector<16xf32>
        %get3A_235 = arith.index_cast %scan3A_215 : i32 to index
        %get3A_236 = arith.constant 0 : index
        %get3A_237 = tpu.vector_load %arg10[%get3A_235, %get3A_236] {strides = array<i32>} : memref<80x96xbf16, #tpu.memory_space<vmem>>, vector<32xbf16>,
        %unpack3A_238 = tpu.unpack_subelements %get3A_237, 0 {pack_format = #tpu.pack_format<interleaved>} : vector<32xbf16> -> vector<16xf32>
        %unpack3A_239 = tpu.unpack_subelements %get3A_237, 1 {pack_format = #tpu.pack_format<interleaved>} : vector<32xbf16> -> vector<16xf32>
        %get3A_240 = arith.index_cast %scan3A_215 : i32 to index
        %get3A_241 = arith.constant 32 : index
        %get3A_242 = tpu.vector_load %arg10[%get3A_240, %get3A_241] {strides = array<i32>} : memref<80x96xbf16, #tpu.memory_space<vmem>>, vector<32xbf16>,
        %unpack3A_243 = tpu.unpack_subelements %get3A_242, 0 {pack_format = #tpu.pack_format<interleaved>} : vector<32xbf16> -> vector<16xf32>
        %unpack3A_244 = tpu.unpack_subelements %get3A_242, 1 {pack_format = #tpu.pack_format<interleaved>} : vector<32xbf16> -> vector<16xf32>
        %mul3A_245 = arith.mulf %unpack3A_238, %exp3A_234 : vector<16xf32>
        %swap3A_246 = arith.index_cast %scan3A_215 : i32 to index
        %swap3A_247 = arith.constant 0 : index
        %swap3A_248 = tpu.vector_load %arg14[%swap3A_246, %swap3A_247] {strides = array<i32>} : memref<80x80xf32, #tpu.memory_space<vmem>>, vector<16xf32>,
        tpu.vector_store %arg14[%swap3A_246, %swap3A_247], %mul3A_245 {strides = array<i32>} : memref<80x80xf32, #tpu.memory_space<vmem>>, vector<16xf32>,
        %mul3A_249 = arith.mulf %unpack3A_239, %exp3A_234 : vector<16xf32>
        %swap3A_250 = arith.index_cast %scan3A_215 : i32 to index
        %swap3A_251 = arith.constant 16 : index
        %swap3A_252 = tpu.vector_load %arg14[%swap3A_250, %swap3A_251] {strides = array<i32>} : memref<80x80xf32, #tpu.memory_space<vmem>>, vector<16xf32>,
        tpu.vector_store %arg14[%swap3A_250, %swap3A_251], %mul3A_249 {strides = array<i32>} : memref<80x80xf32, #tpu.memory_space<vmem>>, vector<16xf32>,
        %mul3A_253 = arith.mulf %unpack3A_243, %exp3A_234 : vector<16xf32>
        %swap3A_254 = arith.index_cast %scan3A_215 : i32 to index
        %swap3A_255 = arith.constant 32 : index
        %swap3A_256 = tpu.vector_load %arg14[%swap3A_254, %swap3A_255] {strides = array<i32>} : memref<80x80xf32, #tpu.memory_space<vmem>>, vector<16xf32>,
        tpu.vector_store %arg14[%swap3A_254, %swap3A_255], %mul3A_253 {strides = array<i32>} : memref<80x80xf32, #tpu.memory_space<vmem>>, vector<16xf32>,
        %mul3A_257 = arith.mulf %unpack3A_244, %exp3A_234 : vector<16xf32>
        %swap3A_258 = arith.index_cast %scan3A_215 : i32 to index
        %swap3A_259 = arith.constant 48 : index
        %swap3A_260 = tpu.vector_load %arg14[%swap3A_258, %swap3A_259] {strides = array<i32>} : memref<80x80xf32, #tpu.memory_space<vmem>>, vector<16xf32>,
        tpu.vector_store %arg14[%swap3A_258, %swap3A_259], %mul3A_257 {strides = array<i32>} : memref<80x80xf32, #tpu.memory_space<vmem>>, vector<16xf32>,
        %swap3A_261 = arith.index_cast %scan3A_215 : i32 to index
        %swap3A_262 = arith.constant 64 : index
        %swap3A_263 = tpu.vector_load %arg14[%swap3A_261, %swap3A_262] {strides = array<i32>} : memref<80x80xf32, #tpu.memory_space<vmem>>, vector<16xf32>,
        tpu.vector_store %arg14[%swap3A_261, %swap3A_262], %exp3A_234 {strides = array<i32>} : memref<80x80xf32, #tpu.memory_space<vmem>>, vector<16xf32>,
        %scan3A_264 = arith.constant 0 : i32
        %scan3A_265 = arith.constant 2 : i32
        %scan3A_266 = arith.addi %scan3A_168, %scan3A_265 : i32
        %get3A_267 = arith.index_cast %scan3A_266 : i32 to index
        %get3A_268 = arith.constant 64 : index
        %get3A_269 = tpu.vector_load %arg10[%get3A_267, %get3A_268] {strides = array<i32>} : memref<80x96xbf16, #tpu.memory_space<vmem>>, vector<32xbf16>,
        %unpack3A_270 = tpu.unpack_subelements %get3A_269, 0 {pack_format = #tpu.pack_format<interleaved>} : vector<32xbf16> -> vector<16xf32>
        %unpack3A_271 = tpu.unpack_subelements %get3A_269, 1 {pack_format = #tpu.pack_format<interleaved>} : vector<32xbf16> -> vector<16xf32>
        %get3A_272 = arith.index_cast %scan3A_266 : i32 to index
        %get3A_273 = arith.constant 0 : index
        %get3A_274 = tpu.vector_load %arg12[%get3A_272, %get3A_273] {strides = array<i32>} : memref<80x32xbf16, #tpu.memory_space<vmem>>, vector<32xbf16>,
        %unpack3A_275 = tpu.unpack_subelements %get3A_274, 0 {pack_format = #tpu.pack_format<interleaved>} : vector<32xbf16> -> vector<16xf32>
        %unpack3A_276 = tpu.unpack_subelements %get3A_274, 1 {pack_format = #tpu.pack_format<interleaved>} : vector<32xbf16> -> vector<16xf32>
        %add3A_277 = arith.addf %unpack3A_270, %unpack3A_275 : vector<16xf32>
        %ge3A_278 = arith.constant 0.000000e+00 : f32
        %ge3A_279 = vector.broadcast %ge3A_278 : f32 to vector<16xf32>
        %ge3A_280 = arith.cmpf oge, %add3A_277, %ge3A_279 : vector<16xf32>
        %mul3A_281 = arith.constant 2.000000e-01 : f32
        %mul3A_282 = vector.broadcast %mul3A_281 : f32 to vector<16xf32>
        %mul3A_283 = arith.mulf %mul3A_282, %add3A_277 : vector<16xf32>
        %select_n3A_284 = arith.select %ge3A_280, %add3A_277, %mul3A_283 : vector<16xi1>, vector<16xf32>
        %exp3A_285 = math.exp %select_n3A_284 : vector<16xf32>
        %get3A_286 = arith.index_cast %scan3A_266 : i32 to index
        %get3A_287 = arith.constant 0 : index
        %get3A_288 = tpu.vector_load %arg10[%get3A_286, %get3A_287] {strides = array<i32>} : memref<80x96xbf16, #tpu.memory_space<vmem>>, vector<32xbf16>,
        %unpack3A_289 = tpu.unpack_subelements %get3A_288, 0 {pack_format = #tpu.pack_format<interleaved>} : vector<32xbf16> -> vector<16xf32>
        %unpack3A_290 = tpu.unpack_subelements %get3A_288, 1 {pack_format = #tpu.pack_format<interleaved>} : vector<32xbf16> -> vector<16xf32>
        %get3A_291 = arith.index_cast %scan3A_266 : i32 to index
        %get3A_292 = arith.constant 32 : index
        %get3A_293 = tpu.vector_load %arg10[%get3A_291, %get3A_292] {strides = array<i32>} : memref<80x96xbf16, #tpu.memory_space<vmem>>, vector<32xbf16>,
        %unpack3A_294 = tpu.unpack_subelements %get3A_293, 0 {pack_format = #tpu.pack_format<interleaved>} : vector<32xbf16> -> vector<16xf32>
        %unpack3A_295 = tpu.unpack_subelements %get3A_293, 1 {pack_format = #tpu.pack_format<interleaved>} : vector<32xbf16> -> vector<16xf32>
        %mul3A_296 = arith.mulf %unpack3A_289, %exp3A_285 : vector<16xf32>
        %swap3A_297 = arith.index_cast %scan3A_266 : i32 to index
        %swap3A_298 = arith.constant 0 : index
        %swap3A_299 = tpu.vector_load %arg14[%swap3A_297, %swap3A_298] {strides = array<i32>} : memref<80x80xf32, #tpu.memory_space<vmem>>, vector<16xf32>,
        tpu.vector_store %arg14[%swap3A_297, %swap3A_298], %mul3A_296 {strides = array<i32>} : memref<80x80xf32, #tpu.memory_space<vmem>>, vector<16xf32>,
        %mul3A_300 = arith.mulf %unpack3A_290, %exp3A_285 : vector<16xf32>
        %swap3A_301 = arith.index_cast %scan3A_266 : i32 to index
        %swap3A_302 = arith.constant 16 : index
        %swap3A_303 = tpu.vector_load %arg14[%swap3A_301, %swap3A_302] {strides = array<i32>} : memref<80x80xf32, #tpu.memory_space<vmem>>, vector<16xf32>,
        tpu.vector_store %arg14[%swap3A_301, %swap3A_302], %mul3A_300 {strides = array<i32>} : memref<80x80xf32, #tpu.memory_space<vmem>>, vector<16xf32>,
        %mul3A_304 = arith.mulf %unpack3A_294, %exp3A_285 : vector<16xf32>
        %swap3A_305 = arith.index_cast %scan3A_266 : i32 to index
        %swap3A_306 = arith.constant 32 : index
        %swap3A_307 = tpu.vector_load %arg14[%swap3A_305, %swap3A_306] {strides = array<i32>} : memref<80x80xf32, #tpu.memory_space<vmem>>, vector<16xf32>,
        tpu.vector_store %arg14[%swap3A_305, %swap3A_306], %mul3A_304 {strides = array<i32>} : memref<80x80xf32, #tpu.memory_space<vmem>>, vector<16xf32>,
        %mul3A_308 = arith.mulf %unpack3A_295, %exp3A_285 : vector<16xf32>
        %swap3A_309 = arith.index_cast %scan3A_266 : i32 to index
        %swap3A_310 = arith.constant 48 : index
        %swap3A_311 = tpu.vector_load %arg14[%swap3A_309, %swap3A_310] {strides = array<i32>} : memref<80x80xf32, #tpu.memory_space<vmem>>, vector<16xf32>,
        tpu.vector_store %arg14[%swap3A_309, %swap3A_310], %mul3A_308 {strides = array<i32>} : memref<80x80xf32, #tpu.memory_space<vmem>>, vector<16xf32>,
        %swap3A_312 = arith.index_cast %scan3A_266 : i32 to index
        %swap3A_313 = arith.constant 64 : index
        %swap3A_314 = tpu.vector_load %arg14[%swap3A_312, %swap3A_313] {strides = array<i32>} : memref<80x80xf32, #tpu.memory_space<vmem>>, vector<16xf32>,
        tpu.vector_store %arg14[%swap3A_312, %swap3A_313], %exp3A_285 {strides = array<i32>} : memref<80x80xf32, #tpu.memory_space<vmem>>, vector<16xf32>,
        %scan3A_315 = arith.constant 0 : i32
        %scan3A_316 = arith.constant 3 : i32
        %scan3A_317 = arith.addi %scan3A_168, %scan3A_316 : i32
        %get3A_318 = arith.index_cast %scan3A_317 : i32 to index
        %get3A_319 = arith.constant 64 : index
        %get3A_320 = tpu.vector_load %arg10[%get3A_318, %get3A_319] {strides = array<i32>} : memref<80x96xbf16, #tpu.memory_space<vmem>>, vector<32xbf16>,
        %unpack3A_321 = tpu.unpack_subelements %get3A_320, 0 {pack_format = #tpu.pack_format<interleaved>} : vector<32xbf16> -> vector<16xf32>
        %unpack3A_322 = tpu.unpack_subelements %get3A_320, 1 {pack_format = #tpu.pack_format<interleaved>} : vector<32xbf16> -> vector<16xf32>
        %get3A_323 = arith.index_cast %scan3A_317 : i32 to index
        %get3A_324 = arith.constant 0 : index
        %get3A_325 = tpu.vector_load %arg12[%get3A_323, %get3A_324] {strides = array<i32>} : memref<80x32xbf16, #tpu.memory_space<vmem>>, vector<32xbf16>,
        %unpack3A_326 = tpu.unpack_subelements %get3A_325, 0 {pack_format = #tpu.pack_format<interleaved>} : vector<32xbf16> -> vector<16xf32>
        %unpack3A_327 = tpu.unpack_subelements %get3A_325, 1 {pack_format = #tpu.pack_format<interleaved>} : vector<32xbf16> -> vector<16xf32>
        %add3A_328 = arith.addf %unpack3A_321, %unpack3A_326 : vector<16xf32>
        %ge3A_329 = arith.constant 0.000000e+00 : f32
        %ge3A_330 = vector.broadcast %ge3A_329 : f32 to vector<16xf32>
        %ge3A_331 = arith.cmpf oge, %add3A_328, %ge3A_330 : vector<16xf32>
        %mul3A_332 = arith.constant 2.000000e-01 : f32
        %mul3A_333 = vector.broadcast %mul3A_332 : f32 to vector<16xf32>
        %mul3A_334 = arith.mulf %mul3A_333, %add3A_328 : vector<16xf32>
        %select_n3A_335 = arith.select %ge3A_331, %add3A_328, %mul3A_334 : vector<16xi1>, vector<16xf32>
        %exp3A_336 = math.exp %select_n3A_335 : vector<16xf32>
        %get3A_337 = arith.index_cast %scan3A_317 : i32 to index
        %get3A_338 = arith.constant 0 : index
        %get3A_339 = tpu.vector_load %arg10[%get3A_337, %get3A_338] {strides = array<i32>} : memref<80x96xbf16, #tpu.memory_space<vmem>>, vector<32xbf16>,
        %unpack3A_340 = tpu.unpack_subelements %get3A_339, 0 {pack_format = #tpu.pack_format<interleaved>} : vector<32xbf16> -> vector<16xf32>
        %unpack3A_341 = tpu.unpack_subelements %get3A_339, 1 {pack_format = #tpu.pack_format<interleaved>} : vector<32xbf16> -> vector<16xf32>
        %get3A_342 = arith.index_cast %scan3A_317 : i32 to index
        %get3A_343 = arith.constant 32 : index
        %get3A_344 = tpu.vector_load %arg10[%get3A_342, %get3A_343] {strides = array<i32>} : memref<80x96xbf16, #tpu.memory_space<vmem>>, vector<32xbf16>,
        %unpack3A_345 = tpu.unpack_subelements %get3A_344, 0 {pack_format = #tpu.pack_format<interleaved>} : vector<32xbf16> -> vector<16xf32>
        %unpack3A_346 = tpu.unpack_subelements %get3A_344, 1 {pack_format = #tpu.pack_format<interleaved>} : vector<32xbf16> -> vector<16xf32>
        %mul3A_347 = arith.mulf %unpack3A_340, %exp3A_336 : vector<16xf32>
        %swap3A_348 = arith.index_cast %scan3A_317 : i32 to index
        %swap3A_349 = arith.constant 0 : index
        %swap3A_350 = tpu.vector_load %arg14[%swap3A_348, %swap3A_349] {strides = array<i32>} : memref<80x80xf32, #tpu.memory_space<vmem>>, vector<16xf32>,
        tpu.vector_store %arg14[%swap3A_348, %swap3A_349], %mul3A_347 {strides = array<i32>} : memref<80x80xf32, #tpu.memory_space<vmem>>, vector<16xf32>,
        %mul3A_351 = arith.mulf %unpack3A_341, %exp3A_336 : vector<16xf32>
        %swap3A_352 = arith.index_cast %scan3A_317 : i32 to index
        %swap3A_353 = arith.constant 16 : index
        %swap3A_354 = tpu.vector_load %arg14[%swap3A_352, %swap3A_353] {strides = array<i32>} : memref<80x80xf32, #tpu.memory_space<vmem>>, vector<16xf32>,
        tpu.vector_store %arg14[%swap3A_352, %swap3A_353], %mul3A_351 {strides = array<i32>} : memref<80x80xf32, #tpu.memory_space<vmem>>, vector<16xf32>,
        %mul3A_355 = arith.mulf %unpack3A_345, %exp3A_336 : vector<16xf32>
        %swap3A_356 = arith.index_cast %scan3A_317 : i32 to index
        %swap3A_357 = arith.constant 32 : index
        %swap3A_358 = tpu.vector_load %arg14[%swap3A_356, %swap3A_357] {strides = array<i32>} : memref<80x80xf32, #tpu.memory_space<vmem>>, vector<16xf32>,
        tpu.vector_store %arg14[%swap3A_356, %swap3A_357], %mul3A_355 {strides = array<i32>} : memref<80x80xf32, #tpu.memory_space<vmem>>, vector<16xf32>,
        %mul3A_359 = arith.mulf %unpack3A_346, %exp3A_336 : vector<16xf32>
        %swap3A_360 = arith.index_cast %scan3A_317 : i32 to index
        %swap3A_361 = arith.constant 48 : index
        %swap3A_362 = tpu.vector_load %arg14[%swap3A_360, %swap3A_361] {strides = array<i32>} : memref<80x80xf32, #tpu.memory_space<vmem>>, vector<16xf32>,
        tpu.vector_store %arg14[%swap3A_360, %swap3A_361], %mul3A_359 {strides = array<i32>} : memref<80x80xf32, #tpu.memory_space<vmem>>, vector<16xf32>,
        %swap3A_363 = arith.index_cast %scan3A_317 : i32 to index
        %swap3A_364 = arith.constant 64 : index
        %swap3A_365 = tpu.vector_load %arg14[%swap3A_363, %swap3A_364] {strides = array<i32>} : memref<80x80xf32, #tpu.memory_space<vmem>>, vector<16xf32>,
        tpu.vector_store %arg14[%swap3A_363, %swap3A_364], %exp3A_336 {strides = array<i32>} : memref<80x80xf32, #tpu.memory_space<vmem>>, vector<16xf32>,
        %scan3A_366 = arith.constant 0 : i32
        scf.yield %scan3A_366 : i32
      }
      %scan3A_113 = arith.constant 80 : i32
      %dma_start3A_114 = arith.constant 0 : i32
      %dma_start3A_115 = tpu.memref_slice %arg9[%add3A_92, %dma_start3A_114] : memref<125x80xi32, #tpu.memory_space<vmem>> -> memref<1x80xi32, #tpu.memory_space<vmem>>
      %dma_start3A_116 = tpu.memref_squeeze %dma_start3A_115 : memref<1x80xi32, #tpu.memory_space<vmem>> -> memref<80xi32, #tpu.memory_space<vmem>>
      %dma_start3A_117 = arith.constant 0 : i32
      %dma_start3A_118 = arith.constant 0 : i32
      %dma_start3A_119 = tpu.memref_slice %arg16[%dma_start3A_117, %dma_start3A_118] : memref<10240x80xf32, #tpu.memory_space<vmem_shared>> -> memref<10240x80xf32, #tpu.memory_space<vmem_shared>>
      tpu.enqueue_indirect_dma source(%arg14 : memref<80x80xf32, #tpu.memory_space<vmem>>) target(%dma_start3A_119 : memref<10240x80xf32, #tpu.memory_space<vmem_shared>>) offsets(%dma_start3A_116 : memref<80xi32, #tpu.memory_space<vmem>>) semaphore(%arg21 : memref<!tpu.dma_semaphore, #tpu.memory_space<semaphore_mem>>) {add = true}
      %add3A_120 = arith.constant 2 : i32
      %add3A_121 = arith.addi %add3A_92, %add3A_120 : i32
      %lt3A = arith.constant 125 : i32
      %lt3A_122 = arith.cmpi slt, %add3A_121, %lt3A : i32
      %convert_element_type3A_123 = arith.extui %lt3A_122 : i1 to i32
      %cond3A_124 = arith.constant 0 : i32
      %cond3A_125 = arith.cmpi ne, %convert_element_type3A_123, %cond3A_124 : i32
      scf.if %cond3A_125 {
        %add3A_168 = arith.constant 2 : i32
        %add3A_169 = arith.addi %add3A_92, %add3A_168 : i32
        %dma_start3A_170 = arith.constant 0 : i32
        %dma_start3A_171 = tpu.memref_slice %arg8[%add3A_169, %dma_start3A_170] : memref<125x80xi32, #tpu.memory_space<vmem>> -> memref<1x80xi32, #tpu.memory_space<vmem>>
        %dma_start3A_172 = tpu.memref_squeeze %dma_start3A_171 : memref<1x80xi32, #tpu.memory_space<vmem>> -> memref<80xi32, #tpu.memory_space<vmem>>
        %dma_start3A_173 = arith.constant 0 : i32
        %dma_start3A_174 = arith.constant 0 : i32
        %dma_start3A_175 = tpu.memref_slice %arg2[%dma_start3A_173, %dma_start3A_174] : memref<10240x96xbf16, #tpu.memory_space<hbm>> -> memref<10240x96xbf16, #tpu.memory_space<hbm>>
        tpu.enqueue_indirect_dma source(%dma_start3A_175 : memref<10240x96xbf16, #tpu.memory_space<hbm>>) target(%arg10 : memref<80x96xbf16, #tpu.memory_space<vmem>>) offsets(%dma_start3A_172 : memref<80xi32, #tpu.memory_space<vmem>>) semaphore(%arg17 : memref<!tpu.dma_semaphore, #tpu.memory_space<semaphore_mem>>)
        %dma_start3A_176 = arith.constant 0 : i32
        %dma_start3A_177 = tpu.memref_slice %arg9[%add3A_169, %dma_start3A_176] : memref<125x80xi32, #tpu.memory_space<vmem>> -> memref<1x80xi32, #tpu.memory_space<vmem>>
        %dma_start3A_178 = tpu.memref_squeeze %dma_start3A_177 : memref<1x80xi32, #tpu.memory_space<vmem>> -> memref<80xi32, #tpu.memory_space<vmem>>
        %dma_start3A_179 = arith.constant 0 : i32
        %dma_start3A_180 = arith.constant 0 : i32
        %dma_start3A_181 = tpu.memref_slice %arg3[%dma_start3A_179, %dma_start3A_180] : memref<10240x32xbf16, #tpu.memory_space<hbm>> -> memref<10240x32xbf16, #tpu.memory_space<hbm>>
        tpu.enqueue_indirect_dma source(%dma_start3A_181 : memref<10240x32xbf16, #tpu.memory_space<hbm>>) target(%arg12 : memref<80x32xbf16, #tpu.memory_space<vmem>>) offsets(%dma_start3A_178 : memref<80xi32, #tpu.memory_space<vmem>>) semaphore(%arg19 : memref<!tpu.dma_semaphore, #tpu.memory_space<semaphore_mem>>)
      } else {
      }
      %mul3A_126 = arith.constant 2 : i32
      %mul3A_127 = arith.muli %scan3A_87, %mul3A_126 : i32
      %add3A_128 = arith.constant 1 : i32
      %add3A_129 = arith.addi %mul3A_127, %add3A_128 : i32
      %dma_wait3A_130 = arith.constant 0 : i32
      %dma_wait3A_131 = tpu.memref_slice %arg8[%add3A_129, %dma_wait3A_130] : memref<125x80xi32, #tpu.memory_space<vmem>> -> memref<1x80xi32, #tpu.memory_space<vmem>>
      %dma_wait3A_132 = tpu.memref_squeeze %dma_wait3A_131 : memref<1x80xi32, #tpu.memory_space<vmem>> -> memref<80xi32, #tpu.memory_space<vmem>>
      %dma_wait3A_133 = arith.constant 0 : i32
      %dma_wait3A_134 = arith.constant 0 : i32
      %dma_wait3A_135 = tpu.memref_slice %arg2[%dma_wait3A_133, %dma_wait3A_134] : memref<10240x96xbf16, #tpu.memory_space<hbm>> -> memref<10240x96xbf16, #tpu.memory_space<hbm>>
      tpu.wait_indirect_dma semaphore(%arg18 : memref<!tpu.dma_semaphore, #tpu.memory_space<semaphore_mem>>) src(%dma_wait3A_135 : memref<10240x96xbf16, #tpu.memory_space<hbm>>) dst(%arg11 : memref<80x96xbf16, #tpu.memory_space<vmem>>)
      %dma_wait3A_136 = arith.constant 0 : i32
      %dma_wait3A_137 = tpu.memref_slice %arg9[%add3A_129, %dma_wait3A_136] : memref<125x80xi32, #tpu.memory_space<vmem>> -> memref<1x80xi32, #tpu.memory_space<vmem>>
      %dma_wait3A_138 = tpu.memref_squeeze %dma_wait3A_137 : memref<1x80xi32, #tpu.memory_space<vmem>> -> memref<80xi32, #tpu.memory_space<vmem>>
      %dma_wait3A_139 = arith.constant 0 : i32
      %dma_wait3A_140 = arith.constant 0 : i32
      %dma_wait3A_141 = tpu.memref_slice %arg3[%dma_wait3A_139, %dma_wait3A_140] : memref<10240x32xbf16, #tpu.memory_space<hbm>> -> memref<10240x32xbf16, #tpu.memory_space<hbm>>
      tpu.wait_indirect_dma semaphore(%arg20 : memref<!tpu.dma_semaphore, #tpu.memory_space<semaphore_mem>>) src(%dma_wait3A_141 : memref<10240x32xbf16, #tpu.memory_space<hbm>>) dst(%arg13 : memref<80x32xbf16, #tpu.memory_space<vmem>>)
      %ge3A_142 = arith.constant 2 : i32
      %ge3A_143 = arith.cmpi sge, %add3A_129, %ge3A_142 : i32
      %convert_element_type3A_144 = arith.extui %ge3A_143 : i1 to i32
      %cond3A_145 = arith.constant 0 : i32
      %cond3A_146 = arith.cmpi ne, %convert_element_type3A_144, %cond3A_145 : i32
      scf.if %cond3A_146 {
        %sub3A = arith.constant 2 : i32
        %sub3A_168 = arith.subi %add3A_129, %sub3A : i32
        %dma_wait3A_169 = arith.constant 0 : i32
        %dma_wait3A_170 = tpu.memref_slice %arg9[%sub3A_168, %dma_wait3A_169] : memref<125x80xi32, #tpu.memory_space<vmem>> -> memref<1x80xi32, #tpu.memory_space<vmem>>
        %dma_wait3A_171 = tpu.memref_squeeze %dma_wait3A_170 : memref<1x80xi32, #tpu.memory_space<vmem>> -> memref<80xi32, #tpu.memory_space<vmem>>
        %dma_wait3A_172 = arith.constant 0 : i32
        %dma_wait3A_173 = arith.constant 0 : i32
        %dma_wait3A_174 = tpu.memref_slice %arg16[%dma_wait3A_172, %dma_wait3A_173] : memref<10240x80xf32, #tpu.memory_space<vmem_shared>> -> memref<10240x80xf32, #tpu.memory_space<vmem_shared>>
        tpu.wait_indirect_dma semaphore(%arg22 : memref<!tpu.dma_semaphore, #tpu.memory_space<semaphore_mem>>) src(%arg15 : memref<80x80xf32, #tpu.memory_space<vmem>>) dst(%dma_wait3A_174 : memref<10240x80xf32, #tpu.memory_space<vmem_shared>>)
      } else {
      }
      %scan3A_147 = arith.constant 0 : i32
      %scan3A_148 = arith.constant 0 : i32
      %scan3A_149 = arith.constant 80 : i32
      %scan3A_150 = arith.addi %scan3A_148, %scan3A_149 : i32
      %scan3A_151 = arith.constant 4 : i32
      %scan3A_152 = scf.for %scan3A_168 = %scan3A_148 to %scan3A_150 step %scan3A_151 iter_args(%scan3A_169 = %scan3A_147) -> (i32)  : i32 {
        %get3A = arith.index_cast %scan3A_168 : i32 to index
        %get3A_170 = arith.constant 64 : index
        %get3A_171 = tpu.vector_load %arg11[%get3A, %get3A_170] {strides = array<i32>} : memref<80x96xbf16, #tpu.memory_space<vmem>>, vector<32xbf16>,
        %unpack3A = tpu.unpack_subelements %get3A_171, 0 {pack_format = #tpu.pack_format<interleaved>} : vector<32xbf16> -> vector<16xf32>
        %unpack3A_172 = tpu.unpack_subelements %get3A_171, 1 {pack_format = #tpu.pack_format<interleaved>} : vector<32xbf16> -> vector<16xf32>
        %get3A_173 = arith.index_cast %scan3A_168 : i32 to index
        %get3A_174 = arith.constant 0 : index
        %get3A_175 = tpu.vector_load %arg13[%get3A_173, %get3A_174] {strides = array<i32>} : memref<80x32xbf16, #tpu.memory_space<vmem>>, vector<32xbf16>,
        %unpack3A_176 = tpu.unpack_subelements %get3A_175, 0 {pack_format = #tpu.pack_format<interleaved>} : vector<32xbf16> -> vector<16xf32>
        %unpack3A_177 = tpu.unpack_subelements %get3A_175, 1 {pack_format = #tpu.pack_format<interleaved>} : vector<32xbf16> -> vector<16xf32>
        %add3A_178 = arith.addf %unpack3A, %unpack3A_176 : vector<16xf32>
        %ge3A_179 = arith.constant 0.000000e+00 : f32
        %ge3A_180 = vector.broadcast %ge3A_179 : f32 to vector<16xf32>
        %ge3A_181 = arith.cmpf oge, %add3A_178, %ge3A_180 : vector<16xf32>
        %mul3A_182 = arith.constant 2.000000e-01 : f32
        %mul3A_183 = vector.broadcast %mul3A_182 : f32 to vector<16xf32>
        %mul3A_184 = arith.mulf %mul3A_183, %add3A_178 : vector<16xf32>
        %select_n3A = arith.select %ge3A_181, %add3A_178, %mul3A_184 : vector<16xi1>, vector<16xf32>
        %exp3A = math.exp %select_n3A : vector<16xf32>
        %get3A_185 = arith.index_cast %scan3A_168 : i32 to index
        %get3A_186 = arith.constant 0 : index
        %get3A_187 = tpu.vector_load %arg11[%get3A_185, %get3A_186] {strides = array<i32>} : memref<80x96xbf16, #tpu.memory_space<vmem>>, vector<32xbf16>,
        %unpack3A_188 = tpu.unpack_subelements %get3A_187, 0 {pack_format = #tpu.pack_format<interleaved>} : vector<32xbf16> -> vector<16xf32>
        %unpack3A_189 = tpu.unpack_subelements %get3A_187, 1 {pack_format = #tpu.pack_format<interleaved>} : vector<32xbf16> -> vector<16xf32>
        %get3A_190 = arith.index_cast %scan3A_168 : i32 to index
        %get3A_191 = arith.constant 32 : index
        %get3A_192 = tpu.vector_load %arg11[%get3A_190, %get3A_191] {strides = array<i32>} : memref<80x96xbf16, #tpu.memory_space<vmem>>, vector<32xbf16>,
        %unpack3A_193 = tpu.unpack_subelements %get3A_192, 0 {pack_format = #tpu.pack_format<interleaved>} : vector<32xbf16> -> vector<16xf32>
        %unpack3A_194 = tpu.unpack_subelements %get3A_192, 1 {pack_format = #tpu.pack_format<interleaved>} : vector<32xbf16> -> vector<16xf32>
        %mul3A_195 = arith.mulf %unpack3A_188, %exp3A : vector<16xf32>
        %swap3A = arith.index_cast %scan3A_168 : i32 to index
        %swap3A_196 = arith.constant 0 : index
        %swap3A_197 = tpu.vector_load %arg15[%swap3A, %swap3A_196] {strides = array<i32>} : memref<80x80xf32, #tpu.memory_space<vmem>>, vector<16xf32>,
        tpu.vector_store %arg15[%swap3A, %swap3A_196], %mul3A_195 {strides = array<i32>} : memref<80x80xf32, #tpu.memory_space<vmem>>, vector<16xf32>,
        %mul3A_198 = arith.mulf %unpack3A_189, %exp3A : vector<16xf32>
        %swap3A_199 = arith.index_cast %scan3A_168 : i32 to index
        %swap3A_200 = arith.constant 16 : index
        %swap3A_201 = tpu.vector_load %arg15[%swap3A_199, %swap3A_200] {strides = array<i32>} : memref<80x80xf32, #tpu.memory_space<vmem>>, vector<16xf32>,
        tpu.vector_store %arg15[%swap3A_199, %swap3A_200], %mul3A_198 {strides = array<i32>} : memref<80x80xf32, #tpu.memory_space<vmem>>, vector<16xf32>,
        %mul3A_202 = arith.mulf %unpack3A_193, %exp3A : vector<16xf32>
        %swap3A_203 = arith.index_cast %scan3A_168 : i32 to index
        %swap3A_204 = arith.constant 32 : index
        %swap3A_205 = tpu.vector_load %arg15[%swap3A_203, %swap3A_204] {strides = array<i32>} : memref<80x80xf32, #tpu.memory_space<vmem>>, vector<16xf32>,
        tpu.vector_store %arg15[%swap3A_203, %swap3A_204], %mul3A_202 {strides = array<i32>} : memref<80x80xf32, #tpu.memory_space<vmem>>, vector<16xf32>,
        %mul3A_206 = arith.mulf %unpack3A_194, %exp3A : vector<16xf32>
        %swap3A_207 = arith.index_cast %scan3A_168 : i32 to index
        %swap3A_208 = arith.constant 48 : index
        %swap3A_209 = tpu.vector_load %arg15[%swap3A_207, %swap3A_208] {strides = array<i32>} : memref<80x80xf32, #tpu.memory_space<vmem>>, vector<16xf32>,
        tpu.vector_store %arg15[%swap3A_207, %swap3A_208], %mul3A_206 {strides = array<i32>} : memref<80x80xf32, #tpu.memory_space<vmem>>, vector<16xf32>,
        %swap3A_210 = arith.index_cast %scan3A_168 : i32 to index
        %swap3A_211 = arith.constant 64 : index
        %swap3A_212 = tpu.vector_load %arg15[%swap3A_210, %swap3A_211] {strides = array<i32>} : memref<80x80xf32, #tpu.memory_space<vmem>>, vector<16xf32>,
        tpu.vector_store %arg15[%swap3A_210, %swap3A_211], %exp3A {strides = array<i32>} : memref<80x80xf32, #tpu.memory_space<vmem>>, vector<16xf32>,
        %scan3A_213 = arith.constant 0 : i32
        %scan3A_214 = arith.constant 1 : i32
        %scan3A_215 = arith.addi %scan3A_168, %scan3A_214 : i32
        %get3A_216 = arith.index_cast %scan3A_215 : i32 to index
        %get3A_217 = arith.constant 64 : index
        %get3A_218 = tpu.vector_load %arg11[%get3A_216, %get3A_217] {strides = array<i32>} : memref<80x96xbf16, #tpu.memory_space<vmem>>, vector<32xbf16>,
        %unpack3A_219 = tpu.unpack_subelements %get3A_218, 0 {pack_format = #tpu.pack_format<interleaved>} : vector<32xbf16> -> vector<16xf32>
        %unpack3A_220 = tpu.unpack_subelements %get3A_218, 1 {pack_format = #tpu.pack_format<interleaved>} : vector<32xbf16> -> vector<16xf32>
        %get3A_221 = arith.index_cast %scan3A_215 : i32 to index
        %get3A_222 = arith.constant 0 : index
        %get3A_223 = tpu.vector_load %arg13[%get3A_221, %get3A_222] {strides = array<i32>} : memref<80x32xbf16, #tpu.memory_space<vmem>>, vector<32xbf16>,
        %unpack3A_224 = tpu.unpack_subelements %get3A_223, 0 {pack_format = #tpu.pack_format<interleaved>} : vector<32xbf16> -> vector<16xf32>
        %unpack3A_225 = tpu.unpack_subelements %get3A_223, 1 {pack_format = #tpu.pack_format<interleaved>} : vector<32xbf16> -> vector<16xf32>
        %add3A_226 = arith.addf %unpack3A_219, %unpack3A_224 : vector<16xf32>
        %ge3A_227 = arith.constant 0.000000e+00 : f32
        %ge3A_228 = vector.broadcast %ge3A_227 : f32 to vector<16xf32>
        %ge3A_229 = arith.cmpf oge, %add3A_226, %ge3A_228 : vector<16xf32>
        %mul3A_230 = arith.constant 2.000000e-01 : f32
        %mul3A_231 = vector.broadcast %mul3A_230 : f32 to vector<16xf32>
        %mul3A_232 = arith.mulf %mul3A_231, %add3A_226 : vector<16xf32>
        %select_n3A_233 = arith.select %ge3A_229, %add3A_226, %mul3A_232 : vector<16xi1>, vector<16xf32>
        %exp3A_234 = math.exp %select_n3A_233 : vector<16xf32>
        %get3A_235 = arith.index_cast %scan3A_215 : i32 to index
        %get3A_236 = arith.constant 0 : index
        %get3A_237 = tpu.vector_load %arg11[%get3A_235, %get3A_236] {strides = array<i32>} : memref<80x96xbf16, #tpu.memory_space<vmem>>, vector<32xbf16>,
        %unpack3A_238 = tpu.unpack_subelements %get3A_237, 0 {pack_format = #tpu.pack_format<interleaved>} : vector<32xbf16> -> vector<16xf32>
        %unpack3A_239 = tpu.unpack_subelements %get3A_237, 1 {pack_format = #tpu.pack_format<interleaved>} : vector<32xbf16> -> vector<16xf32>
        %get3A_240 = arith.index_cast %scan3A_215 : i32 to index
        %get3A_241 = arith.constant 32 : index
        %get3A_242 = tpu.vector_load %arg11[%get3A_240, %get3A_241] {strides = array<i32>} : memref<80x96xbf16, #tpu.memory_space<vmem>>, vector<32xbf16>,
        %unpack3A_243 = tpu.unpack_subelements %get3A_242, 0 {pack_format = #tpu.pack_format<interleaved>} : vector<32xbf16> -> vector<16xf32>
        %unpack3A_244 = tpu.unpack_subelements %get3A_242, 1 {pack_format = #tpu.pack_format<interleaved>} : vector<32xbf16> -> vector<16xf32>
        %mul3A_245 = arith.mulf %unpack3A_238, %exp3A_234 : vector<16xf32>
        %swap3A_246 = arith.index_cast %scan3A_215 : i32 to index
        %swap3A_247 = arith.constant 0 : index
        %swap3A_248 = tpu.vector_load %arg15[%swap3A_246, %swap3A_247] {strides = array<i32>} : memref<80x80xf32, #tpu.memory_space<vmem>>, vector<16xf32>,
        tpu.vector_store %arg15[%swap3A_246, %swap3A_247], %mul3A_245 {strides = array<i32>} : memref<80x80xf32, #tpu.memory_space<vmem>>, vector<16xf32>,
        %mul3A_249 = arith.mulf %unpack3A_239, %exp3A_234 : vector<16xf32>
        %swap3A_250 = arith.index_cast %scan3A_215 : i32 to index
        %swap3A_251 = arith.constant 16 : index
        %swap3A_252 = tpu.vector_load %arg15[%swap3A_250, %swap3A_251] {strides = array<i32>} : memref<80x80xf32, #tpu.memory_space<vmem>>, vector<16xf32>,
        tpu.vector_store %arg15[%swap3A_250, %swap3A_251], %mul3A_249 {strides = array<i32>} : memref<80x80xf32, #tpu.memory_space<vmem>>, vector<16xf32>,
        %mul3A_253 = arith.mulf %unpack3A_243, %exp3A_234 : vector<16xf32>
        %swap3A_254 = arith.index_cast %scan3A_215 : i32 to index
        %swap3A_255 = arith.constant 32 : index
        %swap3A_256 = tpu.vector_load %arg15[%swap3A_254, %swap3A_255] {strides = array<i32>} : memref<80x80xf32, #tpu.memory_space<vmem>>, vector<16xf32>,
        tpu.vector_store %arg15[%swap3A_254, %swap3A_255], %mul3A_253 {strides = array<i32>} : memref<80x80xf32, #tpu.memory_space<vmem>>, vector<16xf32>,
        %mul3A_257 = arith.mulf %unpack3A_244, %exp3A_234 : vector<16xf32>
        %swap3A_258 = arith.index_cast %scan3A_215 : i32 to index
        %swap3A_259 = arith.constant 48 : index
        %swap3A_260 = tpu.vector_load %arg15[%swap3A_258, %swap3A_259] {strides = array<i32>} : memref<80x80xf32, #tpu.memory_space<vmem>>, vector<16xf32>,
        tpu.vector_store %arg15[%swap3A_258, %swap3A_259], %mul3A_257 {strides = array<i32>} : memref<80x80xf32, #tpu.memory_space<vmem>>, vector<16xf32>,
        %swap3A_261 = arith.index_cast %scan3A_215 : i32 to index
        %swap3A_262 = arith.constant 64 : index
        %swap3A_263 = tpu.vector_load %arg15[%swap3A_261, %swap3A_262] {strides = array<i32>} : memref<80x80xf32, #tpu.memory_space<vmem>>, vector<16xf32>,
        tpu.vector_store %arg15[%swap3A_261, %swap3A_262], %exp3A_234 {strides = array<i32>} : memref<80x80xf32, #tpu.memory_space<vmem>>, vector<16xf32>,
        %scan3A_264 = arith.constant 0 : i32
        %scan3A_265 = arith.constant 2 : i32
        %scan3A_266 = arith.addi %scan3A_168, %scan3A_265 : i32
        %get3A_267 = arith.index_cast %scan3A_266 : i32 to index
        %get3A_268 = arith.constant 64 : index
        %get3A_269 = tpu.vector_load %arg11[%get3A_267, %get3A_268] {strides = array<i32>} : memref<80x96xbf16, #tpu.memory_space<vmem>>, vector<32xbf16>,
        %unpack3A_270 = tpu.unpack_subelements %get3A_269, 0 {pack_format = #tpu.pack_format<interleaved>} : vector<32xbf16> -> vector<16xf32>
        %unpack3A_271 = tpu.unpack_subelements %get3A_269, 1 {pack_format = #tpu.pack_format<interleaved>} : vector<32xbf16> -> vector<16xf32>
        %get3A_272 = arith.index_cast %scan3A_266 : i32 to index
        %get3A_273 = arith.constant 0 : index
        %get3A_274 = tpu.vector_load %arg13[%get3A_272, %get3A_273] {strides = array<i32>} : memref<80x32xbf16, #tpu.memory_space<vmem>>, vector<32xbf16>,
        %unpack3A_275 = tpu.unpack_subelements %get3A_274, 0 {pack_format = #tpu.pack_format<interleaved>} : vector<32xbf16> -> vector<16xf32>
        %unpack3A_276 = tpu.unpack_subelements %get3A_274, 1 {pack_format = #tpu.pack_format<interleaved>} : vector<32xbf16> -> vector<16xf32>
        %add3A_277 = arith.addf %unpack3A_270, %unpack3A_275 : vector<16xf32>
        %ge3A_278 = arith.constant 0.000000e+00 : f32
        %ge3A_279 = vector.broadcast %ge3A_278 : f32 to vector<16xf32>
        %ge3A_280 = arith.cmpf oge, %add3A_277, %ge3A_279 : vector<16xf32>
        %mul3A_281 = arith.constant 2.000000e-01 : f32
        %mul3A_282 = vector.broadcast %mul3A_281 : f32 to vector<16xf32>
        %mul3A_283 = arith.mulf %mul3A_282, %add3A_277 : vector<16xf32>
        %select_n3A_284 = arith.select %ge3A_280, %add3A_277, %mul3A_283 : vector<16xi1>, vector<16xf32>
        %exp3A_285 = math.exp %select_n3A_284 : vector<16xf32>
        %get3A_286 = arith.index_cast %scan3A_266 : i32 to index
        %get3A_287 = arith.constant 0 : index
        %get3A_288 = tpu.vector_load %arg11[%get3A_286, %get3A_287] {strides = array<i32>} : memref<80x96xbf16, #tpu.memory_space<vmem>>, vector<32xbf16>,
        %unpack3A_289 = tpu.unpack_subelements %get3A_288, 0 {pack_format = #tpu.pack_format<interleaved>} : vector<32xbf16> -> vector<16xf32>
        %unpack3A_290 = tpu.unpack_subelements %get3A_288, 1 {pack_format = #tpu.pack_format<interleaved>} : vector<32xbf16> -> vector<16xf32>
        %get3A_291 = arith.index_cast %scan3A_266 : i32 to index
        %get3A_292 = arith.constant 32 : index
        %get3A_293 = tpu.vector_load %arg11[%get3A_291, %get3A_292] {strides = array<i32>} : memref<80x96xbf16, #tpu.memory_space<vmem>>, vector<32xbf16>,
        %unpack3A_294 = tpu.unpack_subelements %get3A_293, 0 {pack_format = #tpu.pack_format<interleaved>} : vector<32xbf16> -> vector<16xf32>
        %unpack3A_295 = tpu.unpack_subelements %get3A_293, 1 {pack_format = #tpu.pack_format<interleaved>} : vector<32xbf16> -> vector<16xf32>
        %mul3A_296 = arith.mulf %unpack3A_289, %exp3A_285 : vector<16xf32>
        %swap3A_297 = arith.index_cast %scan3A_266 : i32 to index
        %swap3A_298 = arith.constant 0 : index
        %swap3A_299 = tpu.vector_load %arg15[%swap3A_297, %swap3A_298] {strides = array<i32>} : memref<80x80xf32, #tpu.memory_space<vmem>>, vector<16xf32>,
        tpu.vector_store %arg15[%swap3A_297, %swap3A_298], %mul3A_296 {strides = array<i32>} : memref<80x80xf32, #tpu.memory_space<vmem>>, vector<16xf32>,
        %mul3A_300 = arith.mulf %unpack3A_290, %exp3A_285 : vector<16xf32>
        %swap3A_301 = arith.index_cast %scan3A_266 : i32 to index
        %swap3A_302 = arith.constant 16 : index
        %swap3A_303 = tpu.vector_load %arg15[%swap3A_301, %swap3A_302] {strides = array<i32>} : memref<80x80xf32, #tpu.memory_space<vmem>>, vector<16xf32>,
        tpu.vector_store %arg15[%swap3A_301, %swap3A_302], %mul3A_300 {strides = array<i32>} : memref<80x80xf32, #tpu.memory_space<vmem>>, vector<16xf32>,
        %mul3A_304 = arith.mulf %unpack3A_294, %exp3A_285 : vector<16xf32>
        %swap3A_305 = arith.index_cast %scan3A_266 : i32 to index
        %swap3A_306 = arith.constant 32 : index
        %swap3A_307 = tpu.vector_load %arg15[%swap3A_305, %swap3A_306] {strides = array<i32>} : memref<80x80xf32, #tpu.memory_space<vmem>>, vector<16xf32>,
        tpu.vector_store %arg15[%swap3A_305, %swap3A_306], %mul3A_304 {strides = array<i32>} : memref<80x80xf32, #tpu.memory_space<vmem>>, vector<16xf32>,
        %mul3A_308 = arith.mulf %unpack3A_295, %exp3A_285 : vector<16xf32>
        %swap3A_309 = arith.index_cast %scan3A_266 : i32 to index
        %swap3A_310 = arith.constant 48 : index
        %swap3A_311 = tpu.vector_load %arg15[%swap3A_309, %swap3A_310] {strides = array<i32>} : memref<80x80xf32, #tpu.memory_space<vmem>>, vector<16xf32>,
        tpu.vector_store %arg15[%swap3A_309, %swap3A_310], %mul3A_308 {strides = array<i32>} : memref<80x80xf32, #tpu.memory_space<vmem>>, vector<16xf32>,
        %swap3A_312 = arith.index_cast %scan3A_266 : i32 to index
        %swap3A_313 = arith.constant 64 : index
        %swap3A_314 = tpu.vector_load %arg15[%swap3A_312, %swap3A_313] {strides = array<i32>} : memref<80x80xf32, #tpu.memory_space<vmem>>, vector<16xf32>,
        tpu.vector_store %arg15[%swap3A_312, %swap3A_313], %exp3A_285 {strides = array<i32>} : memref<80x80xf32, #tpu.memory_space<vmem>>, vector<16xf32>,
        %scan3A_315 = arith.constant 0 : i32
        %scan3A_316 = arith.constant 3 : i32
        %scan3A_317 = arith.addi %scan3A_168, %scan3A_316 : i32
        %get3A_318 = arith.index_cast %scan3A_317 : i32 to index
        %get3A_319 = arith.constant 64 : index
        %get3A_320 = tpu.vector_load %arg11[%get3A_318, %get3A_319] {strides = array<i32>} : memref<80x96xbf16, #tpu.memory_space<vmem>>, vector<32xbf16>,
        %unpack3A_321 = tpu.unpack_subelements %get3A_320, 0 {pack_format = #tpu.pack_format<interleaved>} : vector<32xbf16> -> vector<16xf32>
        %unpack3A_322 = tpu.unpack_subelements %get3A_320, 1 {pack_format = #tpu.pack_format<interleaved>} : vector<32xbf16> -> vector<16xf32>
        %get3A_323 = arith.index_cast %scan3A_317 : i32 to index
        %get3A_324 = arith.constant 0 : index
        %get3A_325 = tpu.vector_load %arg13[%get3A_323, %get3A_324] {strides = array<i32>} : memref<80x32xbf16, #tpu.memory_space<vmem>>, vector<32xbf16>,
        %unpack3A_326 = tpu.unpack_subelements %get3A_325, 0 {pack_format = #tpu.pack_format<interleaved>} : vector<32xbf16> -> vector<16xf32>
        %unpack3A_327 = tpu.unpack_subelements %get3A_325, 1 {pack_format = #tpu.pack_format<interleaved>} : vector<32xbf16> -> vector<16xf32>
        %add3A_328 = arith.addf %unpack3A_321, %unpack3A_326 : vector<16xf32>
        %ge3A_329 = arith.constant 0.000000e+00 : f32
        %ge3A_330 = vector.broadcast %ge3A_329 : f32 to vector<16xf32>
        %ge3A_331 = arith.cmpf oge, %add3A_328, %ge3A_330 : vector<16xf32>
        %mul3A_332 = arith.constant 2.000000e-01 : f32
        %mul3A_333 = vector.broadcast %mul3A_332 : f32 to vector<16xf32>
        %mul3A_334 = arith.mulf %mul3A_333, %add3A_328 : vector<16xf32>
        %select_n3A_335 = arith.select %ge3A_331, %add3A_328, %mul3A_334 : vector<16xi1>, vector<16xf32>
        %exp3A_336 = math.exp %select_n3A_335 : vector<16xf32>
        %get3A_337 = arith.index_cast %scan3A_317 : i32 to index
        %get3A_338 = arith.constant 0 : index
        %get3A_339 = tpu.vector_load %arg11[%get3A_337, %get3A_338] {strides = array<i32>} : memref<80x96xbf16, #tpu.memory_space<vmem>>, vector<32xbf16>,
        %unpack3A_340 = tpu.unpack_subelements %get3A_339, 0 {pack_format = #tpu.pack_format<interleaved>} : vector<32xbf16> -> vector<16xf32>
        %unpack3A_341 = tpu.unpack_subelements %get3A_339, 1 {pack_format = #tpu.pack_format<interleaved>} : vector<32xbf16> -> vector<16xf32>
        %get3A_342 = arith.index_cast %scan3A_317 : i32 to index
        %get3A_343 = arith.constant 32 : index
        %get3A_344 = tpu.vector_load %arg11[%get3A_342, %get3A_343] {strides = array<i32>} : memref<80x96xbf16, #tpu.memory_space<vmem>>, vector<32xbf16>,
        %unpack3A_345 = tpu.unpack_subelements %get3A_344, 0 {pack_format = #tpu.pack_format<interleaved>} : vector<32xbf16> -> vector<16xf32>
        %unpack3A_346 = tpu.unpack_subelements %get3A_344, 1 {pack_format = #tpu.pack_format<interleaved>} : vector<32xbf16> -> vector<16xf32>
        %mul3A_347 = arith.mulf %unpack3A_340, %exp3A_336 : vector<16xf32>
        %swap3A_348 = arith.index_cast %scan3A_317 : i32 to index
        %swap3A_349 = arith.constant 0 : index
        %swap3A_350 = tpu.vector_load %arg15[%swap3A_348, %swap3A_349] {strides = array<i32>} : memref<80x80xf32, #tpu.memory_space<vmem>>, vector<16xf32>,
        tpu.vector_store %arg15[%swap3A_348, %swap3A_349], %mul3A_347 {strides = array<i32>} : memref<80x80xf32, #tpu.memory_space<vmem>>, vector<16xf32>,
        %mul3A_351 = arith.mulf %unpack3A_341, %exp3A_336 : vector<16xf32>
        %swap3A_352 = arith.index_cast %scan3A_317 : i32 to index
        %swap3A_353 = arith.constant 16 : index
        %swap3A_354 = tpu.vector_load %arg15[%swap3A_352, %swap3A_353] {strides = array<i32>} : memref<80x80xf32, #tpu.memory_space<vmem>>, vector<16xf32>,
        tpu.vector_store %arg15[%swap3A_352, %swap3A_353], %mul3A_351 {strides = array<i32>} : memref<80x80xf32, #tpu.memory_space<vmem>>, vector<16xf32>,
        %mul3A_355 = arith.mulf %unpack3A_345, %exp3A_336 : vector<16xf32>
        %swap3A_356 = arith.index_cast %scan3A_317 : i32 to index
        %swap3A_357 = arith.constant 32 : index
        %swap3A_358 = tpu.vector_load %arg15[%swap3A_356, %swap3A_357] {strides = array<i32>} : memref<80x80xf32, #tpu.memory_space<vmem>>, vector<16xf32>,
        tpu.vector_store %arg15[%swap3A_356, %swap3A_357], %mul3A_355 {strides = array<i32>} : memref<80x80xf32, #tpu.memory_space<vmem>>, vector<16xf32>,
        %mul3A_359 = arith.mulf %unpack3A_346, %exp3A_336 : vector<16xf32>
        %swap3A_360 = arith.index_cast %scan3A_317 : i32 to index
        %swap3A_361 = arith.constant 48 : index
        %swap3A_362 = tpu.vector_load %arg15[%swap3A_360, %swap3A_361] {strides = array<i32>} : memref<80x80xf32, #tpu.memory_space<vmem>>, vector<16xf32>,
        tpu.vector_store %arg15[%swap3A_360, %swap3A_361], %mul3A_359 {strides = array<i32>} : memref<80x80xf32, #tpu.memory_space<vmem>>, vector<16xf32>,
        %swap3A_363 = arith.index_cast %scan3A_317 : i32 to index
        %swap3A_364 = arith.constant 64 : index
        %swap3A_365 = tpu.vector_load %arg15[%swap3A_363, %swap3A_364] {strides = array<i32>} : memref<80x80xf32, #tpu.memory_space<vmem>>, vector<16xf32>,
        tpu.vector_store %arg15[%swap3A_363, %swap3A_364], %exp3A_336 {strides = array<i32>} : memref<80x80xf32, #tpu.memory_space<vmem>>, vector<16xf32>,
        %scan3A_366 = arith.constant 0 : i32
        scf.yield %scan3A_366 : i32
      }
      %scan3A_153 = arith.constant 80 : i32
      %dma_start3A_154 = arith.constant 0 : i32
      %dma_start3A_155 = tpu.memref_slice %arg9[%add3A_129, %dma_start3A_154] : memref<125x80xi32, #tpu.memory_space<vmem>> -> memref<1x80xi32, #tpu.memory_space<vmem>>
      %dma_start3A_156 = tpu.memref_squeeze %dma_start3A_155 : memref<1x80xi32, #tpu.memory_space<vmem>> -> memref<80xi32, #tpu.memory_space<vmem>>
      %dma_start3A_157 = arith.constant 0 : i32
      %dma_start3A_158 = arith.constant 0 : i32
      %dma_start3A_159 = tpu.memref_slice %arg16[%dma_start3A_157, %dma_start3A_158] : memref<10240x80xf32, #tpu.memory_space<vmem_shared>> -> memref<10240x80xf32, #tpu.memory_space<vmem_shared>>
      tpu.enqueue_indirect_dma source(%arg15 : memref<80x80xf32, #tpu.memory_space<vmem>>) target(%dma_start3A_159 : memref<10240x80xf32, #tpu.memory_space<vmem_shared>>) offsets(%dma_start3A_156 : memref<80xi32, #tpu.memory_space<vmem>>) semaphore(%arg22 : memref<!tpu.dma_semaphore, #tpu.memory_space<semaphore_mem>>) {add = true}
      %add3A_160 = arith.constant 2 : i32
      %add3A_161 = arith.addi %add3A_129, %add3A_160 : i32
      %lt3A_162 = arith.constant 125 : i32
      %lt3A_163 = arith.cmpi slt, %add3A_161, %lt3A_162 : i32
      %convert_element_type3A_164 = arith.extui %lt3A_163 : i1 to i32
      %cond3A_165 = arith.constant 0 : i32
      %cond3A_166 = arith.cmpi ne, %convert_element_type3A_164, %cond3A_165 : i32
      scf.if %cond3A_166 {
        %add3A_168 = arith.constant 2 : i32
        %add3A_169 = arith.addi %add3A_129, %add3A_168 : i32
        %dma_start3A_170 = arith.constant 0 : i32
        %dma_start3A_171 = tpu.memref_slice %arg8[%add3A_169, %dma_start3A_170] : memref<125x80xi32, #tpu.memory_space<vmem>> -> memref<1x80xi32, #tpu.memory_space<vmem>>
        %dma_start3A_172 = tpu.memref_squeeze %dma_start3A_171 : memref<1x80xi32, #tpu.memory_space<vmem>> -> memref<80xi32, #tpu.memory_space<vmem>>
        %dma_start3A_173 = arith.constant 0 : i32
        %dma_start3A_174 = arith.constant 0 : i32
        %dma_start3A_175 = tpu.memref_slice %arg2[%dma_start3A_173, %dma_start3A_174] : memref<10240x96xbf16, #tpu.memory_space<hbm>> -> memref<10240x96xbf16, #tpu.memory_space<hbm>>
        tpu.enqueue_indirect_dma source(%dma_start3A_175 : memref<10240x96xbf16, #tpu.memory_space<hbm>>) target(%arg11 : memref<80x96xbf16, #tpu.memory_space<vmem>>) offsets(%dma_start3A_172 : memref<80xi32, #tpu.memory_space<vmem>>) semaphore(%arg18 : memref<!tpu.dma_semaphore, #tpu.memory_space<semaphore_mem>>)
        %dma_start3A_176 = arith.constant 0 : i32
        %dma_start3A_177 = tpu.memref_slice %arg9[%add3A_169, %dma_start3A_176] : memref<125x80xi32, #tpu.memory_space<vmem>> -> memref<1x80xi32, #tpu.memory_space<vmem>>
        %dma_start3A_178 = tpu.memref_squeeze %dma_start3A_177 : memref<1x80xi32, #tpu.memory_space<vmem>> -> memref<80xi32, #tpu.memory_space<vmem>>
        %dma_start3A_179 = arith.constant 0 : i32
        %dma_start3A_180 = arith.constant 0 : i32
        %dma_start3A_181 = tpu.memref_slice %arg3[%dma_start3A_179, %dma_start3A_180] : memref<10240x32xbf16, #tpu.memory_space<hbm>> -> memref<10240x32xbf16, #tpu.memory_space<hbm>>
        tpu.enqueue_indirect_dma source(%dma_start3A_181 : memref<10240x32xbf16, #tpu.memory_space<hbm>>) target(%arg13 : memref<80x32xbf16, #tpu.memory_space<vmem>>) offsets(%dma_start3A_178 : memref<80xi32, #tpu.memory_space<vmem>>) semaphore(%arg20 : memref<!tpu.dma_semaphore, #tpu.memory_space<semaphore_mem>>)
      } else {
      }
      %scan3A_167 = arith.constant 0 : i32
      scf.yield %scan3A_167 : i32
    }
    %scan3A_37 = arith.constant 62 : i32
    %dma_wait3A = arith.constant 124 : i32
    %dma_wait3A_38 = arith.constant 0 : i32
    %dma_wait3A_39 = tpu.memref_slice %arg8[%dma_wait3A, %dma_wait3A_38] : memref<125x80xi32, #tpu.memory_space<vmem>> -> memref<1x80xi32, #tpu.memory_space<vmem>>
    %dma_wait3A_40 = tpu.memref_squeeze %dma_wait3A_39 : memref<1x80xi32, #tpu.memory_space<vmem>> -> memref<80xi32, #tpu.memory_space<vmem>>
    %dma_wait3A_41 = arith.constant 0 : i32
    %dma_wait3A_42 = arith.constant 0 : i32
    %dma_wait3A_43 = tpu.memref_slice %arg2[%dma_wait3A_41, %dma_wait3A_42] : memref<10240x96xbf16, #tpu.memory_space<hbm>> -> memref<10240x96xbf16, #tpu.memory_space<hbm>>
    tpu.wait_indirect_dma semaphore(%arg17 : memref<!tpu.dma_semaphore, #tpu.memory_space<semaphore_mem>>) src(%dma_wait3A_43 : memref<10240x96xbf16, #tpu.memory_space<hbm>>) dst(%arg10 : memref<80x96xbf16, #tpu.memory_space<vmem>>)
    %dma_wait3A_44 = arith.constant 124 : i32
    %dma_wait3A_45 = arith.constant 0 : i32
    %dma_wait3A_46 = tpu.memref_slice %arg9[%dma_wait3A_44, %dma_wait3A_45] : memref<125x80xi32, #tpu.memory_space<vmem>> -> memref<1x80xi32, #tpu.memory_space<vmem>>
    %dma_wait3A_47 = tpu.memref_squeeze %dma_wait3A_46 : memref<1x80xi32, #tpu.memory_space<vmem>> -> memref<80xi32, #tpu.memory_space<vmem>>
    %dma_wait3A_48 = arith.constant 0 : i32
    %dma_wait3A_49 = arith.constant 0 : i32
    %dma_wait3A_50 = tpu.memref_slice %arg3[%dma_wait3A_48, %dma_wait3A_49] : memref<10240x32xbf16, #tpu.memory_space<hbm>> -> memref<10240x32xbf16, #tpu.memory_space<hbm>>
    tpu.wait_indirect_dma semaphore(%arg19 : memref<!tpu.dma_semaphore, #tpu.memory_space<semaphore_mem>>) src(%dma_wait3A_50 : memref<10240x32xbf16, #tpu.memory_space<hbm>>) dst(%arg12 : memref<80x32xbf16, #tpu.memory_space<vmem>>)
    %dma_wait3A_51 = arith.constant 122 : i32
    %dma_wait3A_52 = arith.constant 0 : i32
    %dma_wait3A_53 = tpu.memref_slice %arg9[%dma_wait3A_51, %dma_wait3A_52] : memref<125x80xi32, #tpu.memory_space<vmem>> -> memref<1x80xi32, #tpu.memory_space<vmem>>
    %dma_wait3A_54 = tpu.memref_squeeze %dma_wait3A_53 : memref<1x80xi32, #tpu.memory_space<vmem>> -> memref<80xi32, #tpu.memory_space<vmem>>
    %dma_wait3A_55 = arith.constant 0 : i32
    %dma_wait3A_56 = arith.constant 0 : i32
    %dma_wait3A_57 = tpu.memref_slice %arg16[%dma_wait3A_55, %dma_wait3A_56] : memref<10240x80xf32, #tpu.memory_space<vmem_shared>> -> memref<10240x80xf32, #tpu.memory_space<vmem_shared>>
    tpu.wait_indirect_dma semaphore(%arg21 : memref<!tpu.dma_semaphore, #tpu.memory_space<semaphore_mem>>) src(%arg14 : memref<80x80xf32, #tpu.memory_space<vmem>>) dst(%dma_wait3A_57 : memref<10240x80xf32, #tpu.memory_space<vmem_shared>>)
    %scan3A_58 = arith.constant 0 : i32
    %scan3A_59 = arith.constant 0 : i32
    %scan3A_60 = arith.constant 80 : i32
    %scan3A_61 = arith.addi %scan3A_59, %scan3A_60 : i32
    %scan3A_62 = arith.constant 4 : i32
    %scan3A_63 = scf.for %scan3A_87 = %scan3A_59 to %scan3A_61 step %scan3A_62 iter_args(%scan3A_88 = %scan3A_58) -> (i32)  : i32 {
      %get3A = arith.index_cast %scan3A_87 : i32 to index
      %get3A_89 = arith.constant 64 : index
      %get3A_90 = tpu.vector_load %arg10[%get3A, %get3A_89] {strides = array<i32>} : memref<80x96xbf16, #tpu.memory_space<vmem>>, vector<32xbf16>,
      %unpack3A = tpu.unpack_subelements %get3A_90, 0 {pack_format = #tpu.pack_format<interleaved>} : vector<32xbf16> -> vector<16xf32>
      %unpack3A_91 = tpu.unpack_subelements %get3A_90, 1 {pack_format = #tpu.pack_format<interleaved>} : vector<32xbf16> -> vector<16xf32>
      %get3A_92 = arith.index_cast %scan3A_87 : i32 to index
      %get3A_93 = arith.constant 0 : index
      %get3A_94 = tpu.vector_load %arg12[%get3A_92, %get3A_93] {strides = array<i32>} : memref<80x32xbf16, #tpu.memory_space<vmem>>, vector<32xbf16>,
      %unpack3A_95 = tpu.unpack_subelements %get3A_94, 0 {pack_format = #tpu.pack_format<interleaved>} : vector<32xbf16> -> vector<16xf32>
      %unpack3A_96 = tpu.unpack_subelements %get3A_94, 1 {pack_format = #tpu.pack_format<interleaved>} : vector<32xbf16> -> vector<16xf32>
      %add3A_97 = arith.addf %unpack3A, %unpack3A_95 : vector<16xf32>
      %ge3A = arith.constant 0.000000e+00 : f32
      %ge3A_98 = vector.broadcast %ge3A : f32 to vector<16xf32>
      %ge3A_99 = arith.cmpf oge, %add3A_97, %ge3A_98 : vector<16xf32>
      %mul3A_100 = arith.constant 2.000000e-01 : f32
      %mul3A_101 = vector.broadcast %mul3A_100 : f32 to vector<16xf32>
      %mul3A_102 = arith.mulf %mul3A_101, %add3A_97 : vector<16xf32>
      %select_n3A = arith.select %ge3A_99, %add3A_97, %mul3A_102 : vector<16xi1>, vector<16xf32>
      %exp3A = math.exp %select_n3A : vector<16xf32>
      %get3A_103 = arith.index_cast %scan3A_87 : i32 to index
      %get3A_104 = arith.constant 0 : index
      %get3A_105 = tpu.vector_load %arg10[%get3A_103, %get3A_104] {strides = array<i32>} : memref<80x96xbf16, #tpu.memory_space<vmem>>, vector<32xbf16>,
      %unpack3A_106 = tpu.unpack_subelements %get3A_105, 0 {pack_format = #tpu.pack_format<interleaved>} : vector<32xbf16> -> vector<16xf32>
      %unpack3A_107 = tpu.unpack_subelements %get3A_105, 1 {pack_format = #tpu.pack_format<interleaved>} : vector<32xbf16> -> vector<16xf32>
      %get3A_108 = arith.index_cast %scan3A_87 : i32 to index
      %get3A_109 = arith.constant 32 : index
      %get3A_110 = tpu.vector_load %arg10[%get3A_108, %get3A_109] {strides = array<i32>} : memref<80x96xbf16, #tpu.memory_space<vmem>>, vector<32xbf16>,
      %unpack3A_111 = tpu.unpack_subelements %get3A_110, 0 {pack_format = #tpu.pack_format<interleaved>} : vector<32xbf16> -> vector<16xf32>
      %unpack3A_112 = tpu.unpack_subelements %get3A_110, 1 {pack_format = #tpu.pack_format<interleaved>} : vector<32xbf16> -> vector<16xf32>
      %mul3A_113 = arith.mulf %unpack3A_106, %exp3A : vector<16xf32>
      %swap3A = arith.index_cast %scan3A_87 : i32 to index
      %swap3A_114 = arith.constant 0 : index
      %swap3A_115 = tpu.vector_load %arg14[%swap3A, %swap3A_114] {strides = array<i32>} : memref<80x80xf32, #tpu.memory_space<vmem>>, vector<16xf32>,
      tpu.vector_store %arg14[%swap3A, %swap3A_114], %mul3A_113 {strides = array<i32>} : memref<80x80xf32, #tpu.memory_space<vmem>>, vector<16xf32>,
      %mul3A_116 = arith.mulf %unpack3A_107, %exp3A : vector<16xf32>
      %swap3A_117 = arith.index_cast %scan3A_87 : i32 to index
      %swap3A_118 = arith.constant 16 : index
      %swap3A_119 = tpu.vector_load %arg14[%swap3A_117, %swap3A_118] {strides = array<i32>} : memref<80x80xf32, #tpu.memory_space<vmem>>, vector<16xf32>,
      tpu.vector_store %arg14[%swap3A_117, %swap3A_118], %mul3A_116 {strides = array<i32>} : memref<80x80xf32, #tpu.memory_space<vmem>>, vector<16xf32>,
      %mul3A_120 = arith.mulf %unpack3A_111, %exp3A : vector<16xf32>
      %swap3A_121 = arith.index_cast %scan3A_87 : i32 to index
      %swap3A_122 = arith.constant 32 : index
      %swap3A_123 = tpu.vector_load %arg14[%swap3A_121, %swap3A_122] {strides = array<i32>} : memref<80x80xf32, #tpu.memory_space<vmem>>, vector<16xf32>,
      tpu.vector_store %arg14[%swap3A_121, %swap3A_122], %mul3A_120 {strides = array<i32>} : memref<80x80xf32, #tpu.memory_space<vmem>>, vector<16xf32>,
      %mul3A_124 = arith.mulf %unpack3A_112, %exp3A : vector<16xf32>
      %swap3A_125 = arith.index_cast %scan3A_87 : i32 to index
      %swap3A_126 = arith.constant 48 : index
      %swap3A_127 = tpu.vector_load %arg14[%swap3A_125, %swap3A_126] {strides = array<i32>} : memref<80x80xf32, #tpu.memory_space<vmem>>, vector<16xf32>,
      tpu.vector_store %arg14[%swap3A_125, %swap3A_126], %mul3A_124 {strides = array<i32>} : memref<80x80xf32, #tpu.memory_space<vmem>>, vector<16xf32>,
      %swap3A_128 = arith.index_cast %scan3A_87 : i32 to index
      %swap3A_129 = arith.constant 64 : index
      %swap3A_130 = tpu.vector_load %arg14[%swap3A_128, %swap3A_129] {strides = array<i32>} : memref<80x80xf32, #tpu.memory_space<vmem>>, vector<16xf32>,
      tpu.vector_store %arg14[%swap3A_128, %swap3A_129], %exp3A {strides = array<i32>} : memref<80x80xf32, #tpu.memory_space<vmem>>, vector<16xf32>,
      %scan3A_131 = arith.constant 0 : i32
      %scan3A_132 = arith.constant 1 : i32
      %scan3A_133 = arith.addi %scan3A_87, %scan3A_132 : i32
      %get3A_134 = arith.index_cast %scan3A_133 : i32 to index
      %get3A_135 = arith.constant 64 : index
      %get3A_136 = tpu.vector_load %arg10[%get3A_134, %get3A_135] {strides = array<i32>} : memref<80x96xbf16, #tpu.memory_space<vmem>>, vector<32xbf16>,
      %unpack3A_137 = tpu.unpack_subelements %get3A_136, 0 {pack_format = #tpu.pack_format<interleaved>} : vector<32xbf16> -> vector<16xf32>
      %unpack3A_138 = tpu.unpack_subelements %get3A_136, 1 {pack_format = #tpu.pack_format<interleaved>} : vector<32xbf16> -> vector<16xf32>
      %get3A_139 = arith.index_cast %scan3A_133 : i32 to index
      %get3A_140 = arith.constant 0 : index
      %get3A_141 = tpu.vector_load %arg12[%get3A_139, %get3A_140] {strides = array<i32>} : memref<80x32xbf16, #tpu.memory_space<vmem>>, vector<32xbf16>,
      %unpack3A_142 = tpu.unpack_subelements %get3A_141, 0 {pack_format = #tpu.pack_format<interleaved>} : vector<32xbf16> -> vector<16xf32>
      %unpack3A_143 = tpu.unpack_subelements %get3A_141, 1 {pack_format = #tpu.pack_format<interleaved>} : vector<32xbf16> -> vector<16xf32>
      %add3A_144 = arith.addf %unpack3A_137, %unpack3A_142 : vector<16xf32>
      %ge3A_145 = arith.constant 0.000000e+00 : f32
      %ge3A_146 = vector.broadcast %ge3A_145 : f32 to vector<16xf32>
      %ge3A_147 = arith.cmpf oge, %add3A_144, %ge3A_146 : vector<16xf32>
      %mul3A_148 = arith.constant 2.000000e-01 : f32
      %mul3A_149 = vector.broadcast %mul3A_148 : f32 to vector<16xf32>
      %mul3A_150 = arith.mulf %mul3A_149, %add3A_144 : vector<16xf32>
      %select_n3A_151 = arith.select %ge3A_147, %add3A_144, %mul3A_150 : vector<16xi1>, vector<16xf32>
      %exp3A_152 = math.exp %select_n3A_151 : vector<16xf32>
      %get3A_153 = arith.index_cast %scan3A_133 : i32 to index
      %get3A_154 = arith.constant 0 : index
      %get3A_155 = tpu.vector_load %arg10[%get3A_153, %get3A_154] {strides = array<i32>} : memref<80x96xbf16, #tpu.memory_space<vmem>>, vector<32xbf16>,
      %unpack3A_156 = tpu.unpack_subelements %get3A_155, 0 {pack_format = #tpu.pack_format<interleaved>} : vector<32xbf16> -> vector<16xf32>
      %unpack3A_157 = tpu.unpack_subelements %get3A_155, 1 {pack_format = #tpu.pack_format<interleaved>} : vector<32xbf16> -> vector<16xf32>
      %get3A_158 = arith.index_cast %scan3A_133 : i32 to index
      %get3A_159 = arith.constant 32 : index
      %get3A_160 = tpu.vector_load %arg10[%get3A_158, %get3A_159] {strides = array<i32>} : memref<80x96xbf16, #tpu.memory_space<vmem>>, vector<32xbf16>,
      %unpack3A_161 = tpu.unpack_subelements %get3A_160, 0 {pack_format = #tpu.pack_format<interleaved>} : vector<32xbf16> -> vector<16xf32>
      %unpack3A_162 = tpu.unpack_subelements %get3A_160, 1 {pack_format = #tpu.pack_format<interleaved>} : vector<32xbf16> -> vector<16xf32>
      %mul3A_163 = arith.mulf %unpack3A_156, %exp3A_152 : vector<16xf32>
      %swap3A_164 = arith.index_cast %scan3A_133 : i32 to index
      %swap3A_165 = arith.constant 0 : index
      %swap3A_166 = tpu.vector_load %arg14[%swap3A_164, %swap3A_165] {strides = array<i32>} : memref<80x80xf32, #tpu.memory_space<vmem>>, vector<16xf32>,
      tpu.vector_store %arg14[%swap3A_164, %swap3A_165], %mul3A_163 {strides = array<i32>} : memref<80x80xf32, #tpu.memory_space<vmem>>, vector<16xf32>,
      %mul3A_167 = arith.mulf %unpack3A_157, %exp3A_152 : vector<16xf32>
      %swap3A_168 = arith.index_cast %scan3A_133 : i32 to index
      %swap3A_169 = arith.constant 16 : index
      %swap3A_170 = tpu.vector_load %arg14[%swap3A_168, %swap3A_169] {strides = array<i32>} : memref<80x80xf32, #tpu.memory_space<vmem>>, vector<16xf32>,
      tpu.vector_store %arg14[%swap3A_168, %swap3A_169], %mul3A_167 {strides = array<i32>} : memref<80x80xf32, #tpu.memory_space<vmem>>, vector<16xf32>,
      %mul3A_171 = arith.mulf %unpack3A_161, %exp3A_152 : vector<16xf32>
      %swap3A_172 = arith.index_cast %scan3A_133 : i32 to index
      %swap3A_173 = arith.constant 32 : index
      %swap3A_174 = tpu.vector_load %arg14[%swap3A_172, %swap3A_173] {strides = array<i32>} : memref<80x80xf32, #tpu.memory_space<vmem>>, vector<16xf32>,
      tpu.vector_store %arg14[%swap3A_172, %swap3A_173], %mul3A_171 {strides = array<i32>} : memref<80x80xf32, #tpu.memory_space<vmem>>, vector<16xf32>,
      %mul3A_175 = arith.mulf %unpack3A_162, %exp3A_152 : vector<16xf32>
      %swap3A_176 = arith.index_cast %scan3A_133 : i32 to index
      %swap3A_177 = arith.constant 48 : index
      %swap3A_178 = tpu.vector_load %arg14[%swap3A_176, %swap3A_177] {strides = array<i32>} : memref<80x80xf32, #tpu.memory_space<vmem>>, vector<16xf32>,
      tpu.vector_store %arg14[%swap3A_176, %swap3A_177], %mul3A_175 {strides = array<i32>} : memref<80x80xf32, #tpu.memory_space<vmem>>, vector<16xf32>,
      %swap3A_179 = arith.index_cast %scan3A_133 : i32 to index
      %swap3A_180 = arith.constant 64 : index
      %swap3A_181 = tpu.vector_load %arg14[%swap3A_179, %swap3A_180] {strides = array<i32>} : memref<80x80xf32, #tpu.memory_space<vmem>>, vector<16xf32>,
      tpu.vector_store %arg14[%swap3A_179, %swap3A_180], %exp3A_152 {strides = array<i32>} : memref<80x80xf32, #tpu.memory_space<vmem>>, vector<16xf32>,
      %scan3A_182 = arith.constant 0 : i32
      %scan3A_183 = arith.constant 2 : i32
      %scan3A_184 = arith.addi %scan3A_87, %scan3A_183 : i32
      %get3A_185 = arith.index_cast %scan3A_184 : i32 to index
      %get3A_186 = arith.constant 64 : index
      %get3A_187 = tpu.vector_load %arg10[%get3A_185, %get3A_186] {strides = array<i32>} : memref<80x96xbf16, #tpu.memory_space<vmem>>, vector<32xbf16>,
      %unpack3A_188 = tpu.unpack_subelements %get3A_187, 0 {pack_format = #tpu.pack_format<interleaved>} : vector<32xbf16> -> vector<16xf32>
      %unpack3A_189 = tpu.unpack_subelements %get3A_187, 1 {pack_format = #tpu.pack_format<interleaved>} : vector<32xbf16> -> vector<16xf32>
      %get3A_190 = arith.index_cast %scan3A_184 : i32 to index
      %get3A_191 = arith.constant 0 : index
      %get3A_192 = tpu.vector_load %arg12[%get3A_190, %get3A_191] {strides = array<i32>} : memref<80x32xbf16, #tpu.memory_space<vmem>>, vector<32xbf16>,
      %unpack3A_193 = tpu.unpack_subelements %get3A_192, 0 {pack_format = #tpu.pack_format<interleaved>} : vector<32xbf16> -> vector<16xf32>
      %unpack3A_194 = tpu.unpack_subelements %get3A_192, 1 {pack_format = #tpu.pack_format<interleaved>} : vector<32xbf16> -> vector<16xf32>
      %add3A_195 = arith.addf %unpack3A_188, %unpack3A_193 : vector<16xf32>
      %ge3A_196 = arith.constant 0.000000e+00 : f32
      %ge3A_197 = vector.broadcast %ge3A_196 : f32 to vector<16xf32>
      %ge3A_198 = arith.cmpf oge, %add3A_195, %ge3A_197 : vector<16xf32>
      %mul3A_199 = arith.constant 2.000000e-01 : f32
      %mul3A_200 = vector.broadcast %mul3A_199 : f32 to vector<16xf32>
      %mul3A_201 = arith.mulf %mul3A_200, %add3A_195 : vector<16xf32>
      %select_n3A_202 = arith.select %ge3A_198, %add3A_195, %mul3A_201 : vector<16xi1>, vector<16xf32>
      %exp3A_203 = math.exp %select_n3A_202 : vector<16xf32>
      %get3A_204 = arith.index_cast %scan3A_184 : i32 to index
      %get3A_205 = arith.constant 0 : index
      %get3A_206 = tpu.vector_load %arg10[%get3A_204, %get3A_205] {strides = array<i32>} : memref<80x96xbf16, #tpu.memory_space<vmem>>, vector<32xbf16>,
      %unpack3A_207 = tpu.unpack_subelements %get3A_206, 0 {pack_format = #tpu.pack_format<interleaved>} : vector<32xbf16> -> vector<16xf32>
      %unpack3A_208 = tpu.unpack_subelements %get3A_206, 1 {pack_format = #tpu.pack_format<interleaved>} : vector<32xbf16> -> vector<16xf32>
      %get3A_209 = arith.index_cast %scan3A_184 : i32 to index
      %get3A_210 = arith.constant 32 : index
      %get3A_211 = tpu.vector_load %arg10[%get3A_209, %get3A_210] {strides = array<i32>} : memref<80x96xbf16, #tpu.memory_space<vmem>>, vector<32xbf16>,
      %unpack3A_212 = tpu.unpack_subelements %get3A_211, 0 {pack_format = #tpu.pack_format<interleaved>} : vector<32xbf16> -> vector<16xf32>
      %unpack3A_213 = tpu.unpack_subelements %get3A_211, 1 {pack_format = #tpu.pack_format<interleaved>} : vector<32xbf16> -> vector<16xf32>
      %mul3A_214 = arith.mulf %unpack3A_207, %exp3A_203 : vector<16xf32>
      %swap3A_215 = arith.index_cast %scan3A_184 : i32 to index
      %swap3A_216 = arith.constant 0 : index
      %swap3A_217 = tpu.vector_load %arg14[%swap3A_215, %swap3A_216] {strides = array<i32>} : memref<80x80xf32, #tpu.memory_space<vmem>>, vector<16xf32>,
      tpu.vector_store %arg14[%swap3A_215, %swap3A_216], %mul3A_214 {strides = array<i32>} : memref<80x80xf32, #tpu.memory_space<vmem>>, vector<16xf32>,
      %mul3A_218 = arith.mulf %unpack3A_208, %exp3A_203 : vector<16xf32>
      %swap3A_219 = arith.index_cast %scan3A_184 : i32 to index
      %swap3A_220 = arith.constant 16 : index
      %swap3A_221 = tpu.vector_load %arg14[%swap3A_219, %swap3A_220] {strides = array<i32>} : memref<80x80xf32, #tpu.memory_space<vmem>>, vector<16xf32>,
      tpu.vector_store %arg14[%swap3A_219, %swap3A_220], %mul3A_218 {strides = array<i32>} : memref<80x80xf32, #tpu.memory_space<vmem>>, vector<16xf32>,
      %mul3A_222 = arith.mulf %unpack3A_212, %exp3A_203 : vector<16xf32>
      %swap3A_223 = arith.index_cast %scan3A_184 : i32 to index
      %swap3A_224 = arith.constant 32 : index
      %swap3A_225 = tpu.vector_load %arg14[%swap3A_223, %swap3A_224] {strides = array<i32>} : memref<80x80xf32, #tpu.memory_space<vmem>>, vector<16xf32>,
      tpu.vector_store %arg14[%swap3A_223, %swap3A_224], %mul3A_222 {strides = array<i32>} : memref<80x80xf32, #tpu.memory_space<vmem>>, vector<16xf32>,
      %mul3A_226 = arith.mulf %unpack3A_213, %exp3A_203 : vector<16xf32>
      %swap3A_227 = arith.index_cast %scan3A_184 : i32 to index
      %swap3A_228 = arith.constant 48 : index
      %swap3A_229 = tpu.vector_load %arg14[%swap3A_227, %swap3A_228] {strides = array<i32>} : memref<80x80xf32, #tpu.memory_space<vmem>>, vector<16xf32>,
      tpu.vector_store %arg14[%swap3A_227, %swap3A_228], %mul3A_226 {strides = array<i32>} : memref<80x80xf32, #tpu.memory_space<vmem>>, vector<16xf32>,
      %swap3A_230 = arith.index_cast %scan3A_184 : i32 to index
      %swap3A_231 = arith.constant 64 : index
      %swap3A_232 = tpu.vector_load %arg14[%swap3A_230, %swap3A_231] {strides = array<i32>} : memref<80x80xf32, #tpu.memory_space<vmem>>, vector<16xf32>,
      tpu.vector_store %arg14[%swap3A_230, %swap3A_231], %exp3A_203 {strides = array<i32>} : memref<80x80xf32, #tpu.memory_space<vmem>>, vector<16xf32>,
      %scan3A_233 = arith.constant 0 : i32
      %scan3A_234 = arith.constant 3 : i32
      %scan3A_235 = arith.addi %scan3A_87, %scan3A_234 : i32
      %get3A_236 = arith.index_cast %scan3A_235 : i32 to index
      %get3A_237 = arith.constant 64 : index
      %get3A_238 = tpu.vector_load %arg10[%get3A_236, %get3A_237] {strides = array<i32>} : memref<80x96xbf16, #tpu.memory_space<vmem>>, vector<32xbf16>,
      %unpack3A_239 = tpu.unpack_subelements %get3A_238, 0 {pack_format = #tpu.pack_format<interleaved>} : vector<32xbf16> -> vector<16xf32>
      %unpack3A_240 = tpu.unpack_subelements %get3A_238, 1 {pack_format = #tpu.pack_format<interleaved>} : vector<32xbf16> -> vector<16xf32>
      %get3A_241 = arith.index_cast %scan3A_235 : i32 to index
      %get3A_242 = arith.constant 0 : index
      %get3A_243 = tpu.vector_load %arg12[%get3A_241, %get3A_242] {strides = array<i32>} : memref<80x32xbf16, #tpu.memory_space<vmem>>, vector<32xbf16>,
      %unpack3A_244 = tpu.unpack_subelements %get3A_243, 0 {pack_format = #tpu.pack_format<interleaved>} : vector<32xbf16> -> vector<16xf32>
      %unpack3A_245 = tpu.unpack_subelements %get3A_243, 1 {pack_format = #tpu.pack_format<interleaved>} : vector<32xbf16> -> vector<16xf32>
      %add3A_246 = arith.addf %unpack3A_239, %unpack3A_244 : vector<16xf32>
      %ge3A_247 = arith.constant 0.000000e+00 : f32
      %ge3A_248 = vector.broadcast %ge3A_247 : f32 to vector<16xf32>
      %ge3A_249 = arith.cmpf oge, %add3A_246, %ge3A_248 : vector<16xf32>
      %mul3A_250 = arith.constant 2.000000e-01 : f32
      %mul3A_251 = vector.broadcast %mul3A_250 : f32 to vector<16xf32>
      %mul3A_252 = arith.mulf %mul3A_251, %add3A_246 : vector<16xf32>
      %select_n3A_253 = arith.select %ge3A_249, %add3A_246, %mul3A_252 : vector<16xi1>, vector<16xf32>
      %exp3A_254 = math.exp %select_n3A_253 : vector<16xf32>
      %get3A_255 = arith.index_cast %scan3A_235 : i32 to index
      %get3A_256 = arith.constant 0 : index
      %get3A_257 = tpu.vector_load %arg10[%get3A_255, %get3A_256] {strides = array<i32>} : memref<80x96xbf16, #tpu.memory_space<vmem>>, vector<32xbf16>,
      %unpack3A_258 = tpu.unpack_subelements %get3A_257, 0 {pack_format = #tpu.pack_format<interleaved>} : vector<32xbf16> -> vector<16xf32>
      %unpack3A_259 = tpu.unpack_subelements %get3A_257, 1 {pack_format = #tpu.pack_format<interleaved>} : vector<32xbf16> -> vector<16xf32>
      %get3A_260 = arith.index_cast %scan3A_235 : i32 to index
      %get3A_261 = arith.constant 32 : index
      %get3A_262 = tpu.vector_load %arg10[%get3A_260, %get3A_261] {strides = array<i32>} : memref<80x96xbf16, #tpu.memory_space<vmem>>, vector<32xbf16>,
      %unpack3A_263 = tpu.unpack_subelements %get3A_262, 0 {pack_format = #tpu.pack_format<interleaved>} : vector<32xbf16> -> vector<16xf32>
      %unpack3A_264 = tpu.unpack_subelements %get3A_262, 1 {pack_format = #tpu.pack_format<interleaved>} : vector<32xbf16> -> vector<16xf32>
      %mul3A_265 = arith.mulf %unpack3A_258, %exp3A_254 : vector<16xf32>
      %swap3A_266 = arith.index_cast %scan3A_235 : i32 to index
      %swap3A_267 = arith.constant 0 : index
      %swap3A_268 = tpu.vector_load %arg14[%swap3A_266, %swap3A_267] {strides = array<i32>} : memref<80x80xf32, #tpu.memory_space<vmem>>, vector<16xf32>,
      tpu.vector_store %arg14[%swap3A_266, %swap3A_267], %mul3A_265 {strides = array<i32>} : memref<80x80xf32, #tpu.memory_space<vmem>>, vector<16xf32>,
      %mul3A_269 = arith.mulf %unpack3A_259, %exp3A_254 : vector<16xf32>
      %swap3A_270 = arith.index_cast %scan3A_235 : i32 to index
      %swap3A_271 = arith.constant 16 : index
      %swap3A_272 = tpu.vector_load %arg14[%swap3A_270, %swap3A_271] {strides = array<i32>} : memref<80x80xf32, #tpu.memory_space<vmem>>, vector<16xf32>,
      tpu.vector_store %arg14[%swap3A_270, %swap3A_271], %mul3A_269 {strides = array<i32>} : memref<80x80xf32, #tpu.memory_space<vmem>>, vector<16xf32>,
      %mul3A_273 = arith.mulf %unpack3A_263, %exp3A_254 : vector<16xf32>
      %swap3A_274 = arith.index_cast %scan3A_235 : i32 to index
      %swap3A_275 = arith.constant 32 : index
      %swap3A_276 = tpu.vector_load %arg14[%swap3A_274, %swap3A_275] {strides = array<i32>} : memref<80x80xf32, #tpu.memory_space<vmem>>, vector<16xf32>,
      tpu.vector_store %arg14[%swap3A_274, %swap3A_275], %mul3A_273 {strides = array<i32>} : memref<80x80xf32, #tpu.memory_space<vmem>>, vector<16xf32>,
      %mul3A_277 = arith.mulf %unpack3A_264, %exp3A_254 : vector<16xf32>
      %swap3A_278 = arith.index_cast %scan3A_235 : i32 to index
      %swap3A_279 = arith.constant 48 : index
      %swap3A_280 = tpu.vector_load %arg14[%swap3A_278, %swap3A_279] {strides = array<i32>} : memref<80x80xf32, #tpu.memory_space<vmem>>, vector<16xf32>,
      tpu.vector_store %arg14[%swap3A_278, %swap3A_279], %mul3A_277 {strides = array<i32>} : memref<80x80xf32, #tpu.memory_space<vmem>>, vector<16xf32>,
      %swap3A_281 = arith.index_cast %scan3A_235 : i32 to index
      %swap3A_282 = arith.constant 64 : index
      %swap3A_283 = tpu.vector_load %arg14[%swap3A_281, %swap3A_282] {strides = array<i32>} : memref<80x80xf32, #tpu.memory_space<vmem>>, vector<16xf32>,
      tpu.vector_store %arg14[%swap3A_281, %swap3A_282], %exp3A_254 {strides = array<i32>} : memref<80x80xf32, #tpu.memory_space<vmem>>, vector<16xf32>,
      %scan3A_284 = arith.constant 0 : i32
      scf.yield %scan3A_284 : i32
    }
    %scan3A_64 = arith.constant 80 : i32
    %dma_start3A_65 = arith.constant 124 : i32
    %dma_start3A_66 = arith.constant 0 : i32
    %dma_start3A_67 = tpu.memref_slice %arg9[%dma_start3A_65, %dma_start3A_66] : memref<125x80xi32, #tpu.memory_space<vmem>> -> memref<1x80xi32, #tpu.memory_space<vmem>>
    %dma_start3A_68 = tpu.memref_squeeze %dma_start3A_67 : memref<1x80xi32, #tpu.memory_space<vmem>> -> memref<80xi32, #tpu.memory_space<vmem>>
    %dma_start3A_69 = arith.constant 0 : i32
    %dma_start3A_70 = arith.constant 0 : i32
    %dma_start3A_71 = tpu.memref_slice %arg16[%dma_start3A_69, %dma_start3A_70] : memref<10240x80xf32, #tpu.memory_space<vmem_shared>> -> memref<10240x80xf32, #tpu.memory_space<vmem_shared>>
    tpu.enqueue_indirect_dma source(%arg14 : memref<80x80xf32, #tpu.memory_space<vmem>>) target(%dma_start3A_71 : memref<10240x80xf32, #tpu.memory_space<vmem_shared>>) offsets(%dma_start3A_68 : memref<80xi32, #tpu.memory_space<vmem>>) semaphore(%arg21 : memref<!tpu.dma_semaphore, #tpu.memory_space<semaphore_mem>>) {add = true}
    %dma_wait3A_72 = arith.constant 123 : i32
    %dma_wait3A_73 = arith.constant 0 : i32
    %dma_wait3A_74 = tpu.memref_slice %arg9[%dma_wait3A_72, %dma_wait3A_73] : memref<125x80xi32, #tpu.memory_space<vmem>> -> memref<1x80xi32, #tpu.memory_space<vmem>>
    %dma_wait3A_75 = tpu.memref_squeeze %dma_wait3A_74 : memref<1x80xi32, #tpu.memory_space<vmem>> -> memref<80xi32, #tpu.memory_space<vmem>>
    %dma_wait3A_76 = arith.constant 0 : i32
    %dma_wait3A_77 = arith.constant 0 : i32
    %dma_wait3A_78 = tpu.memref_slice %arg16[%dma_wait3A_76, %dma_wait3A_77] : memref<10240x80xf32, #tpu.memory_space<vmem_shared>> -> memref<10240x80xf32, #tpu.memory_space<vmem_shared>>
    tpu.wait_indirect_dma semaphore(%arg22 : memref<!tpu.dma_semaphore, #tpu.memory_space<semaphore_mem>>) src(%arg15 : memref<80x80xf32, #tpu.memory_space<vmem>>) dst(%dma_wait3A_78 : memref<10240x80xf32, #tpu.memory_space<vmem_shared>>)
    %dma_wait3A_79 = arith.constant 124 : i32
    %dma_wait3A_80 = arith.constant 0 : i32
    %dma_wait3A_81 = tpu.memref_slice %arg9[%dma_wait3A_79, %dma_wait3A_80] : memref<125x80xi32, #tpu.memory_space<vmem>> -> memref<1x80xi32, #tpu.memory_space<vmem>>
    %dma_wait3A_82 = tpu.memref_squeeze %dma_wait3A_81 : memref<1x80xi32, #tpu.memory_space<vmem>> -> memref<80xi32, #tpu.memory_space<vmem>>
    %dma_wait3A_83 = arith.constant 0 : i32
    %dma_wait3A_84 = arith.constant 0 : i32
    %dma_wait3A_85 = tpu.memref_slice %arg16[%dma_wait3A_83, %dma_wait3A_84] : memref<10240x80xf32, #tpu.memory_space<vmem_shared>> -> memref<10240x80xf32, #tpu.memory_space<vmem_shared>>
    tpu.wait_indirect_dma semaphore(%arg21 : memref<!tpu.dma_semaphore, #tpu.memory_space<semaphore_mem>>) src(%arg14 : memref<80x80xf32, #tpu.memory_space<vmem>>) dst(%dma_wait3A_85 : memref<10240x80xf32, #tpu.memory_space<vmem_shared>>)
    %barrier3A_86 = arith.constant 0 : index
    tpu.barrier barrier_id(%barrier3A_86)
    "tpu.region"() ({
      %run_scoped3A = tpu.sem_alloc : memref<!tpu.dma_semaphore, #tpu.memory_space<semaphore_mem>>
      %dma_start3A_87 = arith.constant 0 : i32
      %dma_start3A_88 = tpu.memref_slice %arg7[%arg0, %mul3A_0, %dma_start3A_87] : memref<2x10240x80xf32, #tpu.memory_space<hbm>> -> memref<1x640x80xf32, #tpu.memory_space<hbm>>
      %dma_start3A_89 = tpu.memref_squeeze %dma_start3A_88 : memref<1x640x80xf32, #tpu.memory_space<hbm>> -> memref<640x80xf32, #tpu.memory_space<hbm>>
      %dma_start3A_90 = arith.constant 0 : i32
      %dma_start3A_91 = tpu.memref_slice %arg16[%mul3A_0, %dma_start3A_90] : memref<10240x80xf32, #tpu.memory_space<vmem_shared>> -> memref<640x80xf32, #tpu.memory_space<vmem_shared>>
      tpu.enqueue_dma source(%dma_start3A_91 : memref<640x80xf32, #tpu.memory_space<vmem_shared>>) target(%dma_start3A_89 : memref<640x80xf32, #tpu.memory_space<hbm>>) target_semaphore(%run_scoped3A : memref<!tpu.dma_semaphore, #tpu.memory_space<semaphore_mem>>)
      %dma_wait3A_92 = arith.constant 0 : i32
      %dma_wait3A_93 = tpu.memref_slice %arg7[%arg0, %mul3A_0, %dma_wait3A_92] : memref<2x10240x80xf32, #tpu.memory_space<hbm>> -> memref<1x640x80xf32, #tpu.memory_space<hbm>>
      %dma_wait3A_94 = tpu.memref_squeeze %dma_wait3A_93 : memref<1x640x80xf32, #tpu.memory_space<hbm>> -> memref<640x80xf32, #tpu.memory_space<hbm>>
      %dma_wait3A_95 = arith.constant 0 : i32
      %dma_wait3A_96 = tpu.memref_slice %arg16[%mul3A_0, %dma_wait3A_95] : memref<10240x80xf32, #tpu.memory_space<vmem_shared>> -> memref<640x80xf32, #tpu.memory_space<vmem_shared>>
      tpu.wait_dma2 semaphore(%run_scoped3A : memref<!tpu.dma_semaphore, #tpu.memory_space<semaphore_mem>>) src(%dma_wait3A_96 : memref<640x80xf32, #tpu.memory_space<vmem_shared>>) dst(%dma_wait3A_94 : memref<640x80xf32, #tpu.memory_space<hbm>>)
      tpu.yield
    }) : () -> ()
    return
  }
}

module attributes {stable_mosaic.version = 14 : i64} {
  func.func @_prep1_body(%arg0: i32, %arg1: memref<640x128xf32, #tpu.memory_space<vmem>>, %arg2: memref<128x96xf32, #tpu.memory_space<vmem>>, %arg3: memref<128x32xf32, #tpu.memory_space<vmem>>, %arg4: memref<640x96xbf16, #tpu.memory_space<vmem>>, %arg5: memref<640x32xbf16, #tpu.memory_space<vmem>>) attributes {dimension_semantics = [#tpu.dimension_semantics<arbitrary>], iteration_bounds = array<i64: 16>, scalar_prefetch = 0 : i64, scratch_operands = 0 : i64, tpu.core_type = #tpu.core_type<tc>, window_params = [{transform_indices = @transform_0, window_bounds = array<i64: 640, 128>}, {pipeline_mode = #tpu.pipeline_mode<synchronous>, transform_indices = @transform_1, window_bounds = array<i64: 128, 96>}, {pipeline_mode = #tpu.pipeline_mode<synchronous>, transform_indices = @transform_2, window_bounds = array<i64: 128, 32>}, {transform_indices = @transform_3, window_bounds = array<i64: 640, 96>}, {transform_indices = @transform_4, window_bounds = array<i64: 640, 32>}]} {
    %get3A = arith.constant 0 : index
    %get3A_0 = arith.constant 0 : index
    %get3A_1 = vector.load %arg1[%get3A, %get3A_0] : memref<640x128xf32, #tpu.memory_space<vmem>>, vector<640x128xf32>
    %get3A_2 = arith.constant 0 : index
    %get3A_3 = arith.constant 0 : index
    %get3A_4 = vector.load %arg2[%get3A_2, %get3A_3] : memref<128x96xf32, #tpu.memory_space<vmem>>, vector<128x96xf32>
    %dot_general3A = arith.constant dense<0.000000e+00> : vector<640x96xf32>
    %dot_general3A_5 = tpu.matmul %get3A_1, %get3A_4, %dot_general3A {dimension_numbers = #tpu.dot_dimension_numbers<[1], [0], [0], [1], [0, 0, 1, 1], [], []>, transpose_lhs_hint = false} : vector<640x128xf32>, vector<128x96xf32>, vector<640x96xf32> -> vector<640x96xf32>
    %convert_element_type3A = arith.truncf %dot_general3A_5 : vector<640x96xf32> to vector<640x96xbf16>
    %swap3A = arith.constant 0 : index
    %swap3A_6 = arith.constant 0 : index
    %swap3A_7 = vector.load %arg4[%swap3A, %swap3A_6] : memref<640x96xbf16, #tpu.memory_space<vmem>>, vector<640x96xbf16>
    tpu.vector_store %arg4[%swap3A, %swap3A_6], %convert_element_type3A {strides = array<i32>} : memref<640x96xbf16, #tpu.memory_space<vmem>>, vector<640x96xbf16>,
    %get3A_8 = arith.constant 0 : index
    %get3A_9 = arith.constant 0 : index
    %get3A_10 = vector.load %arg3[%get3A_8, %get3A_9] : memref<128x32xf32, #tpu.memory_space<vmem>>, vector<128x32xf32>
    %dot_general3A_11 = arith.constant dense<0.000000e+00> : vector<640x32xf32>
    %dot_general3A_12 = tpu.matmul %get3A_1, %get3A_10, %dot_general3A_11 {dimension_numbers = #tpu.dot_dimension_numbers<[1], [0], [0], [1], [0, 0, 1, 1], [], []>, transpose_lhs_hint = false} : vector<640x128xf32>, vector<128x32xf32>, vector<640x32xf32> -> vector<640x32xf32>
    %convert_element_type3A_13 = arith.truncf %dot_general3A_12 : vector<640x32xf32> to vector<640x32xbf16>
    %swap3A_14 = arith.constant 0 : index
    %swap3A_15 = arith.constant 0 : index
    %swap3A_16 = vector.load %arg5[%swap3A_14, %swap3A_15] : memref<640x32xbf16, #tpu.memory_space<vmem>>, vector<640x32xbf16>
    tpu.vector_store %arg5[%swap3A_14, %swap3A_15], %convert_element_type3A_13 {strides = array<i32>} : memref<640x32xbf16, #tpu.memory_space<vmem>>, vector<640x32xbf16>,
    return
  }
  func.func @transform_0(%arg0: i32) -> (i32, i32) {
    %c0_i32 = arith.constant 0 : i32
    %c0_i32_0 = arith.constant 0 : i32
    return %arg0, %c0_i32 : i32, i32
  }
  func.func @transform_1(%arg0: i32) -> (i32, i32) {
    %c0_i32 = arith.constant 0 : i32
    %c0_i32_0 = arith.constant 0 : i32
    %c0_i32_1 = arith.constant 0 : i32
    return %c0_i32, %c0_i32_0 : i32, i32
  }
  func.func @transform_2(%arg0: i32) -> (i32, i32) {
    %c0_i32 = arith.constant 0 : i32
    %c0_i32_0 = arith.constant 0 : i32
    %c0_i32_1 = arith.constant 0 : i32
    return %c0_i32, %c0_i32_0 : i32, i32
  }
  func.func @transform_3(%arg0: i32) -> (i32, i32) {
    %c0_i32 = arith.constant 0 : i32
    %c0_i32_0 = arith.constant 0 : i32
    return %arg0, %c0_i32 : i32, i32
  }
  func.func @transform_4(%arg0: i32) -> (i32, i32) {
    %c0_i32 = arith.constant 0 : i32
    %c0_i32_0 = arith.constant 0 : i32
    return %arg0, %c0_i32 : i32, i32
  }
}

module attributes {stable_mosaic.version = 14 : i64} {
  func.func @_mid_body(%arg0: i32, %arg1: memref<2x640x80xf32, #tpu.memory_space<vmem>>, %arg2: memref<8x64xf32, #tpu.memory_space<vmem>>, %arg3: memref<64x64xf32, #tpu.memory_space<vmem>>, %arg4: memref<64x32xf32, #tpu.memory_space<vmem>>, %arg5: memref<640x64xbf16, #tpu.memory_space<vmem>>, %arg6: memref<640x32xbf16, #tpu.memory_space<vmem>>) attributes {dimension_semantics = [#tpu.dimension_semantics<arbitrary>], iteration_bounds = array<i64: 16>, scalar_prefetch = 0 : i64, scratch_operands = 0 : i64, tpu.core_type = #tpu.core_type<tc>, window_params = [{transform_indices = @transform_0, window_bounds = array<i64: 2, 640, 80>}, {pipeline_mode = #tpu.pipeline_mode<synchronous>, transform_indices = @transform_1, window_bounds = array<i64: 8, 64>}, {pipeline_mode = #tpu.pipeline_mode<synchronous>, transform_indices = @transform_2, window_bounds = array<i64: 64, 64>}, {pipeline_mode = #tpu.pipeline_mode<synchronous>, transform_indices = @transform_3, window_bounds = array<i64: 64, 32>}, {transform_indices = @transform_4, window_bounds = array<i64: 640, 64>}, {transform_indices = @transform_5, window_bounds = array<i64: 640, 32>}]} {
    %get3A = arith.constant 0 : index
    %get3A_0 = arith.constant 0 : index
    %get3A_1 = arith.constant 0 : index
    %get3A_2 = vector.load %arg1[%get3A, %get3A_0, %get3A_1] : memref<2x640x80xf32, #tpu.memory_space<vmem>>, vector<1x640x80xf32>
    %get3A_3 = vector.shape_cast %get3A_2 : vector<1x640x80xf32> to vector<640x80xf32>
    %get3A_4 = arith.constant 1 : index
    %get3A_5 = arith.constant 0 : index
    %get3A_6 = arith.constant 0 : index
    %get3A_7 = vector.load %arg1[%get3A_4, %get3A_5, %get3A_6] : memref<2x640x80xf32, #tpu.memory_space<vmem>>, vector<1x640x80xf32>
    %get3A_8 = vector.shape_cast %get3A_7 : vector<1x640x80xf32> to vector<640x80xf32>
    %add3A = arith.addf %get3A_3, %get3A_8 : vector<640x80xf32>
    %slice3A = vector.extract_strided_slice %add3A {offsets = [0, 64], sizes = [640, 8], strides = [1, 1]} : vector<640x80xf32> to vector<640x8xf32>
    %get3A_9 = arith.constant 0 : index
    %get3A_10 = arith.constant 0 : index
    %get3A_11 = vector.load %arg2[%get3A_9, %get3A_10] : memref<8x64xf32, #tpu.memory_space<vmem>>, vector<8x64xf32>
    %dot_general3A = arith.constant dense<0.000000e+00> : vector<640x64xf32>
    %dot_general3A_12 = tpu.matmul %slice3A, %get3A_11, %dot_general3A {dimension_numbers = #tpu.dot_dimension_numbers<[1], [0], [0], [1], [0, 0, 1, 1], [], []>, transpose_lhs_hint = false} : vector<640x8xf32>, vector<8x64xf32>, vector<640x64xf32> -> vector<640x64xf32>
    %slice3A_13 = vector.extract_strided_slice %add3A {offsets = [0, 0], sizes = [640, 64], strides = [1, 1]} : vector<640x80xf32> to vector<640x64xf32>
    %add3A_14 = arith.constant 1.000000e-16 : f32
    %add3A_15 = vector.broadcast %add3A_14 : f32 to vector<640x64xf32>
    %add3A_16 = arith.addf %dot_general3A_12, %add3A_15 : vector<640x64xf32>
    %div3A = arith.divf %slice3A_13, %add3A_16 : vector<640x64xf32>
    %gt3A = arith.constant 0.000000e+00 : f32
    %gt3A_17 = vector.broadcast %gt3A : f32 to vector<640x64xf32>
    %gt3A_18 = arith.cmpf ogt, %div3A, %gt3A_17 : vector<640x64xf32>
    %exp3A = math.exp %div3A : vector<640x64xf32>
    %sub3A = arith.constant 1.000000e+00 : f32
    %sub3A_19 = vector.broadcast %sub3A : f32 to vector<640x64xf32>
    %sub3A_20 = arith.subf %exp3A, %sub3A_19 : vector<640x64xf32>
    %select_n3A = arith.select %gt3A_18, %div3A, %sub3A_20 : vector<640x64xi1>, vector<640x64xf32>
    %get3A_21 = arith.constant 0 : index
    %get3A_22 = arith.constant 0 : index
    %get3A_23 = vector.load %arg3[%get3A_21, %get3A_22] : memref<64x64xf32, #tpu.memory_space<vmem>>, vector<64x64xf32>
    %dot_general3A_24 = arith.constant dense<0.000000e+00> : vector<640x64xf32>
    %dot_general3A_25 = tpu.matmul %select_n3A, %get3A_23, %dot_general3A_24 {dimension_numbers = #tpu.dot_dimension_numbers<[1], [0], [0], [1], [0, 0, 1, 1], [], []>, transpose_lhs_hint = false} : vector<640x64xf32>, vector<64x64xf32>, vector<640x64xf32> -> vector<640x64xf32>
    %convert_element_type3A = arith.truncf %dot_general3A_25 : vector<640x64xf32> to vector<640x64xbf16>
    %swap3A = arith.constant 0 : index
    %swap3A_26 = arith.constant 0 : index
    %swap3A_27 = vector.load %arg5[%swap3A, %swap3A_26] : memref<640x64xbf16, #tpu.memory_space<vmem>>, vector<640x64xbf16>
    tpu.vector_store %arg5[%swap3A, %swap3A_26], %convert_element_type3A {strides = array<i32>} : memref<640x64xbf16, #tpu.memory_space<vmem>>, vector<640x64xbf16>,
    %get3A_28 = arith.constant 0 : index
    %get3A_29 = arith.constant 0 : index
    %get3A_30 = vector.load %arg4[%get3A_28, %get3A_29] : memref<64x32xf32, #tpu.memory_space<vmem>>, vector<64x32xf32>
    %dot_general3A_31 = arith.constant dense<0.000000e+00> : vector<640x32xf32>
    %dot_general3A_32 = tpu.matmul %select_n3A, %get3A_30, %dot_general3A_31 {dimension_numbers = #tpu.dot_dimension_numbers<[1], [0], [0], [1], [0, 0, 1, 1], [], []>, transpose_lhs_hint = false} : vector<640x64xf32>, vector<64x32xf32>, vector<640x32xf32> -> vector<640x32xf32>
    %convert_element_type3A_33 = arith.truncf %dot_general3A_32 : vector<640x32xf32> to vector<640x32xbf16>
    %swap3A_34 = arith.constant 0 : index
    %swap3A_35 = arith.constant 0 : index
    %swap3A_36 = vector.load %arg6[%swap3A_34, %swap3A_35] : memref<640x32xbf16, #tpu.memory_space<vmem>>, vector<640x32xbf16>
    tpu.vector_store %arg6[%swap3A_34, %swap3A_35], %convert_element_type3A_33 {strides = array<i32>} : memref<640x32xbf16, #tpu.memory_space<vmem>>, vector<640x32xbf16>,
    return
  }
  func.func @transform_0(%arg0: i32) -> (i32, i32, i32) {
    %c0_i32 = arith.constant 0 : i32
    %c0_i32_0 = arith.constant 0 : i32
    %c0_i32_1 = arith.constant 0 : i32
    return %c0_i32, %arg0, %c0_i32_0 : i32, i32, i32
  }
  func.func @transform_1(%arg0: i32) -> (i32, i32) {
    %c0_i32 = arith.constant 0 : i32
    %c0_i32_0 = arith.constant 0 : i32
    %c0_i32_1 = arith.constant 0 : i32
    return %c0_i32, %c0_i32_0 : i32, i32
  }
  func.func @transform_2(%arg0: i32) -> (i32, i32) {
    %c0_i32 = arith.constant 0 : i32
    %c0_i32_0 = arith.constant 0 : i32
    %c0_i32_1 = arith.constant 0 : i32
    return %c0_i32, %c0_i32_0 : i32, i32
  }
  func.func @transform_3(%arg0: i32) -> (i32, i32) {
    %c0_i32 = arith.constant 0 : i32
    %c0_i32_0 = arith.constant 0 : i32
    %c0_i32_1 = arith.constant 0 : i32
    return %c0_i32, %c0_i32_0 : i32, i32
  }
  func.func @transform_4(%arg0: i32) -> (i32, i32) {
    %c0_i32 = arith.constant 0 : i32
    %c0_i32_0 = arith.constant 0 : i32
    return %arg0, %c0_i32 : i32, i32
  }
  func.func @transform_5(%arg0: i32) -> (i32, i32) {
    %c0_i32 = arith.constant 0 : i32
    %c0_i32_0 = arith.constant 0 : i32
    return %arg0, %c0_i32 : i32, i32
  }
}

module attributes {stable_mosaic.version = 14 : i64} {
  func.func @_post_body(%arg0: i32, %arg1: memref<2x1000x48xf32, #tpu.memory_space<vmem>>, %arg2: memref<1000x40xf32, #tpu.memory_space<vmem>>) attributes {dimension_semantics = [#tpu.dimension_semantics<arbitrary>], iteration_bounds = array<i64: 10>, scalar_prefetch = 0 : i64, scratch_operands = 0 : i64, tpu.core_type = #tpu.core_type<tc>, window_params = [{transform_indices = @transform_0, window_bounds = array<i64: 2, 1000, 48>}, {transform_indices = @transform_1, window_bounds = array<i64: 1000, 40>}]} {
    %get3A = arith.constant 0 : index
    %get3A_0 = arith.constant 0 : index
    %get3A_1 = arith.constant 0 : index
    %get3A_2 = vector.load %arg1[%get3A, %get3A_0, %get3A_1] : memref<2x1000x48xf32, #tpu.memory_space<vmem>>, vector<1x1000x48xf32>
    %get3A_3 = vector.shape_cast %get3A_2 : vector<1x1000x48xf32> to vector<1000x48xf32>
    %get3A_4 = arith.constant 1 : index
    %get3A_5 = arith.constant 0 : index
    %get3A_6 = arith.constant 0 : index
    %get3A_7 = vector.load %arg1[%get3A_4, %get3A_5, %get3A_6] : memref<2x1000x48xf32, #tpu.memory_space<vmem>>, vector<1x1000x48xf32>
    %get3A_8 = vector.shape_cast %get3A_7 : vector<1x1000x48xf32> to vector<1000x48xf32>
    %add3A = arith.addf %get3A_3, %get3A_8 : vector<1000x48xf32>
    %slice3A = vector.extract_strided_slice %add3A {offsets = [0, 0], sizes = [1000, 40], strides = [1, 1]} : vector<1000x48xf32> to vector<1000x40xf32>
    %slice3A_9 = vector.extract_strided_slice %add3A {offsets = [0, 40], sizes = [1000, 1], strides = [1, 1]} : vector<1000x48xf32> to vector<1000x1xf32>
    %add3A_10 = arith.constant 1.000000e-16 : f32
    %add3A_11 = vector.broadcast %add3A_10 : f32 to vector<1000x1xf32>
    %add3A_12 = arith.addf %slice3A_9, %add3A_11 : vector<1000x1xf32>
    %div3A = vector.broadcast %add3A_12 : vector<1000x1xf32> to vector<1000x40xf32>
    %div3A_13 = arith.divf %slice3A, %div3A : vector<1000x40xf32>
    %reduce_max3A = arith.constant dense<0xFF800000> : vector<1000xf32>
    %reduce_max3A_14 = vector.multi_reduction <maximumf>, %div3A_13, %reduce_max3A [1] : vector<1000x40xf32> to vector<1000xf32>
    %broadcast_in_dim3A = vector.shape_cast %reduce_max3A_14 : vector<1000xf32> to vector<1000x1xf32>
    %sub3A = vector.broadcast %broadcast_in_dim3A : vector<1000x1xf32> to vector<1000x40xf32>
    %sub3A_15 = arith.subf %div3A_13, %sub3A : vector<1000x40xf32>
    %exp3A = math.exp %sub3A_15 : vector<1000x40xf32>
    %reduce_sum3A = arith.constant dense<0.000000e+00> : vector<1000xf32>
    %reduce_sum3A_16 = vector.multi_reduction <add>, %exp3A, %reduce_sum3A [1] : vector<1000x40xf32> to vector<1000xf32>
    %broadcast_in_dim3A_17 = vector.shape_cast %reduce_sum3A_16 : vector<1000xf32> to vector<1000x1xf32>
    %log3A = math.log %broadcast_in_dim3A_17 : vector<1000x1xf32>
    %sub3A_18 = vector.broadcast %log3A : vector<1000x1xf32> to vector<1000x40xf32>
    %sub3A_19 = arith.subf %sub3A_15, %sub3A_18 : vector<1000x40xf32>
    %swap3A = arith.constant 0 : index
    %swap3A_20 = arith.constant 0 : index
    %swap3A_21 = vector.load %arg2[%swap3A, %swap3A_20] : memref<1000x40xf32, #tpu.memory_space<vmem>>, vector<1000x40xf32>
    tpu.vector_store %arg2[%swap3A, %swap3A_20], %sub3A_19 {strides = array<i32>} : memref<1000x40xf32, #tpu.memory_space<vmem>>, vector<1000x40xf32>,
    return
  }
  func.func @transform_0(%arg0: i32) -> (i32, i32, i32) {
    %c0_i32 = arith.constant 0 : i32
    %c0_i32_0 = arith.constant 0 : i32
    %c0_i32_1 = arith.constant 0 : i32
    return %c0_i32, %arg0, %c0_i32_0 : i32, i32, i32
  }
  func.func @transform_1(%arg0: i32) -> (i32, i32) {
    %c0_i32 = arith.constant 0 : i32
    %c0_i32_0 = arith.constant 0 : i32
    return %arg0, %c0_i32 : i32, i32
  }
}

</mosaic_0001>

<sc_bundles>
// kernel: kernel.10.cloned.1.call-start
scs
__scs_entry_jumppad:
0x0: {  	(pc) =	sbr.rel $0x88, $3  }
0x1: {  	(tag) =	ssettag $0x0;
	lr =	simm.s32 $0x1  }
0x2: {  	[smem:$0x3F99] =	sst lr;
	_ =	strace $0xD0000000  }
0x3: {  	_ = 	snop  }
0x4: {  	_ = 	snop  }
0x5: {  	_ = 	snop  }
0x6: {  	_ = 	snop  }
0x7: {  	_ = 	snop  }
__scs_overlays_trampoline_lowered:
0x8: {  	[smem:$0x3FA8] =	sst s0  }
0x9: {  	[smem:$0x3FA9] =	sst s1  }
0xa: {  	[smem:$0x3FAA] =	sst s2  }
0xb: {  	[smem:$0x3FAB] =	sst s3  }
0xc: {  	[smem:$0x3FAC] =	sst s4  }
0xd: {  	[smem:$0x3FAD] =	sst s5  }
0xe: {  	[smem:$0x3FAE] =	sst s6  }
0xf: {  	[smem:$0x3FAF] =	sst s7  }
0x10: {  	[smem:$0x3FB0] =	sst s8  }
0x11: {  	[smem:$0x3FB1] =	sst s9;
	s0 =	simm.s32 @!p0 $0x0  }
0x12: {  	s1 =	sld [smem:$0x3F97];
	s0 =	simm.s32 @p0 $0x1  }
0x13: {  	[smem:$0x3FB2] =	sst s0;
	s0 =	simm.s32 @!p1 $0x0  }
0x14: {  	s2 =	sld [smem:$0x3F96];
	s0 =	simm.s32 @p1 $0x1  }
0x15: {  	[smem:$0x3FB3] =	sst s0;
	s0 =	simm.s32 @!p2 $0x0  }
0x16: {  	s3 =	sld [smem:$0x3FDB];
	s0 =	simm.s32 @p2 $0x1  }
0x17: {  	s4 =	simm.s32 $0x1BF5;
	[smem:$0x3FB5] =	sst s0  }
0x18: {  	s0 =	sld [smem:$0x3F98];
	_ =	swait.ge [sflag:s4], $0x0  }
0x19: {  	s7 =	sld [smem:$0x3F99]  }
0x1a: {  	s8 =	sadd.s32 $0xFFFFE003, lr  }
0x1b: {  	s9 =	sadd.s32 $0xFFFFFEF7, lr;
	s5 =	simm.s32 $0xFFFFFFFF;
	p2 =	slt.u32 s8, $0xFFFFF086  }
0x1c: {  	p1 =	slt.u32 s9, $0xF7A;
	s5 =	simm.s32 @!p2 $0x0  }
0x1d: {  	s5 =	simm.s32 @p1 $0x1;
	p0 =	seq.s32 s7, s2  }
0x1e: {  	s7 =	smul.u32 @!p0 $0xF7A, s2;
	p2 =	seq.s32 @!p0 s5, $0x0  }
0x1f: {  	s9 =	smul.u32 $0xF7A, s1;
	s8 =	simm.s32 @!p0 $0x1BF5;
	p2 =	por !p2, p0  }
0x20: {  	[sflag:s8] =	ssyncset.s32 @!p0 $0xFFFFF086;
	s6 =	sadd.s32 @!p0 s3, s7;
	s7 =	simm.s32 @!p0 $0x108  }
0x21: {  	s3 =	sadd.s32 s3, s9;
	s6 =	sadd.s32 @!p0 $0x88, s6;
	s7 =	simm.s32 @p2 $0x1082  }
0x22: {  	[simem:s7], [sflag:s8] =	dma.local @!p0 [hbm:s6], $0xF7A  }
0x23: {  	s9 =	sor.u32 $0xD0000000, s2;
	s6 =	simm.s32 $0x108;
	_ =	swait.ge @!p0 [sflag:s8], $0x0  }
0x24: {  	s3 =	sadd.s32 $0x88, s3;
	s6 =	simm.s32 @!p1 $0x1082;
	[sflag:s4] =	ssyncset.s32 $0xFFFFF086  }
0x25: {  	[simem:s6], [sflag:s4] =	dma.local [hbm:s3], $0xF7A  }
0x26: {  	[smem:$0x3F99] =	sst s1;
	(tag) =	ssettag s2;
	_ =	strace s9  }
0x27: {  	s1 =	sld [smem:$0x3FA9]  }
0x28: {  	s2 =	sld [smem:$0x3FAA]  }
0x29: {  	s4 =	sld [smem:$0x3FAC]  }
0x2a: {  	p0 =	seq.s32 s5, $0x0;
	s5 =	sld [smem:$0x3FAD]  }
0x2b: {  	s6 =	sld [smem:$0x3FAE]  }
0x2c: {  	s7 =	sld [smem:$0x3FAF]  }
0x2d: {  	s3 =	simm.s32 $0x108;
	s8 =	sld [smem:$0x3FB0]  }
0x2e: {  	s3 =	simm.s32 @!p0 $0x1082;
	s9 =	sld [smem:$0x3FB1]  }
0x2f: {  	lr =	sadd.s32 s0, s3;
	s0 =	sld [smem:$0x3FA8]  }
0x30: {  	s3 =	sld [smem:$0x3FAB]  }
0x31: {  	[smem:$0x3FB4] =	sst s10  }
0x32: {  	s10 =	sld [smem:$0x3FB2];
	_ =	sdelay $0x3  }
0x33: {  	p0 =	seq.s32 s10, $0x1;
	s10 =	sld [smem:$0x3FB4];
	_ =	sdelay $0x3  }
0x34: {  	[smem:$0x3FB4] =	sst s10  }
0x35: {  	s10 =	sld [smem:$0x3FB3];
	_ =	sdelay $0x3  }
0x36: {  	p1 =	seq.s32 s10, $0x1;
	s10 =	sld [smem:$0x3FB4];
	_ =	sdelay $0x3  }
0x37: {  	[smem:$0x3FB4] =	sst s10  }
0x38: {  	s10 =	sld [smem:$0x3FB5]  }
0x39: {  	_ = 	snop;
	(pc) =	sbr.ind lr, $3  }
0x3a: {  	_ = 	snop  }
0x3b: {  	_ = 	snop  }
0x3c: {  	p2 =	seq.s32 s10, $0x1;
	s10 =	sld [smem:$0x3FB4]  }
0x3d: {  	_ =	shalt  }
0x3e: {  	_ =	shalt  }
0x3f: {  	_ =	shalt  }
0x40: {  	_ =	shalt  }
0x41: {  	_ =	shalt  }
0x42: {  	_ =	shalt  }
0x43: {  	_ =	shalt  }
0x44: {  	_ =	shalt  }
0x45: {  	_ =	shalt  }
0x46: {  	_ =	shalt  }
0x47: {  	_ =	shalt  }
0x48: {  	_ =	shalt  }
0x49: {  	_ =	shalt  }
0x4a: {  	_ =	shalt  }
0x4b: {  	_ =	shalt  }
0x4c: {  	_ =	shalt  }
0x4d: {  	_ =	shalt  }
0x4e: {  	_ =	shalt  }
0x4f: {  	_ =	shalt  }
0x50: {  	_ =	shalt  }
0x51: {  	_ =	shalt  }
0x52: {  	_ =	shalt  }
0x53: {  	_ =	shalt  }
0x54: {  	_ =	shalt  }
0x55: {  	_ =	shalt  }
0x56: {  	_ =	shalt  }
0x57: {  	_ =	shalt  }
0x58: {  	_ =	shalt  }
0x59: {  	_ =	shalt  }
0x5a: {  	_ =	shalt  }
0x5b: {  	_ =	shalt  }
0x5c: {  	_ =	shalt  }
0x5d: {  	_ =	shalt  }
0x5e: {  	_ =	shalt  }
0x5f: {  	_ =	shalt  }
0x60: {  	_ =	shalt  }
0x61: {  	_ =	shalt  }
0x62: {  	_ =	shalt  }
0x63: {  	_ =	shalt  }
0x64: {  	_ =	shalt  }
0x65: {  	_ =	shalt  }
0x66: {  	_ =	shalt  }
0x67: {  	_ =	shalt  }
0x68: {  	_ =	shalt  }
0x69: {  	_ =	shalt  }
0x6a: {  	_ =	shalt  }
0x6b: {  	_ =	shalt  }
0x6c: {  	_ =	shalt  }
0x6d: {  	_ =	shalt  }
0x6e: {  	_ =	shalt  }
0x6f: {  	_ =	shalt  }
0x70: {  	_ =	shalt  }
0x71: {  	_ =	shalt  }
0x72: {  	_ =	shalt  }
0x73: {  	_ =	shalt  }
0x74: {  	_ =	shalt  }
0x75: {  	_ =	shalt  }
0x76: {  	_ =	shalt  }
0x77: {  	_ =	shalt  }
0x78: {  	_ =	shalt  }
0x79: {  	_ =	shalt  }
0x7a: {  	_ =	shalt  }
0x7b: {  	_ =	shalt  }
0x7c: {  	_ =	shalt  }
0x7d: {  	_ =	shalt  }
0x7e: {  	_ =	shalt  }
0x7f: {  	_ =	shalt  }
0x80: {  	_ =	shalt  }
0x81: {  	_ =	shalt  }
0x82: {  	_ =	shalt  }
0x83: {  	_ =	shalt  }
0x84: {  	_ =	shalt  }
0x85: {  	_ =	shalt  }
0x86: {  	_ =	shalt  }
0x87: {  	_ =	shalt  }
.Lfunc_end0:
.L_simem_size_0:
called_computation.1_lowered:
.L_overlay_start_0:
0x88: {  	s2 =	sld [smem:$0x3FD9]  }
0x89: {  	s3 =	sld [smem:$0x3FFE];
	_ =	sdelay $0x1  }
0x8a: {  	s1 =	srdreg.scid  }
0x8b: {  	s0 =	sand.u32 $0x1, s1  }
0x8c: {  	s17 =	sshll.u32 s0, $0xA;
	s2 =	sadd.s32 s3, s2  }
0x8d: {  	s2 =	sadd.s32 s2, s17  }
0x8e: {  	[smem:$0x3FC0] =	sst s2  }
0x8f: {  	_ = 	snop  }
0x90: {  	s2 =	sld [smem:$0x3FD0];
	(tm) =	ssettm $0x1  }
0x91: {  	s18 =	sld [smem:$0x3FFB];
	_ =	sdelay $0x3  }
0x92: {  	_ =	strace s18  }
0x93: {  	s3 =	sld [smem:$0x3FFC];
	_ =	sdelay $0x3  }
0x94: {  	_ =	strace s3  }
0x95: {  	s3 =	sld [smem:$0x3FFD];
	_ =	sdelay $0x3  }
0x96: {  	_ =	strace s3  }
0x97: {  	_ =	strace $0x8FFFFFFF  }
0x98: {  	s19 =	sld [smem:$0x3FDB];
	_ =	sdelay $0x1  }
0x99: {  	s4 =	simm.s32 $_scs_section_size  }
0x9a: {  	s5 =	simm.s32 $_size__tile_overlayer_lowered;
	s6 =	simm.s32 $_tile_overlayer_lowered  }
0x9b: {  	s22 =	simm.s32 $0x1BFF;
	s21 =	sshll.u32 s6, $0x1;
	s3 =	sadd.s32 s4, s19  }
0x9c: {  	s7 =	simm.s32 $0x0;
	s20 =	sshll.u32 s5, $0x1;
	s5 =	sadd.s32 s21, s3  }
0x9d: {  	[timem:s7], [sflag:s22] =	dma.local [hbm:s5], s20  }
0x9e: {  	_ =	swait.ge [sflag:s22], s20  }
0x9f: {  	s4 =	ssub.s32 $0x0, s20;
	[sflag:s22] =	ssyncset.done $0x0  }
0xa0: {  	[sflag:s22] =	ssyncadd.s32 s4;
	_ =	sdelay $0x1  }
0xa1: {  	s23 =	simm.s32 $0x1B8B  }
0xa2: {  	_ =	swait.ge [sflag:s23], $0x1  }
0xa3: {  	[sflag:s23] =	ssyncset.done $0x0  }
0xa4: {  	s25 =	simm.s32 $0x1B8E;
	s24 =	sld [smem:$0x3FFE];
	[sflag:s23] =	ssyncadd.s32 $0xFFFFFFFF  }
0xa5: {  	s26 =	simm.s32 $execute0_lowered;
	[smem:$0x3FD2] =	sst s25  }
0xa6: {  	s5 =	sshll.u32 s26, $0x1;
	_ =	strace $0x80000049;
	[dreg:$0x1] =	wrdreg $0xFFFFFFFF  }
0xa7: {  	s28 =	simm.s32 $_size_execute0_lowered;
	s3 =	sadd.s32 s3, s5;
	[dreg:$0x0] =	wrdreg $0x0  }
0xa8: {  	s5 =	sshll.u32 s28, $0x1;
	[dreg:$0x2] =	wrdreg s3  }
0xa9: {  	[dreg:$0x3] =	wrdreg s5  }
0xaa: {  	[dreg:$0x4] =	wrdreg $0xC0  }
0xab: {  	_ =	task [dreg:s7], $0x5FFFF  }
0xac: {  	[dreg:$0x1] =	wrdreg $0xFFFFFFFF  }
0xad: {  	[dreg:$0x0] =	wrdreg $0x60  }
0xae: {  	[dreg:$0x2] =	wrdreg s2  }
0xaf: {  	[dreg:$0x3] =	wrdreg s24  }
0xb0: {  	[dreg:$0x4] =	wrdreg $0x8A200  }
0xb1: {  	[dreg:$0x5] =	wrdreg $0x9  }
0xb2: {  	_ =	task.clear_ibuf [dreg:s7], $0x6FFFF;
	_ =	strace $0x90000049  }
0xb3: {  	s29 =	simm.s32 $0x9;
	_ =	strace $0x8000004B  }
0xb4: {  	_ =	swait.ge [sflag:s29], $0x1  }
0xb5: {  	[sflag:s29] =	ssyncadd.s32 $0xFFFFFFFF  }
0xb6: {  	_ =	strace $0x9000004B  }
0xb7: {  	_ =	sfence  }
0xb8: {  	s30 =	sld [smem:$0x0];
	_ =	sdelay $0x2  }
0xb9: {  	s31 =	sshll.u32 s1, $0xD;
	s1 =	sshrl.u32 s1, $0x2  }
0xba: {  	s3 =	sand.u32 $0x4000, s31;
	s1 =	sadd.s32 s1, s30  }
0xbb: {  	s0 =	sor.u32 s3, s0;
	s1 =	sshll.u32 s1, $0x11  }
0xbc: {  	s0 =	sor.u32 s1, s0  }
0xbd: {  	s0 =	sadd.s32 $0x8F2B, s0  }
0xbe: {  	[sflag:s0] =	ssyncadd.remote.s32 $0x1  }
0xbf: {  	_ =	sfence.sel $0xFFFF  }
0xc0: {  	[dreg:$0x0] =	wrdreg $0xFFFFFFFF;
	(pc) =	sbr.abs _section_cstart, $3  }
0xc1: {  	[dreg:$0x1] =	wrdreg $0xFFFFFFFF  }
0xc2: {  	_ =	task.clear_ibuf [dreg:s7], $0x2FFFF;
	_ =	strace $0x9FFFFFFF  }
0xc3: {  	(tm) =	ssettm $0x7FFFFFFF  }
tec
execute0_lowered:
.L_overlay_start_1:
0x0: {  	(tag) =	ssettag $0x1  }
0x1: {  	s1 =	rddreg [dreg:$0x0]  }
0x2: {  	s0 =	srdreg.scid;
	s6 =	rddreg [dreg:$0x1]  }
0x3: {  	s11 =	stileid.u32;
	s3 =	rddreg [dreg:$0x2];
	s4 =	simm.s32 $0x0  }
0x4: {  	s13 =	simm.s32 $0x7;
	s15 =	simm.s32 $0x50;
	s16 =	simm.s32 $0x4E20  }
0x5: {  	s17 =	simm.s32 $0x6220;
	s18 =	simm.s32 $0x5820;
	s20 =	simm.s32 $0x6720  }
0x6: {  	s21 =	simm.s32 $0x1;
	s22 =	simm.s32 $0x3;
	s23 =	simm.s32 $0x6C20  }
0x7: {  	s28 =	simm.s32 $0x5;
	s30 =	simm.s32 $0x6;
	s31 =	simm.s32 $0x0  }
0x8: {  	s0 =	sand.u32 $0x1, s0;
	s2 =	sshll.u32 s11, $0x1;
	s7 =	smul.u32 $0x7800, s11  }
0x9: {  	[smem:$0x7FF] =	sst s4;
	s5 =	sadd.s32 $0x1400, s6;
	s26 =	sshll.u32 s11, $0x6  }
0xa: {  	s2 =	sor.u32 s0, s2;
	s8 =	smul.u32 $0x78000, s0;
	_ =	strace $0x8000004A  }
0xb: {  	s0 =	ssub.s32 $0x2, s0;
	s2 =	smul.u32 $0x4E2, s2;
	s9 =	sshrl.u32 s7, $0x3  }
0xc: {  	s10 =	sshrl.u32 s0, $0x1;
	s24 =	sadd.s32 s7, s3;
	s8 =	sadd.s32 s7, s8  }
0xd: {  	s9 =	sadd.s32 s9, s6;
	s0 =	ssub.s32 s0, s10;
	s7 =	sor.u32 $0x1C07, s26  }
0xe: {  	s12 =	sshrl.u32 s24, $0x3;
	s24 =	simm.s32 $0x2;
	s26 =	simm.s32 $0x7B20  }
0xf: {  	s2 =	sadd.s32 s2, s6;
	s8 =	sshrl.u32 s8, $0x3;
	s25 =	sadd.s32 $0x24000, s9  }
0x10: {  	s11 =	smax.u32 s0, $0x1;
	[dreg:$0x4] =	wrdreg s25;
	s29 =	sadd.s32 $0x1A200, s2  }
0x11: {  	s6 =	sadd.s32 s8, s6;
	s2 =	sadd.s32 $0x10400, s2;
	[dreg:$0x5] =	wrdreg s29  }
0x12: {  	vm0 =	vmmov $0xff;
	s25 =	simm.s32 $0x4;
	[dreg:$0x6] =	wrdreg s2;
	s10 =	sadd.s32 $0x33000, s6  }
.LBB2_1:
0x13: {  	s0 =	rddreg [dreg:$0x4]  }
0x14: {  	[spmem:s12], [sflag:s7] =	dma.local [hbm:s0], $0xF00  }
0x15: {  	_ =	swait.ge [sflag:s13], $0xF00  }
0x16: {  	[sflag:s13] =	ssyncset.done $0x0  }
0x17: {  	s14 =	rddreg [dreg:$0x5];
	[sflag:s13] =	ssyncadd.s32 $0xFFFFF100  }
0x18: {  	[tilespmem:s4], [sflag:$0x7] =	stream.linear.gather [hbm4b:s14+s4], $0x2710, $0x38;
	[tilespmem:$0x10220] =	vst v63  }
0x19: {  	_ =	swait.ge [sflag:s13], $0x2710  }
0x1a: {  	[sflag:s13] =	ssyncset.done $0x0  }
0x1b: {  	s2 =	simm.s32 $0x2710;
	s19 =	rddreg [dreg:$0x6];
	[sflag:s13] =	ssyncadd.s32 $0xFFFFD8F0  }
0x1c: {  	[tilespmem:s2], [sflag:$0x7] =	stream.linear.gather [hbm4b:s19+s4], $0x2710, $0x38;
	[tilespmem:$0x10220] =	vst v63  }
0x1d: {  	_ =	swait.ge [sflag:s13], $0x2710  }
0x1e: {  	[sflag:s13] =	ssyncset.done $0x0  }
0x1f: {  	[sflag:s13] =	ssyncadd.s32 $0xFFFFD8F0  }
0x20: {  	[bflag:$0x0] =	sbarrier.arrive $0xFFFF  }
0x21: {  	[tilespmem:s16], [sflag:$0x1] =	stream.indirect.gather [hbm4b:s1+s15], $0x20, s4, s15, $0xb8;
	[tilespmem:$0x10220] =	vst v63  }
0x22: {  	_ = 	snop  }
0x23: {  	[tilespmem:s17], [sflag:$0x3] =	stream.indirect.gather [hbm4b:s5+s15], $0x10, s2, s15, $0xb8;
	[tilespmem:$0x10220] =	vst v63  }
0x24: {  	_ = 	snop  }
0x25: {  	[tilespmem:s18], [sflag:$0x2] =	stream.indirect.gather [hbm4b:s1+s15], $0x20, s15, s15, $0xb8;
	[tilespmem:$0x10220] =	vst v63  }
0x26: {  	s29 =	simm.s32 $0x2760;
	s2 =	simm.s32 $0x0  }
0x27: {  	[tilespmem:s20], [sflag:$0x4] =	stream.indirect.gather [hbm4b:s5+s15], $0x10, s29, s15, $0xb8;
	[tilespmem:$0x10220] =	vst v63  }
.LBB2_2:
0x28: {  	_ =	swait.ge [sflag:s21], $0xA00  }
0x29: {  	[sflag:s21] =	ssyncset.done $0x0  }
0x2a: {  	[sflag:s21] =	ssyncadd.s32 $0xFFFFF600  }
0x2b: {  	_ =	swait.ge [sflag:s22], $0x500  }
0x2c: {  	p0 =	seq.s32 s2, $0x0;
	[sflag:s22] =	ssyncset.done $0x0  }
0x2d: {  	s0 =	simm.s32 @!p0 $0x5;
	[sflag:s22] =	ssyncadd.s32 $0xFFFFFB00  }
0x2e: {  	_ =	swait.ge @!p0 [sflag:s0], $0xF00  }
0x2f: {  	[sflag:s0] =	ssyncset.done @!p0 $0x0  }
0x30: {  	[sflag:s0] =	ssyncadd.s32 @!p0 $0xFFFFF100;
	s0 =	simm.s32 $0x4E60  }
0x31: {  	s19 =	simm.s32 $0x6240;
	v0 =	vld [tilespmem:s0+$0xFFFFFFD0]  }
0x32: {  	v1 =	vld [tilespmem:s19+$0xFFFFFFE0];
	_ =	sdelay $0x4  }
0x33: {  	v2 =	vunpack.i.u.bf16.f32 v0;
	v1 =	vunpack.i.l.bf16.f32 v1  }
0x34: {  	v1 =	vadd.f32 v1, v2;
	_ =	sdelay $0x1  }
0x35: {  	v2 =	vmul.f32 $2.000000030e-01, v1  }
0x36: {  	vm1 =	vge.f32 v1, $0.0e+00  }
0x37: {  	v1 =	vsel vm1, v1, v2  }
0x38: {  	v1 =	vmul.f32 $1.442695020e+00, v1;
	_ =	sdelay $0x1  }
0x39: {  	(erf) = vpow2.f32 v1;
	_ =	sdelay $0x3  }
0x3a: {  	v1 =	vld [tilespmem:s0+$0xFFFFFFC0];
	_ =	sdelay $0x4  }
0x3b: {  	v2 =	vunpack.i.u.bf16.f32 v1;
	v3 =	vpop (erf)  }
0x3c: {  	v0 =	vunpack.i.l.bf16.f32 v0;
	v1 =	vunpack.i.l.bf16.f32 v1;
	v2 =	vmul.f32 v3, v2  }
0x3d: {  	s14 =	simm.s32 $0x6C80;
	v1 =	vmul.f32 v3, v1;
	v0 =	vmul.f32 v3, v0  }
0x3e: {  	[tilespmem:s14+$0xFFFFFFB0] =	vst v2  }
0x3f: {  	[tilespmem:s14+$0xFFFFFFA0] =	vst v1;
	v0 =	vsel vm0, v0, v3  }
0x40: {  	[tilespmem:s14+$0xFFFFFFC0] =	vst v0  }
0x41: {  	v0 =	vld [tilespmem:s0+$0xFFFFFFF0]  }
0x42: {  	v1 =	vld [tilespmem:s19+$0xFFFFFFF0];
	_ =	sdelay $0x4  }
0x43: {  	v2 =	vunpack.i.u.bf16.f32 v0;
	v1 =	vunpack.i.l.bf16.f32 v1  }
0x44: {  	v1 =	vadd.f32 v1, v2;
	_ =	sdelay $0x1  }
0x45: {  	v2 =	vmul.f32 $2.000000030e-01, v1  }
0x46: {  	vm1 =	vge.f32 v1, $0.0e+00  }
0x47: {  	v1 =	vsel vm1, v1, v2  }
0x48: {  	v1 =	vmul.f32 $1.442695020e+00, v1;
	_ =	sdelay $0x1  }
0x49: {  	(erf) = vpow2.f32 v1;
	_ =	sdelay $0x3  }
0x4a: {  	v1 =	vld [tilespmem:s0+$0xFFFFFFE0];
	_ =	sdelay $0x4  }
0x4b: {  	v2 =	vunpack.i.u.bf16.f32 v1;
	v3 =	vpop (erf)  }
0x4c: {  	v0 =	vunpack.i.l.bf16.f32 v0;
	v1 =	vunpack.i.l.bf16.f32 v1;
	v2 =	vmul.f32 v3, v2  }
0x4d: {  	v1 =	vmul.f32 v3, v1;
	v0 =	vmul.f32 v3, v0  }
0x4e: {  	[tilespmem:s14+$0xFFFFFFE0] =	vst v2  }
0x4f: {  	[tilespmem:s14+$0xFFFFFFD0] =	vst v1;
	v0 =	vsel vm0, v0, v3  }
0x50: {  	[tilespmem:s14+$0xFFFFFFF0] =	vst v0  }
0x51: {  	v0 =	vld [tilespmem:s0+$0x10]  }
0x52: {  	v1 =	vld [tilespmem:s19+$0x0];
	_ =	sdelay $0x4  }
0x53: {  	v2 =	vunpack.i.u.bf16.f32 v0;
	v1 =	vunpack.i.l.bf16.f32 v1  }
0x54: {  	v1 =	vadd.f32 v1, v2;
	_ =	sdelay $0x1  }
0x55: {  	v2 =	vmul.f32 $2.000000030e-01, v1  }
0x56: {  	vm1 =	vge.f32 v1, $0.0e+00  }
0x57: {  	v1 =	vsel vm1, v1, v2  }
0x58: {  	v1 =	vmul.f32 $1.442695020e+00, v1;
	_ =	sdelay $0x1  }
0x59: {  	(erf) = vpow2.f32 v1;
	_ =	sdelay $0x3  }
0x5a: {  	v1 =	vld [tilespmem:s0+$0x0];
	_ =	sdelay $0x4  }
0x5b: {  	v2 =	vunpack.i.u.bf16.f32 v1;
	v3 =	vpop (erf)  }
0x5c: {  	v0 =	vunpack.i.l.bf16.f32 v0;
	v1 =	vunpack.i.l.bf16.f32 v1;
	v2 =	vmul.f32 v3, v2  }
0x5d: {  	v1 =	vmul.f32 v3, v1;
	v0 =	vmul.f32 v3, v0  }
0x5e: {  	[tilespmem:s14+$0x10] =	vst v2  }
0x5f: {  	[tilespmem:s14+$0x0] =	vst v1;
	v0 =	vsel vm0, v0, v3  }
0x60: {  	[tilespmem:s14+$0x20] =	vst v0  }
0x61: {  	v0 =	vld [tilespmem:s0+$0x30]  }
0x62: {  	v1 =	vld [tilespmem:s19+$0x10];
	_ =	sdelay $0x4  }
0x63: {  	v2 =	vunpack.i.u.bf16.f32 v0;
	v1 =	vunpack.i.l.bf16.f32 v1  }
0x64: {  	v2 =	vadd.f32 v1, v2;
	_ =	sdelay $0x1  }
0x65: {  	v3 =	vmul.f32 $2.000000030e-01, v2  }
0x66: {  	vm1 =	vge.f32 v2, $0.0e+00  }
0x67: {  	v2 =	vsel vm1, v2, v3  }
0x68: {  	v2 =	vmul.f32 $1.442695020e+00, v2;
	_ =	sdelay $0x1  }
0x69: {  	(erf) = vpow2.f32 v2  }
0x6a: {  	v1 =	vld [tilespmem:s0+$0x20];
	_ =	sdelay $0x4  }
0x6b: {  	s6 =	simm.s32 $0x0;
	s8 =	simm.s32 $0x6D40;
	v2 =	vunpack.i.l.bf16.f32 v1  }
.LBB2_3:
0x6c: {  	s6 =	sadd.s32 $0x4, s6;
	s0 =	sadd.s32 $0x80, s0;
	s19 =	sadd.s32 $0x40, s19  }
0x6d: {  	p1 =	slt.u32 s6, $0x4C  }
0x6e: {  	v0 =	vunpack.i.l.bf16.f32 v0;
	v1 =	vunpack.i.u.bf16.f32 v1;
	v3 =	vpop (erf)  }
0x6f: {  	v2 =	vmul.f32 v3, v2;
	v1 =	vmul.f32 v3, v1  }
0x70: {  	v0 =	vmul.f32 v3, v0  }
0x71: {  	[tilespmem:s14+$0x40] =	vst v1  }
0x72: {  	v0 =	vsel vm0, v0, v3;
	[tilespmem:s14+$0x30] =	vst v2  }
0x73: {  	[tilespmem:s14+$0x50] =	vst v0;
	s14 =	smov.u32 s8  }
0x74: {  	v0 =	vld [tilespmem:s0+$0xFFFFFFD0]  }
0x75: {  	v1 =	vld [tilespmem:s19+$0xFFFFFFE0];
	_ =	sdelay $0x4  }
0x76: {  	v2 =	vunpack.i.u.bf16.f32 v0;
	v1 =	vunpack.i.l.bf16.f32 v1  }
0x77: {  	v1 =	vadd.f32 v1, v2;
	_ =	sdelay $0x1  }
0x78: {  	vm1 =	vge.f32 v1, $0.0e+00;
	v2 =	vmul.f32 $2.000000030e-01, v1;
	_ =	sdelay $0x1  }
0x79: {  	v1 =	vsel vm1, v1, v2  }
0x7a: {  	v1 =	vmul.f32 $1.442695020e+00, v1;
	_ =	sdelay $0x1  }
0x7b: {  	(erf) = vpow2.f32 v1;
	_ =	sdelay $0x3  }
0x7c: {  	v1 =	vld [tilespmem:s0+$0xFFFFFFC0];
	_ =	sdelay $0x4  }
0x7d: {  	v0 =	vunpack.i.l.bf16.f32 v0;
	v2 =	vunpack.i.u.bf16.f32 v1;
	v1 =	vunpack.i.l.bf16.f32 v1;
	v3 =	vpop (erf)  }
0x7e: {  	v1 =	vmul.f32 v3, v1;
	v2 =	vmul.f32 v3, v2  }
0x7f: {  	v0 =	vmul.f32 v3, v0  }
0x80: {  	[tilespmem:s8+$0xFFFFFFB0] =	vst v2  }
0x81: {  	v0 =	vsel vm0, v0, v3;
	[tilespmem:s8+$0xFFFFFFA0] =	vst v1  }
0x82: {  	[tilespmem:s8+$0xFFFFFFC0] =	vst v0  }
0x83: {  	v0 =	vld [tilespmem:s0+$0xFFFFFFF0]  }
0x84: {  	v1 =	vld [tilespmem:s19+$0xFFFFFFF0];
	_ =	sdelay $0x3  }
0x85: {  	v2 =	vunpack.i.u.bf16.f32 v0  }
0x86: {  	v1 =	vunpack.i.l.bf16.f32 v1  }
0x87: {  	v1 =	vadd.f32 v1, v2;
	_ =	sdelay $0x1  }
0x88: {  	vm1 =	vge.f32 v1, $0.0e+00;
	v2 =	vmul.f32 $2.000000030e-01, v1;
	_ =	sdelay $0x1  }
0x89: {  	v1 =	vsel vm1, v1, v2  }
0x8a: {  	v1 =	vmul.f32 $1.442695020e+00, v1;
	_ =	sdelay $0x1  }
0x8b: {  	(erf) = vpow2.f32 v1;
	_ =	sdelay $0x2  }
0x8c: {  	v1 =	vld [tilespmem:s0+$0xFFFFFFE0];
	_ =	sdelay $0x4  }
0x8d: {  	v2 =	vunpack.i.l.bf16.f32 v1  }
0x8e: {  	v0 =	vunpack.i.l.bf16.f32 v0;
	v1 =	vunpack.i.u.bf16.f32 v1;
	v3 =	vpop (erf)  }
0x8f: {  	v2 =	vmul.f32 v3, v2;
	v1 =	vmul.f32 v3, v1  }
0x90: {  	v0 =	vmul.f32 v3, v0  }
0x91: {  	[tilespmem:s8+$0xFFFFFFE0] =	vst v1  }
0x92: {  	v0 =	vsel vm0, v0, v3;
	[tilespmem:s8+$0xFFFFFFD0] =	vst v2  }
0x93: {  	[tilespmem:s8+$0xFFFFFFF0] =	vst v0  }
0x94: {  	v0 =	vld [tilespmem:s0+$0x10]  }
0x95: {  	v1 =	vld [tilespmem:s19+$0x0];
	_ =	sdelay $0x3  }
0x96: {  	v2 =	vunpack.i.u.bf16.f32 v0  }
0x97: {  	v1 =	vunpack.i.l.bf16.f32 v1  }
0x98: {  	v1 =	vadd.f32 v1, v2;
	_ =	sdelay $0x1  }
0x99: {  	vm1 =	vge.f32 v1, $0.0e+00;
	v2 =	vmul.f32 $2.000000030e-01, v1;
	_ =	sdelay $0x1  }
0x9a: {  	v1 =	vsel vm1, v1, v2  }
0x9b: {  	v1 =	vmul.f32 $1.442695020e+00, v1;
	_ =	sdelay $0x1  }
0x9c: {  	(erf) = vpow2.f32 v1  }
0x9d: {  	v1 =	vld [tilespmem:s0+$0x0];
	_ =	sdelay $0x4  }
0x9e: {  	v2 =	vunpack.i.l.bf16.f32 v1;
	_ =	sdelay $0x2  }
0x9f: {  	v0 =	vunpack.i.l.bf16.f32 v0;
	v1 =	vunpack.i.u.bf16.f32 v1;
	v3 =	vpop (erf)  }
0xa0: {  	v2 =	vmul.f32 v3, v2;
	v1 =	vmul.f32 v3, v1  }
0xa1: {  	v0 =	vmul.f32 v3, v0  }
0xa2: {  	[tilespmem:s8+$0x10] =	vst v1  }
0xa3: {  	v0 =	vsel vm0, v0, v3;
	[tilespmem:s8+$0x0] =	vst v2  }
0xa4: {  	[tilespmem:s8+$0x20] =	vst v0  }
0xa5: {  	v0 =	vld [tilespmem:s0+$0x30]  }
0xa6: {  	v2 =	vld [tilespmem:s19+$0x10]  }
0xa7: {  	v1 =	vld [tilespmem:s0+$0x20];
	_ =	sdelay $0x2  }
0xa8: {  	v3 =	vunpack.i.u.bf16.f32 v0  }
0xa9: {  	v2 =	vunpack.i.l.bf16.f32 v2  }
0xaa: {  	v2 =	vadd.f32 v2, v3;
	_ =	sdelay $0x1  }
0xab: {  	vm1 =	vge.f32 v2, $0.0e+00;
	v3 =	vmul.f32 $2.000000030e-01, v2;
	_ =	sdelay $0x1  }
0xac: {  	v2 =	vsel vm1, v2, v3  }
0xad: {  	v2 =	vmul.f32 $1.442695020e+00, v2;
	_ =	sdelay $0x1  }
0xae: {  	(erf) = vpow2.f32 v2;
	_ =	sdelay $0x1  }
.Ltmp0:
0xaf: {  	(pc) =	sbr.rel @p1 .LBB2_3-.Ltmp0, $3  }
0xb0: {  	_ = 	snop  }
0xb1: {  	v2 =	vunpack.i.l.bf16.f32 v1;
	_ =	sdelay $0x1  }
0xb2: {  	s8 =	sadd.s32 $0xC0, s8  }
0xb3: {  	_ =	sdelay $0x1  }
0xb4: {  	v1 =	vunpack.i.u.bf16.f32 v1;
	v3 =	vpop (erf)  }
0xb5: {  	v0 =	vunpack.i.l.bf16.f32 v0;
	v1 =	vmul.f32 v3, v1  }
0xb6: {  	s0 =	smul.u32 $0x280, s2;
	v2 =	vmul.f32 v3, v2;
	v0 =	vmul.f32 v3, v0  }
0xb7: {  	[tilespmem:s14+$0x40] =	vst v1  }
0xb8: {  	s19 =	sshra.s32 s0, $0x2;
	[tilespmem:s14+$0x30] =	vst v2;
	v0 =	vsel vm0, v0, v3  }
0xb9: {  	s0 =	smul.u32 $0xA0, s2;
	s6 =	sadd.s32 $0x2710, s19;
	[tilespmem:s14+$0x50] =	vst v0  }
0xba: {  	[spmem:s3] =	stream.indirect.scatter.add.f32 [tilespmem:s23], [sflag:$0x5], $0x30, s6, s15, $0xb8;
	[tilespmem:$0x10220] =	vst v63  }
0xbb: {  	s9 =	sadd.s32 $0xA0, s0  }
0xbc: {  	[tilespmem:s16], [sflag:$0x1] =	stream.indirect.gather [hbm4b:s1+s15], $0x20, s9, s15, $0xb8;
	[tilespmem:$0x10220] =	vst v63  }
0xbd: {  	s14 =	sadd.s32 $0x27B0, s0  }
0xbe: {  	[tilespmem:s17], [sflag:$0x3] =	stream.indirect.gather [hbm4b:s5+s15], $0x10, s14, s15, $0xb8;
	[tilespmem:$0x10220] =	vst v63  }
0xbf: {  	_ =	swait.ge [sflag:s24], $0xA00  }
0xc0: {  	[sflag:s24] =	ssyncset.done $0x0  }
0xc1: {  	[sflag:s24] =	ssyncadd.s32 $0xFFFFF600  }
0xc2: {  	_ =	swait.ge [sflag:s25], $0x500  }
0xc3: {  	[sflag:s25] =	ssyncset.done $0x0  }
0xc4: {  	s6 =	simm.s32 @!p0 $0x6;
	[sflag:s25] =	ssyncadd.s32 $0xFFFFFB00  }
0xc5: {  	_ =	swait.ge @!p0 [sflag:s6], $0xF00  }
0xc6: {  	[sflag:s6] =	ssyncset.done @!p0 $0x0  }
0xc7: {  	s29 =	simm.s32 $0x5860;
	[sflag:s6] =	ssyncadd.s32 @!p0 $0xFFFFF100  }
0xc8: {  	s14 =	simm.s32 $0x6740;
	v0 =	vld [tilespmem:s29+$0xFFFFFFD0]  }
0xc9: {  	v1 =	vld [tilespmem:s14+$0xFFFFFFE0];
	_ =	sdelay $0x4  }
0xca: {  	v2 =	vunpack.i.u.bf16.f32 v0;
	v1 =	vunpack.i.l.bf16.f32 v1  }
0xcb: {  	v1 =	vadd.f32 v1, v2;
	_ =	sdelay $0x1  }
0xcc: {  	v2 =	vmul.f32 $2.000000030e-01, v1  }
0xcd: {  	vm1 =	vge.f32 v1, $0.0e+00  }
0xce: {  	v1 =	vsel vm1, v1, v2  }
0xcf: {  	v1 =	vmul.f32 $1.442695020e+00, v1;
	_ =	sdelay $0x1  }
0xd0: {  	(erf) = vpow2.f32 v1;
	_ =	sdelay $0x3  }
0xd1: {  	v1 =	vld [tilespmem:s29+$0xFFFFFFC0];
	_ =	sdelay $0x4  }
0xd2: {  	v2 =	vunpack.i.u.bf16.f32 v1;
	v3 =	vpop (erf)  }
0xd3: {  	v0 =	vunpack.i.l.bf16.f32 v0;
	v1 =	vunpack.i.l.bf16.f32 v1;
	v2 =	vmul.f32 v3, v2  }
0xd4: {  	s6 =	simm.s32 $0x7B80;
	v1 =	vmul.f32 v3, v1;
	v0 =	vmul.f32 v3, v0  }
0xd5: {  	[tilespmem:s6+$0xFFFFFFB0] =	vst v2  }
0xd6: {  	[tilespmem:s6+$0xFFFFFFA0] =	vst v1;
	v0 =	vsel vm0, v0, v3  }
0xd7: {  	[tilespmem:s6+$0xFFFFFFC0] =	vst v0  }
0xd8: {  	v0 =	vld [tilespmem:s29+$0xFFFFFFF0]  }
0xd9: {  	v1 =	vld [tilespmem:s14+$0xFFFFFFF0];
	_ =	sdelay $0x4  }
0xda: {  	v2 =	vunpack.i.u.bf16.f32 v0;
	v1 =	vunpack.i.l.bf16.f32 v1  }
0xdb: {  	v1 =	vadd.f32 v1, v2;
	_ =	sdelay $0x1  }
0xdc: {  	v2 =	vmul.f32 $2.000000030e-01, v1  }
0xdd: {  	vm1 =	vge.f32 v1, $0.0e+00  }
0xde: {  	v1 =	vsel vm1, v1, v2  }
0xdf: {  	v1 =	vmul.f32 $1.442695020e+00, v1;
	_ =	sdelay $0x1  }
0xe0: {  	(erf) = vpow2.f32 v1;
	_ =	sdelay $0x3  }
0xe1: {  	v1 =	vld [tilespmem:s29+$0xFFFFFFE0];
	_ =	sdelay $0x4  }
0xe2: {  	v2 =	vunpack.i.u.bf16.f32 v1;
	v3 =	vpop (erf)  }
0xe3: {  	v0 =	vunpack.i.l.bf16.f32 v0;
	v1 =	vunpack.i.l.bf16.f32 v1;
	v2 =	vmul.f32 v3, v2  }
0xe4: {  	v1 =	vmul.f32 v3, v1;
	v0 =	vmul.f32 v3, v0  }
0xe5: {  	[tilespmem:s6+$0xFFFFFFE0] =	vst v2  }
0xe6: {  	[tilespmem:s6+$0xFFFFFFD0] =	vst v1;
	v0 =	vsel vm0, v0, v3  }
0xe7: {  	[tilespmem:s6+$0xFFFFFFF0] =	vst v0  }
0xe8: {  	v0 =	vld [tilespmem:s29+$0x10]  }
0xe9: {  	v1 =	vld [tilespmem:s14+$0x0];
	_ =	sdelay $0x4  }
0xea: {  	v2 =	vunpack.i.u.bf16.f32 v0;
	v1 =	vunpack.i.l.bf16.f32 v1  }
0xeb: {  	v1 =	vadd.f32 v1, v2;
	_ =	sdelay $0x1  }
0xec: {  	v2 =	vmul.f32 $2.000000030e-01, v1  }
0xed: {  	vm1 =	vge.f32 v1, $0.0e+00  }
0xee: {  	v1 =	vsel vm1, v1, v2  }
0xef: {  	v1 =	vmul.f32 $1.442695020e+00, v1;
	_ =	sdelay $0x1  }
0xf0: {  	(erf) = vpow2.f32 v1;
	_ =	sdelay $0x3  }
0xf1: {  	v1 =	vld [tilespmem:s29+$0x0];
	_ =	sdelay $0x4  }
0xf2: {  	v2 =	vunpack.i.u.bf16.f32 v1;
	v3 =	vpop (erf)  }
0xf3: {  	v0 =	vunpack.i.l.bf16.f32 v0;
	v1 =	vunpack.i.l.bf16.f32 v1;
	v2 =	vmul.f32 v3, v2  }
0xf4: {  	v1 =	vmul.f32 v3, v1;
	v0 =	vmul.f32 v3, v0  }
0xf5: {  	[tilespmem:s6+$0x10] =	vst v2  }
0xf6: {  	[tilespmem:s6+$0x0] =	vst v1;
	v0 =	vsel vm0, v0, v3  }
0xf7: {  	[tilespmem:s6+$0x20] =	vst v0  }
0xf8: {  	v0 =	vld [tilespmem:s29+$0x30]  }
0xf9: {  	v1 =	vld [tilespmem:s14+$0x10];
	_ =	sdelay $0x4  }
0xfa: {  	v2 =	vunpack.i.u.bf16.f32 v0;
	v1 =	vunpack.i.l.bf16.f32 v1  }
0xfb: {  	v2 =	vadd.f32 v1, v2;
	_ =	sdelay $0x1  }
0xfc: {  	v3 =	vmul.f32 $2.000000030e-01, v2  }
0xfd: {  	vm1 =	vge.f32 v2, $0.0e+00  }
0xfe: {  	v2 =	vsel vm1, v2, v3  }
0xff: {  	v2 =	vmul.f32 $1.442695020e+00, v2;
	_ =	sdelay $0x1  }
0x100: {  	(erf) = vpow2.f32 v2  }
0x101: {  	v1 =	vld [tilespmem:s29+$0x20];
	_ =	sdelay $0x4  }
0x102: {  	s8 =	simm.s32 $0x0;
	s9 =	simm.s32 $0x7C40;
	v2 =	vunpack.i.l.bf16.f32 v1  }
.LBB2_5:
0x103: {  	s8 =	sadd.s32 $0x4, s8;
	s29 =	sadd.s32 $0x80, s29;
	s14 =	sadd.s32 $0x40, s14  }
0x104: {  	p0 =	slt.u32 s8, $0x4C  }
0x105: {  	v0 =	vunpack.i.l.bf16.f32 v0;
	v1 =	vunpack.i.u.bf16.f32 v1;
	v3 =	vpop (erf)  }
0x106: {  	v2 =	vmul.f32 v3, v2;
	v1 =	vmul.f32 v3, v1  }
0x107: {  	v0 =	vmul.f32 v3, v0  }
0x108: {  	[tilespmem:s6+$0x40] =	vst v1  }
0x109: {  	v0 =	vsel vm0, v0, v3;
	[tilespmem:s6+$0x30] =	vst v2  }
0x10a: {  	[tilespmem:s6+$0x50] =	vst v0;
	s6 =	smov.u32 s9  }
0x10b: {  	v0 =	vld [tilespmem:s29+$0xFFFFFFD0]  }
0x10c: {  	v1 =	vld [tilespmem:s14+$0xFFFFFFE0];
	_ =	sdelay $0x4  }
0x10d: {  	v2 =	vunpack.i.u.bf16.f32 v0;
	v1 =	vunpack.i.l.bf16.f32 v1  }
0x10e: {  	v1 =	vadd.f32 v1, v2;
	_ =	sdelay $0x1  }
0x10f: {  	vm1 =	vge.f32 v1, $0.0e+00;
	v2 =	vmul.f32 $2.000000030e-01, v1;
	_ =	sdelay $0x1  }
0x110: {  	v1 =	vsel vm1, v1, v2  }
0x111: {  	v1 =	vmul.f32 $1.442695020e+00, v1;
	_ =	sdelay $0x1  }
0x112: {  	(erf) = vpow2.f32 v1;
	_ =	sdelay $0x3  }
0x113: {  	v1 =	vld [tilespmem:s29+$0xFFFFFFC0];
	_ =	sdelay $0x4  }
0x114: {  	v0 =	vunpack.i.l.bf16.f32 v0;
	v2 =	vunpack.i.u.bf16.f32 v1;
	v1 =	vunpack.i.l.bf16.f32 v1;
	v3 =	vpop (erf)  }
0x115: {  	v1 =	vmul.f32 v3, v1;
	v2 =	vmul.f32 v3, v2  }
0x116: {  	v0 =	vmul.f32 v3, v0  }
0x117: {  	[tilespmem:s9+$0xFFFFFFB0] =	vst v2  }
0x118: {  	v0 =	vsel vm0, v0, v3;
	[tilespmem:s9+$0xFFFFFFA0] =	vst v1  }
0x119: {  	[tilespmem:s9+$0xFFFFFFC0] =	vst v0  }
0x11a: {  	v0 =	vld [tilespmem:s29+$0xFFFFFFF0]  }
0x11b: {  	v1 =	vld [tilespmem:s14+$0xFFFFFFF0];
	_ =	sdelay $0x3  }
0x11c: {  	v2 =	vunpack.i.u.bf16.f32 v0  }
0x11d: {  	v1 =	vunpack.i.l.bf16.f32 v1  }
0x11e: {  	v1 =	vadd.f32 v1, v2;
	_ =	sdelay $0x1  }
0x11f: {  	vm1 =	vge.f32 v1, $0.0e+00;
	v2 =	vmul.f32 $2.000000030e-01, v1;
	_ =	sdelay $0x1  }
0x120: {  	v1 =	vsel vm1, v1, v2  }
0x121: {  	v1 =	vmul.f32 $1.442695020e+00, v1;
	_ =	sdelay $0x1  }
0x122: {  	(erf) = vpow2.f32 v1;
	_ =	sdelay $0x2  }
0x123: {  	v1 =	vld [tilespmem:s29+$0xFFFFFFE0];
	_ =	sdelay $0x4  }
0x124: {  	v2 =	vunpack.i.l.bf16.f32 v1  }
0x125: {  	v0 =	vunpack.i.l.bf16.f32 v0;
	v1 =	vunpack.i.u.bf16.f32 v1;
	v3 =	vpop (erf)  }
0x126: {  	v2 =	vmul.f32 v3, v2;
	v1 =	vmul.f32 v3, v1  }
0x127: {  	v0 =	vmul.f32 v3, v0  }
0x128: {  	[tilespmem:s9+$0xFFFFFFE0] =	vst v1  }
0x129: {  	v0 =	vsel vm0, v0, v3;
	[tilespmem:s9+$0xFFFFFFD0] =	vst v2  }
0x12a: {  	[tilespmem:s9+$0xFFFFFFF0] =	vst v0  }
0x12b: {  	v0 =	vld [tilespmem:s29+$0x10]  }
0x12c: {  	v1 =	vld [tilespmem:s14+$0x0];
	_ =	sdelay $0x3  }
0x12d: {  	v2 =	vunpack.i.u.bf16.f32 v0  }
0x12e: {  	v1 =	vunpack.i.l.bf16.f32 v1  }
0x12f: {  	v1 =	vadd.f32 v1, v2;
	_ =	sdelay $0x1  }
0x130: {  	vm1 =	vge.f32 v1, $0.0e+00;
	v2 =	vmul.f32 $2.000000030e-01, v1;
	_ =	sdelay $0x1  }
0x131: {  	v1 =	vsel vm1, v1, v2  }
0x132: {  	v1 =	vmul.f32 $1.442695020e+00, v1;
	_ =	sdelay $0x1  }
0x133: {  	(erf) = vpow2.f32 v1  }
0x134: {  	v1 =	vld [tilespmem:s29+$0x0];
	_ =	sdelay $0x4  }
0x135: {  	v2 =	vunpack.i.l.bf16.f32 v1;
	_ =	sdelay $0x2  }
0x136: {  	v0 =	vunpack.i.l.bf16.f32 v0;
	v1 =	vunpack.i.u.bf16.f32 v1;
	v3 =	vpop (erf)  }
0x137: {  	v2 =	vmul.f32 v3, v2;
	v1 =	vmul.f32 v3, v1  }
0x138: {  	v0 =	vmul.f32 v3, v0  }
0x139: {  	[tilespmem:s9+$0x10] =	vst v1  }
0x13a: {  	v0 =	vsel vm0, v0, v3;
	[tilespmem:s9+$0x0] =	vst v2  }
0x13b: {  	[tilespmem:s9+$0x20] =	vst v0  }
0x13c: {  	v0 =	vld [tilespmem:s29+$0x30]  }
0x13d: {  	v2 =	vld [tilespmem:s14+$0x10]  }
0x13e: {  	v1 =	vld [tilespmem:s29+$0x20];
	_ =	sdelay $0x2  }
0x13f: {  	v3 =	vunpack.i.u.bf16.f32 v0  }
0x140: {  	v2 =	vunpack.i.l.bf16.f32 v2  }
0x141: {  	v2 =	vadd.f32 v2, v3;
	_ =	sdelay $0x1  }
0x142: {  	vm1 =	vge.f32 v2, $0.0e+00;
	v3 =	vmul.f32 $2.000000030e-01, v2;
	_ =	sdelay $0x1  }
0x143: {  	v2 =	vsel vm1, v2, v3  }
0x144: {  	v2 =	vmul.f32 $1.442695020e+00, v2;
	_ =	sdelay $0x1  }
0x145: {  	(erf) = vpow2.f32 v2;
	_ =	sdelay $0x1  }
.Ltmp1:
0x146: {  	(pc) =	sbr.rel @p0 .LBB2_5-.Ltmp1, $3  }
0x147: {  	_ = 	snop  }
0x148: {  	v2 =	vunpack.i.l.bf16.f32 v1;
	_ =	sdelay $0x1  }
0x149: {  	s9 =	sadd.s32 $0xC0, s9  }
0x14a: {  	_ =	sdelay $0x1  }
0x14b: {  	v1 =	vunpack.i.u.bf16.f32 v1;
	v3 =	vpop (erf)  }
0x14c: {  	v0 =	vunpack.i.l.bf16.f32 v0;
	p0 =	seq.s32 s2, $0x3D;
	v1 =	vmul.f32 v3, v1  }
.Ltmp2:
0x14d: {  	v2 =	vmul.f32 v3, v2;
	v0 =	vmul.f32 v3, v0;
	(pc) =	sbr.rel @p0 .LBB2_8-.Ltmp2, $4  }
0x14e: {  	[tilespmem:s6+$0x40] =	vst v1  }
0x14f: {  	[tilespmem:s6+$0x30] =	vst v2;
	v0 =	vsel vm0, v0, v3  }
0x150: {  	s29 =	sadd.s32 $0x2760, s19;
	[tilespmem:s6+$0x50] =	vst v0  }
0x151: {  	[spmem:s3] =	stream.indirect.scatter.add.f32 [tilespmem:s26], [sflag:$0x6], $0x30, s29, s15, $0xb8;
	[tilespmem:$0x10220] =	vst v63  }
.Ltmp3:
0x152: {  	(pc) =	sbr.rel .LBB2_2-.Ltmp3, $4  }
0x153: {  	s6 =	sadd.s32 $0xF0, s0  }
0x154: {  	[tilespmem:s18], [sflag:$0x2] =	stream.indirect.gather [hbm4b:s1+s15], $0x20, s6, s15, $0xb8;
	[tilespmem:$0x10220] =	vst v63  }
0x155: {  	s29 =	sadd.s32 $0x2800, s0;
	s2 =	sadd.s32 $0x1, s2  }
0x156: {  	[tilespmem:s20], [sflag:$0x4] =	stream.indirect.gather [hbm4b:s5+s15], $0x10, s29, s15, $0xb8;
	[tilespmem:$0x10220] =	vst v63  }
.LBB2_8:
0x157: {  	_ =	swait.ge [sflag:s21], $0xA00  }
0x158: {  	[sflag:s21] =	ssyncset.done $0x0  }
0x159: {  	[sflag:s21] =	ssyncadd.s32 $0xFFFFF600  }
0x15a: {  	_ =	swait.ge [sflag:s22], $0x500  }
0x15b: {  	[sflag:s22] =	ssyncset.done $0x0  }
0x15c: {  	[sflag:s22] =	ssyncadd.s32 $0xFFFFFB00  }
0x15d: {  	_ =	swait.ge [sflag:s28], $0xF00  }
0x15e: {  	[sflag:s28] =	ssyncset.done $0x0  }
0x15f: {  	s0 =	simm.s32 $0x4E60;
	[sflag:s28] =	ssyncadd.s32 $0xFFFFF100  }
0x160: {  	s2 =	simm.s32 $0x6240;
	v0 =	vld [tilespmem:s0+$0xFFFFFFD0]  }
0x161: {  	v1 =	vld [tilespmem:s2+$0xFFFFFFE0];
	_ =	sdelay $0x4  }
0x162: {  	v2 =	vunpack.i.u.bf16.f32 v0;
	v1 =	vunpack.i.l.bf16.f32 v1  }
0x163: {  	v1 =	vadd.f32 v1, v2;
	_ =	sdelay $0x1  }
0x164: {  	v2 =	vmul.f32 $2.000000030e-01, v1  }
0x165: {  	vm1 =	vge.f32 v1, $0.0e+00  }
0x166: {  	v1 =	vsel vm1, v1, v2  }
0x167: {  	v1 =	vmul.f32 $1.442695020e+00, v1;
	_ =	sdelay $0x1  }
0x168: {  	(erf) = vpow2.f32 v1;
	_ =	sdelay $0x3  }
0x169: {  	v1 =	vld [tilespmem:s0+$0xFFFFFFC0];
	_ =	sdelay $0x4  }
0x16a: {  	v2 =	vunpack.i.u.bf16.f32 v1;
	v3 =	vpop (erf)  }
0x16b: {  	v0 =	vunpack.i.l.bf16.f32 v0;
	v1 =	vunpack.i.l.bf16.f32 v1;
	v2 =	vmul.f32 v3, v2  }
0x16c: {  	s6 =	simm.s32 $0x6C80;
	v1 =	vmul.f32 v3, v1;
	v0 =	vmul.f32 v3, v0  }
0x16d: {  	[tilespmem:s6+$0xFFFFFFB0] =	vst v2  }
0x16e: {  	[tilespmem:s6+$0xFFFFFFA0] =	vst v1;
	v0 =	vsel vm0, v0, v3  }
0x16f: {  	[tilespmem:s6+$0xFFFFFFC0] =	vst v0  }
0x170: {  	v0 =	vld [tilespmem:s0+$0xFFFFFFF0]  }
0x171: {  	v1 =	vld [tilespmem:s2+$0xFFFFFFF0];
	_ =	sdelay $0x4  }
0x172: {  	v2 =	vunpack.i.u.bf16.f32 v0;
	v1 =	vunpack.i.l.bf16.f32 v1  }
0x173: {  	v1 =	vadd.f32 v1, v2;
	_ =	sdelay $0x1  }
0x174: {  	v2 =	vmul.f32 $2.000000030e-01, v1  }
0x175: {  	vm1 =	vge.f32 v1, $0.0e+00  }
0x176: {  	v1 =	vsel vm1, v1, v2  }
0x177: {  	v1 =	vmul.f32 $1.442695020e+00, v1;
	_ =	sdelay $0x1  }
0x178: {  	(erf) = vpow2.f32 v1;
	_ =	sdelay $0x3  }
0x179: {  	v1 =	vld [tilespmem:s0+$0xFFFFFFE0];
	_ =	sdelay $0x4  }
0x17a: {  	v2 =	vunpack.i.u.bf16.f32 v1;
	v3 =	vpop (erf)  }
0x17b: {  	v0 =	vunpack.i.l.bf16.f32 v0;
	v1 =	vunpack.i.l.bf16.f32 v1;
	v2 =	vmul.f32 v3, v2  }
0x17c: {  	v1 =	vmul.f32 v3, v1;
	v0 =	vmul.f32 v3, v0  }
0x17d: {  	[tilespmem:s6+$0xFFFFFFE0] =	vst v2  }
0x17e: {  	[tilespmem:s6+$0xFFFFFFD0] =	vst v1;
	v0 =	vsel vm0, v0, v3  }
0x17f: {  	[tilespmem:s6+$0xFFFFFFF0] =	vst v0  }
0x180: {  	v0 =	vld [tilespmem:s0+$0x10]  }
0x181: {  	v1 =	vld [tilespmem:s2+$0x0];
	_ =	sdelay $0x4  }
0x182: {  	v2 =	vunpack.i.u.bf16.f32 v0;
	v1 =	vunpack.i.l.bf16.f32 v1  }
0x183: {  	v1 =	vadd.f32 v1, v2;
	_ =	sdelay $0x1  }
0x184: {  	v2 =	vmul.f32 $2.000000030e-01, v1  }
0x185: {  	vm1 =	vge.f32 v1, $0.0e+00  }
0x186: {  	v1 =	vsel vm1, v1, v2  }
0x187: {  	v1 =	vmul.f32 $1.442695020e+00, v1;
	_ =	sdelay $0x1  }
0x188: {  	(erf) = vpow2.f32 v1;
	_ =	sdelay $0x3  }
0x189: {  	v1 =	vld [tilespmem:s0+$0x0];
	_ =	sdelay $0x4  }
0x18a: {  	v2 =	vunpack.i.u.bf16.f32 v1;
	v3 =	vpop (erf)  }
0x18b: {  	v0 =	vunpack.i.l.bf16.f32 v0;
	v1 =	vunpack.i.l.bf16.f32 v1;
	v2 =	vmul.f32 v3, v2  }
0x18c: {  	v1 =	vmul.f32 v3, v1;
	v0 =	vmul.f32 v3, v0  }
0x18d: {  	[tilespmem:s6+$0x10] =	vst v2  }
0x18e: {  	[tilespmem:s6+$0x0] =	vst v1;
	v0 =	vsel vm0, v0, v3  }
0x18f: {  	[tilespmem:s6+$0x20] =	vst v0  }
0x190: {  	v0 =	vld [tilespmem:s0+$0x30]  }
0x191: {  	v1 =	vld [tilespmem:s2+$0x10];
	_ =	sdelay $0x4  }
0x192: {  	v2 =	vunpack.i.u.bf16.f32 v0;
	v1 =	vunpack.i.l.bf16.f32 v1  }
0x193: {  	v2 =	vadd.f32 v1, v2;
	_ =	sdelay $0x1  }
0x194: {  	v3 =	vmul.f32 $2.000000030e-01, v2  }
0x195: {  	vm1 =	vge.f32 v2, $0.0e+00  }
0x196: {  	v2 =	vsel vm1, v2, v3  }
0x197: {  	v2 =	vmul.f32 $1.442695020e+00, v2;
	_ =	sdelay $0x1  }
0x198: {  	(erf) = vpow2.f32 v2  }
0x199: {  	v1 =	vld [tilespmem:s0+$0x20];
	_ =	sdelay $0x4  }
0x19a: {  	s8 =	simm.s32 $0x0;
	s9 =	simm.s32 $0x6D40;
	v2 =	vunpack.i.l.bf16.f32 v1  }
.LBB2_9:
0x19b: {  	s8 =	sadd.s32 $0x4, s8;
	s0 =	sadd.s32 $0x80, s0;
	s2 =	sadd.s32 $0x40, s2  }
0x19c: {  	p0 =	slt.u32 s8, $0x4C  }
0x19d: {  	v0 =	vunpack.i.l.bf16.f32 v0;
	v1 =	vunpack.i.u.bf16.f32 v1;
	v3 =	vpop (erf)  }
0x19e: {  	v2 =	vmul.f32 v3, v2;
	v1 =	vmul.f32 v3, v1  }
0x19f: {  	v0 =	vmul.f32 v3, v0  }
0x1a0: {  	[tilespmem:s6+$0x40] =	vst v1  }
0x1a1: {  	v0 =	vsel vm0, v0, v3;
	[tilespmem:s6+$0x30] =	vst v2  }
0x1a2: {  	[tilespmem:s6+$0x50] =	vst v0;
	s6 =	smov.u32 s9  }
0x1a3: {  	v0 =	vld [tilespmem:s0+$0xFFFFFFD0]  }
0x1a4: {  	v1 =	vld [tilespmem:s2+$0xFFFFFFE0];
	_ =	sdelay $0x4  }
0x1a5: {  	v2 =	vunpack.i.u.bf16.f32 v0;
	v1 =	vunpack.i.l.bf16.f32 v1  }
0x1a6: {  	v1 =	vadd.f32 v1, v2;
	_ =	sdelay $0x1  }
0x1a7: {  	vm1 =	vge.f32 v1, $0.0e+00;
	v2 =	vmul.f32 $2.000000030e-01, v1;
	_ =	sdelay $0x1  }
0x1a8: {  	v1 =	vsel vm1, v1, v2  }
0x1a9: {  	v1 =	vmul.f32 $1.442695020e+00, v1;
	_ =	sdelay $0x1  }
0x1aa: {  	(erf) = vpow2.f32 v1;
	_ =	sdelay $0x3  }
0x1ab: {  	v1 =	vld [tilespmem:s0+$0xFFFFFFC0];
	_ =	sdelay $0x4  }
0x1ac: {  	v0 =	vunpack.i.l.bf16.f32 v0;
	v2 =	vunpack.i.u.bf16.f32 v1;
	v1 =	vunpack.i.l.bf16.f32 v1;
	v3 =	vpop (erf)  }
0x1ad: {  	v1 =	vmul.f32 v3, v1;
	v2 =	vmul.f32 v3, v2  }
0x1ae: {  	v0 =	vmul.f32 v3, v0  }
0x1af: {  	[tilespmem:s9+$0xFFFFFFB0] =	vst v2  }
0x1b0: {  	v0 =	vsel vm0, v0, v3;
	[tilespmem:s9+$0xFFFFFFA0] =	vst v1  }
0x1b1: {  	[tilespmem:s9+$0xFFFFFFC0] =	vst v0  }
0x1b2: {  	v0 =	vld [tilespmem:s0+$0xFFFFFFF0]  }
0x1b3: {  	v1 =	vld [tilespmem:s2+$0xFFFFFFF0];
	_ =	sdelay $0x3  }
0x1b4: {  	v2 =	vunpack.i.u.bf16.f32 v0  }
0x1b5: {  	v1 =	vunpack.i.l.bf16.f32 v1  }
0x1b6: {  	v1 =	vadd.f32 v1, v2;
	_ =	sdelay $0x1  }
0x1b7: {  	vm1 =	vge.f32 v1, $0.0e+00;
	v2 =	vmul.f32 $2.000000030e-01, v1;
	_ =	sdelay $0x1  }
0x1b8: {  	v1 =	vsel vm1, v1, v2  }
0x1b9: {  	v1 =	vmul.f32 $1.442695020e+00, v1;
	_ =	sdelay $0x1  }
0x1ba: {  	(erf) = vpow2.f32 v1;
	_ =	sdelay $0x2  }
0x1bb: {  	v1 =	vld [tilespmem:s0+$0xFFFFFFE0];
	_ =	sdelay $0x4  }
0x1bc: {  	v2 =	vunpack.i.l.bf16.f32 v1  }
0x1bd: {  	v0 =	vunpack.i.l.bf16.f32 v0;
	v1 =	vunpack.i.u.bf16.f32 v1;
	v3 =	vpop (erf)  }
0x1be: {  	v2 =	vmul.f32 v3, v2;
	v1 =	vmul.f32 v3, v1  }
0x1bf: {  	v0 =	vmul.f32 v3, v0  }
0x1c0: {  	[tilespmem:s9+$0xFFFFFFE0] =	vst v1  }
0x1c1: {  	v0 =	vsel vm0, v0, v3;
	[tilespmem:s9+$0xFFFFFFD0] =	vst v2  }
0x1c2: {  	[tilespmem:s9+$0xFFFFFFF0] =	vst v0  }
0x1c3: {  	v0 =	vld [tilespmem:s0+$0x10]  }
0x1c4: {  	v1 =	vld [tilespmem:s2+$0x0];
	_ =	sdelay $0x3  }
0x1c5: {  	v2 =	vunpack.i.u.bf16.f32 v0  }
0x1c6: {  	v1 =	vunpack.i.l.bf16.f32 v1  }
0x1c7: {  	v1 =	vadd.f32 v1, v2;
	_ =	sdelay $0x1  }
0x1c8: {  	vm1 =	vge.f32 v1, $0.0e+00;
	v2 =	vmul.f32 $2.000000030e-01, v1;
	_ =	sdelay $0x1  }
0x1c9: {  	v1 =	vsel vm1, v1, v2  }
0x1ca: {  	v1 =	vmul.f32 $1.442695020e+00, v1;
	_ =	sdelay $0x1  }
0x1cb: {  	(erf) = vpow2.f32 v1  }
0x1cc: {  	v1 =	vld [tilespmem:s0+$0x0];
	_ =	sdelay $0x4  }
0x1cd: {  	v2 =	vunpack.i.l.bf16.f32 v1;
	_ =	sdelay $0x2  }
0x1ce: {  	v0 =	vunpack.i.l.bf16.f32 v0;
	v1 =	vunpack.i.u.bf16.f32 v1;
	v3 =	vpop (erf)  }
0x1cf: {  	v2 =	vmul.f32 v3, v2;
	v1 =	vmul.f32 v3, v1  }
0x1d0: {  	v0 =	vmul.f32 v3, v0  }
0x1d1: {  	[tilespmem:s9+$0x10] =	vst v1  }
0x1d2: {  	v0 =	vsel vm0, v0, v3;
	[tilespmem:s9+$0x0] =	vst v2  }
0x1d3: {  	[tilespmem:s9+$0x20] =	vst v0  }
0x1d4: {  	v0 =	vld [tilespmem:s0+$0x30]  }
0x1d5: {  	v2 =	vld [tilespmem:s2+$0x10]  }
0x1d6: {  	v1 =	vld [tilespmem:s0+$0x20];
	_ =	sdelay $0x2  }
0x1d7: {  	v3 =	vunpack.i.u.bf16.f32 v0  }
0x1d8: {  	v2 =	vunpack.i.l.bf16.f32 v2  }
0x1d9: {  	v2 =	vadd.f32 v2, v3;
	_ =	sdelay $0x1  }
0x1da: {  	vm1 =	vge.f32 v2, $0.0e+00;
	v3 =	vmul.f32 $2.000000030e-01, v2;
	_ =	sdelay $0x1  }
0x1db: {  	v2 =	vsel vm1, v2, v3  }
0x1dc: {  	v2 =	vmul.f32 $1.442695020e+00, v2;
	_ =	sdelay $0x1  }
0x1dd: {  	(erf) = vpow2.f32 v2;
	_ =	sdelay $0x1  }
.Ltmp4:
0x1de: {  	(pc) =	sbr.rel @p0 .LBB2_9-.Ltmp4, $3  }
0x1df: {  	_ = 	snop  }
0x1e0: {  	v2 =	vunpack.i.l.bf16.f32 v1;
	_ =	sdelay $0x1  }
0x1e1: {  	s9 =	sadd.s32 $0xC0, s9  }
0x1e2: {  	_ =	sdelay $0x1  }
0x1e3: {  	v1 =	vunpack.i.u.bf16.f32 v1;
	v3 =	vpop (erf)  }
0x1e4: {  	v0 =	vunpack.i.l.bf16.f32 v0;
	v1 =	vmul.f32 v3, v1  }
0x1e5: {  	v2 =	vmul.f32 v3, v2;
	v0 =	vmul.f32 v3, v0  }
0x1e6: {  	[tilespmem:s6+$0x40] =	vst v1  }
0x1e7: {  	[tilespmem:s6+$0x30] =	vst v2;
	v0 =	vsel vm0, v0, v3  }
0x1e8: {  	s0 =	simm.s32 $0x4DD0;
	[tilespmem:s6+$0x50] =	vst v0  }
0x1e9: {  	[spmem:s3] =	stream.indirect.scatter.add.f32 [tilespmem:s23], [sflag:$0x5], $0x30, s0, s15, $0xb8;
	[tilespmem:$0x10220] =	vst v63  }
0x1ea: {  	_ =	swait.ge [sflag:s30], $0xF00  }
0x1eb: {  	[sflag:s30] =	ssyncset.done $0x0  }
0x1ec: {  	[sflag:s30] =	ssyncadd.s32 $0xFFFFF100  }
0x1ed: {  	_ =	swait.ge [sflag:s28], $0xF00  }
0x1ee: {  	s31 =	sadd.s32 $0x1, s31;
	[sflag:s28] =	ssyncset.done $0x0  }
0x1ef: {  	p0 =	sne.s32 s31, s11;
	[sflag:s28] =	ssyncadd.s32 $0xFFFFF100  }
.Ltmp5:
0x1f0: {  	[bflag:$0x0] =	sbarrier.arrive $0xFFFF;
	(pc) =	sbr.rel @p0 .LBB2_1-.Ltmp5, $4  }
0x1f1: {  	[hbm:s10], [sflag:s7] =	dma.local [spmem:s12], $0xF00  }
0x1f2: {  	_ =	swait.ge [sflag:s13], $0xF00  }
0x1f3: {  	[sflag:s13] =	ssyncset.done $0x0  }
0x1f4: {  	[sflag:s13] =	ssyncadd.s32 $0xFFFFF100  }
0x1f5: {  	_ =	sfence.sel $0x180000  }
0x1f6: {  	[bflag:$0x0] =	sbarrier.arrive $0xFFFF  }
0x1f7: {  	_ =	strace $0x9000004A  }
0x1f8: {  	s0 =	stileid.u32;
	[bflag:$0x2] =	sbarrier.arrive $0xFFFF  }
0x1f9: {  	p0 =	sne.s32 s0, $0x0;
	s0 =	rddreg [dreg:$0x3]  }
0x1fa: {  	s0 =	sadd.s32 @!p0 $0x100000, s0  }
0x1fb: {  	[sflag:s0] =	ssyncadd.tile.s32 @!p0 $0x1;
	_ =	shalt  }
.Lfunc_end2:
_tile_overlayer_lowered:
.L_overlay_start_2:
0x1fc: {  	(tag) =	ssettag $0x2  }
0x1fd: {  	s0 =	rddreg [dreg:$0x0];
	s2 =	stileid.u32  }
0x1fe: {  	s1 =	rddreg [dreg:$0x1];
	p0 =	sne.s32 s2, $0x0  }
0x1ff: {  	s3 =	rddreg [dreg:$0x2];
	[bflag:$0x3] =	sbarrier.arrive $0xFFFF;
	s2 =	simm.s32 @!p0 $0x1C07  }
0x200: {  	[timem:s3], [sflag:s2] =	dma.local @!p0 [hbm:s0], s1  }
0x201: {  	s0 =	simm.s32 @!p0 $0x7  }
0x202: {  	_ =	swait.ge @!p0 [sflag:s0], s1  }
0x203: {  	s1 =	ssub.s32 @!p0 $0x0, s1;
	[sflag:s0] =	ssyncset.done @!p0 $0x0  }
0x204: {  	[sflag:s0] =	ssyncadd.s32 @!p0 s1  }
0x205: {  	[bflag:$0x3] =	sbarrier.arrive $0xFFFF  }
0x206: {  	_ =	shalt  }

// kernel: kernel.7.cloned.1.call-start
scs
__scs_entry_jumppad:
0x0: {  	(pc) =	sbr.rel $0x88, $3  }
0x1: {  	(tag) =	ssettag $0x0;
	lr =	simm.s32 $0x1  }
0x2: {  	[smem:$0x3F99] =	sst lr;
	_ =	strace $0xD0000000  }
0x3: {  	_ = 	snop  }
0x4: {  	_ = 	snop  }
0x5: {  	_ = 	snop  }
0x6: {  	_ = 	snop  }
0x7: {  	_ = 	snop  }
__scs_overlays_trampoline_lowered:
0x8: {  	[smem:$0x3FA8] =	sst s0  }
0x9: {  	[smem:$0x3FA9] =	sst s1  }
0xa: {  	[smem:$0x3FAA] =	sst s2  }
0xb: {  	[smem:$0x3FAB] =	sst s3  }
0xc: {  	[smem:$0x3FAC] =	sst s4  }
0xd: {  	[smem:$0x3FAD] =	sst s5  }
0xe: {  	[smem:$0x3FAE] =	sst s6  }
0xf: {  	[smem:$0x3FAF] =	sst s7  }
0x10: {  	[smem:$0x3FB0] =	sst s8  }
0x11: {  	[smem:$0x3FB1] =	sst s9;
	s0 =	simm.s32 @!p0 $0x0  }
0x12: {  	s1 =	sld [smem:$0x3F97];
	s0 =	simm.s32 @p0 $0x1  }
0x13: {  	[smem:$0x3FB2] =	sst s0;
	s0 =	simm.s32 @!p1 $0x0  }
0x14: {  	s2 =	sld [smem:$0x3F96];
	s0 =	simm.s32 @p1 $0x1  }
0x15: {  	[smem:$0x3FB3] =	sst s0;
	s0 =	simm.s32 @!p2 $0x0  }
0x16: {  	s3 =	sld [smem:$0x3FDB];
	s0 =	simm.s32 @p2 $0x1  }
0x17: {  	s4 =	simm.s32 $0x1BF5;
	[smem:$0x3FB5] =	sst s0  }
0x18: {  	s0 =	sld [smem:$0x3F98];
	_ =	swait.ge [sflag:s4], $0x0  }
0x19: {  	s7 =	sld [smem:$0x3F99]  }
0x1a: {  	s8 =	sadd.s32 $0xFFFFE003, lr  }
0x1b: {  	s9 =	sadd.s32 $0xFFFFFEF7, lr;
	s5 =	simm.s32 $0xFFFFFFFF;
	p2 =	slt.u32 s8, $0xFFFFF086  }
0x1c: {  	p1 =	slt.u32 s9, $0xF7A;
	s5 =	simm.s32 @!p2 $0x0  }
0x1d: {  	s5 =	simm.s32 @p1 $0x1;
	p0 =	seq.s32 s7, s2  }
0x1e: {  	s7 =	smul.u32 @!p0 $0xF7A, s2;
	p2 =	seq.s32 @!p0 s5, $0x0  }
0x1f: {  	s9 =	smul.u32 $0xF7A, s1;
	s8 =	simm.s32 @!p0 $0x1BF5;
	p2 =	por !p2, p0  }
0x20: {  	[sflag:s8] =	ssyncset.s32 @!p0 $0xFFFFF086;
	s6 =	sadd.s32 @!p0 s3, s7;
	s7 =	simm.s32 @!p0 $0x108  }
0x21: {  	s3 =	sadd.s32 s3, s9;
	s6 =	sadd.s32 @!p0 $0x88, s6;
	s7 =	simm.s32 @p2 $0x1082  }
0x22: {  	[simem:s7], [sflag:s8] =	dma.local @!p0 [hbm:s6], $0xF7A  }
0x23: {  	s9 =	sor.u32 $0xD0000000, s2;
	s6 =	simm.s32 $0x108;
	_ =	swait.ge @!p0 [sflag:s8], $0x0  }
0x24: {  	s3 =	sadd.s32 $0x88, s3;
	s6 =	simm.s32 @!p1 $0x1082;
	[sflag:s4] =	ssyncset.s32 $0xFFFFF086  }
0x25: {  	[simem:s6], [sflag:s4] =	dma.local [hbm:s3], $0xF7A  }
0x26: {  	[smem:$0x3F99] =	sst s1;
	(tag) =	ssettag s2;
	_ =	strace s9  }
0x27: {  	s1 =	sld [smem:$0x3FA9]  }
0x28: {  	s2 =	sld [smem:$0x3FAA]  }
0x29: {  	s4 =	sld [smem:$0x3FAC]  }
0x2a: {  	p0 =	seq.s32 s5, $0x0;
	s5 =	sld [smem:$0x3FAD]  }
0x2b: {  	s6 =	sld [smem:$0x3FAE]  }
0x2c: {  	s7 =	sld [smem:$0x3FAF]  }
0x2d: {  	s3 =	simm.s32 $0x108;
	s8 =	sld [smem:$0x3FB0]  }
0x2e: {  	s3 =	simm.s32 @!p0 $0x1082;
	s9 =	sld [smem:$0x3FB1]  }
0x2f: {  	lr =	sadd.s32 s0, s3;
	s0 =	sld [smem:$0x3FA8]  }
0x30: {  	s3 =	sld [smem:$0x3FAB]  }
0x31: {  	[smem:$0x3FB4] =	sst s10  }
0x32: {  	s10 =	sld [smem:$0x3FB2];
	_ =	sdelay $0x3  }
0x33: {  	p0 =	seq.s32 s10, $0x1;
	s10 =	sld [smem:$0x3FB4];
	_ =	sdelay $0x3  }
0x34: {  	[smem:$0x3FB4] =	sst s10  }
0x35: {  	s10 =	sld [smem:$0x3FB3];
	_ =	sdelay $0x3  }
0x36: {  	p1 =	seq.s32 s10, $0x1;
	s10 =	sld [smem:$0x3FB4];
	_ =	sdelay $0x3  }
0x37: {  	[smem:$0x3FB4] =	sst s10  }
0x38: {  	s10 =	sld [smem:$0x3FB5]  }
0x39: {  	_ = 	snop;
	(pc) =	sbr.ind lr, $3  }
0x3a: {  	_ = 	snop  }
0x3b: {  	_ = 	snop  }
0x3c: {  	p2 =	seq.s32 s10, $0x1;
	s10 =	sld [smem:$0x3FB4]  }
0x3d: {  	_ =	shalt  }
0x3e: {  	_ =	shalt  }
0x3f: {  	_ =	shalt  }
0x40: {  	_ =	shalt  }
0x41: {  	_ =	shalt  }
0x42: {  	_ =	shalt  }
0x43: {  	_ =	shalt  }
0x44: {  	_ =	shalt  }
0x45: {  	_ =	shalt  }
0x46: {  	_ =	shalt  }
0x47: {  	_ =	shalt  }
0x48: {  	_ =	shalt  }
0x49: {  	_ =	shalt  }
0x4a: {  	_ =	shalt  }
0x4b: {  	_ =	shalt  }
0x4c: {  	_ =	shalt  }
0x4d: {  	_ =	shalt  }
0x4e: {  	_ =	shalt  }
0x4f: {  	_ =	shalt  }
0x50: {  	_ =	shalt  }
0x51: {  	_ =	shalt  }
0x52: {  	_ =	shalt  }
0x53: {  	_ =	shalt  }
0x54: {  	_ =	shalt  }
0x55: {  	_ =	shalt  }
0x56: {  	_ =	shalt  }
0x57: {  	_ =	shalt  }
0x58: {  	_ =	shalt  }
0x59: {  	_ =	shalt  }
0x5a: {  	_ =	shalt  }
0x5b: {  	_ =	shalt  }
0x5c: {  	_ =	shalt  }
0x5d: {  	_ =	shalt  }
0x5e: {  	_ =	shalt  }
0x5f: {  	_ =	shalt  }
0x60: {  	_ =	shalt  }
0x61: {  	_ =	shalt  }
0x62: {  	_ =	shalt  }
0x63: {  	_ =	shalt  }
0x64: {  	_ =	shalt  }
0x65: {  	_ =	shalt  }
0x66: {  	_ =	shalt  }
0x67: {  	_ =	shalt  }
0x68: {  	_ =	shalt  }
0x69: {  	_ =	shalt  }
0x6a: {  	_ =	shalt  }
0x6b: {  	_ =	shalt  }
0x6c: {  	_ =	shalt  }
0x6d: {  	_ =	shalt  }
0x6e: {  	_ =	shalt  }
0x6f: {  	_ =	shalt  }
0x70: {  	_ =	shalt  }
0x71: {  	_ =	shalt  }
0x72: {  	_ =	shalt  }
0x73: {  	_ =	shalt  }
0x74: {  	_ =	shalt  }
0x75: {  	_ =	shalt  }
0x76: {  	_ =	shalt  }
0x77: {  	_ =	shalt  }
0x78: {  	_ =	shalt  }
0x79: {  	_ =	shalt  }
0x7a: {  	_ =	shalt  }
0x7b: {  	_ =	shalt  }
0x7c: {  	_ =	shalt  }
0x7d: {  	_ =	shalt  }
0x7e: {  	_ =	shalt  }
0x7f: {  	_ =	shalt  }
0x80: {  	_ =	shalt  }
0x81: {  	_ =	shalt  }
0x82: {  	_ =	shalt  }
0x83: {  	_ =	shalt  }
0x84: {  	_ =	shalt  }
0x85: {  	_ =	shalt  }
0x86: {  	_ =	shalt  }
0x87: {  	_ =	shalt  }
.Lfunc_end0:
.L_simem_size_0:
called_computation_lowered:
.L_overlay_start_0:
0x88: {  	s2 =	sld [smem:$0x3FD9]  }
0x89: {  	s3 =	sld [smem:$0x3FFE];
	_ =	sdelay $0x1  }
0x8a: {  	s1 =	srdreg.scid  }
0x8b: {  	s0 =	sand.u32 $0x1, s1  }
0x8c: {  	s17 =	sshll.u32 s0, $0xA;
	s2 =	sadd.s32 s3, s2  }
0x8d: {  	s2 =	sadd.s32 s2, s17  }
0x8e: {  	[smem:$0x3FC0] =	sst s2  }
0x8f: {  	_ = 	snop  }
0x90: {  	s2 =	sld [smem:$0x3FD0];
	(tm) =	ssettm $0x1  }
0x91: {  	s18 =	sld [smem:$0x3FFB];
	_ =	sdelay $0x3  }
0x92: {  	_ =	strace s18  }
0x93: {  	s3 =	sld [smem:$0x3FFC];
	_ =	sdelay $0x3  }
0x94: {  	_ =	strace s3  }
0x95: {  	s3 =	sld [smem:$0x3FFD];
	_ =	sdelay $0x3  }
0x96: {  	_ =	strace s3  }
0x97: {  	_ =	strace $0x8FFFFFFF  }
0x98: {  	s19 =	sld [smem:$0x3FDB];
	_ =	sdelay $0x1  }
0x99: {  	s4 =	simm.s32 $_scs_section_size  }
0x9a: {  	s5 =	simm.s32 $_size__tile_overlayer_lowered;
	s6 =	simm.s32 $_tile_overlayer_lowered  }
0x9b: {  	s22 =	simm.s32 $0x1BFF;
	s21 =	sshll.u32 s6, $0x1;
	s3 =	sadd.s32 s4, s19  }
0x9c: {  	s7 =	simm.s32 $0x0;
	s20 =	sshll.u32 s5, $0x1;
	s5 =	sadd.s32 s21, s3  }
0x9d: {  	[timem:s7], [sflag:s22] =	dma.local [hbm:s5], s20  }
0x9e: {  	_ =	swait.ge [sflag:s22], s20  }
0x9f: {  	s4 =	ssub.s32 $0x0, s20;
	[sflag:s22] =	ssyncset.done $0x0  }
0xa0: {  	[sflag:s22] =	ssyncadd.s32 s4;
	_ =	sdelay $0x1  }
0xa1: {  	s23 =	simm.s32 $0x1B8B  }
0xa2: {  	_ =	swait.ge [sflag:s23], $0x1  }
0xa3: {  	[sflag:s23] =	ssyncset.done $0x0  }
0xa4: {  	s25 =	simm.s32 $0x1B8E;
	s24 =	sld [smem:$0x3FFE];
	[sflag:s23] =	ssyncadd.s32 $0xFFFFFFFF  }
0xa5: {  	s26 =	simm.s32 $execute0_lowered;
	[smem:$0x3FD2] =	sst s25  }
0xa6: {  	s5 =	sshll.u32 s26, $0x1;
	_ =	strace $0x80000046;
	[dreg:$0x1] =	wrdreg $0xFFFFFFFF  }
0xa7: {  	s28 =	simm.s32 $_size_execute0_lowered;
	s3 =	sadd.s32 s3, s5;
	[dreg:$0x0] =	wrdreg $0x0  }
0xa8: {  	s5 =	sshll.u32 s28, $0x1;
	[dreg:$0x2] =	wrdreg s3  }
0xa9: {  	[dreg:$0x3] =	wrdreg s5  }
0xaa: {  	[dreg:$0x4] =	wrdreg $0xC0  }
0xab: {  	_ =	task [dreg:s7], $0x5FFFF  }
0xac: {  	[dreg:$0x1] =	wrdreg $0xFFFFFFFF  }
0xad: {  	[dreg:$0x0] =	wrdreg $0x60  }
0xae: {  	[dreg:$0x2] =	wrdreg s24  }
0xaf: {  	[dreg:$0x3] =	wrdreg s2  }
0xb0: {  	[dreg:$0x4] =	wrdreg $0xA8200  }
0xb1: {  	[dreg:$0x5] =	wrdreg $0x9  }
0xb2: {  	_ =	task.clear_ibuf [dreg:s7], $0x6FFFF;
	_ =	strace $0x90000046  }
0xb3: {  	s29 =	simm.s32 $0x9;
	_ =	strace $0x80000048  }
0xb4: {  	_ =	swait.ge [sflag:s29], $0x1  }
0xb5: {  	[sflag:s29] =	ssyncadd.s32 $0xFFFFFFFF  }
0xb6: {  	_ =	strace $0x90000048  }
0xb7: {  	_ =	sfence  }
0xb8: {  	s30 =	sld [smem:$0x0];
	_ =	sdelay $0x2  }
0xb9: {  	s31 =	sshll.u32 s1, $0xD;
	s1 =	sshrl.u32 s1, $0x2  }
0xba: {  	s3 =	sand.u32 $0x4000, s31;
	s1 =	sadd.s32 s1, s30  }
0xbb: {  	s0 =	sor.u32 s3, s0;
	s1 =	sshll.u32 s1, $0x11  }
0xbc: {  	s0 =	sor.u32 s1, s0  }
0xbd: {  	s0 =	sadd.s32 $0x8F2B, s0  }
0xbe: {  	[sflag:s0] =	ssyncadd.remote.s32 $0x1  }
0xbf: {  	_ =	sfence.sel $0xFFFF  }
0xc0: {  	[dreg:$0x0] =	wrdreg $0xFFFFFFFF;
	(pc) =	sbr.abs _section_cstart, $3  }
0xc1: {  	[dreg:$0x1] =	wrdreg $0xFFFFFFFF  }
0xc2: {  	_ =	task.clear_ibuf [dreg:s7], $0x2FFFF;
	_ =	strace $0x9FFFFFFF  }
0xc3: {  	(tm) =	ssettm $0x7FFFFFFF  }
tec
execute0_lowered:
.L_overlay_start_1:
0x0: {  	(tag) =	ssettag $0x1  }
0x1: {  	s0 =	srdreg.scid  }
0x2: {  	s11 =	stileid.u32;
	s1 =	rddreg [dreg:$0x0]  }
0x3: {  	s2 =	rddreg [dreg:$0x1];
	s13 =	simm.s32 $0x7;
	s15 =	simm.s32 $0x50  }
0x4: {  	s16 =	simm.s32 $0x4E20;
	s17 =	simm.s32 $0x6C20;
	s18 =	simm.s32 $0x5D20  }
0x5: {  	s20 =	simm.s32 $0x7120;
	s21 =	simm.s32 $0x1;
	s22 =	simm.s32 $0x3  }
0x6: {  	s23 =	simm.s32 $0x7620;
	s28 =	simm.s32 $0x5;
	s30 =	simm.s32 $0x6  }
0x7: {  	s31 =	simm.s32 $0x0;
	s0 =	sand.u32 $0x1, s0;
	s3 =	sshll.u32 s11, $0x1  }
0x8: {  	s7 =	smul.u32 $0xC800, s11;
	s5 =	sadd.s32 $0x1400, s1;
	s26 =	sshll.u32 s11, $0x6  }
0x9: {  	s4 =	sor.u32 s0, s3;
	s3 =	rddreg [dreg:$0x2];
	s8 =	smul.u32 $0xC8000, s0  }
0xa: {  	s0 =	ssub.s32 $0x2, s0;
	s6 =	smul.u32 $0x4E2, s4;
	s4 =	simm.s32 $0x0  }
0xb: {  	s9 =	sshrl.u32 s7, $0x3;
	s10 =	sshrl.u32 s0, $0x1;
	s24 =	sadd.s32 s7, s3  }
0xc: {  	[smem:$0x7FF] =	sst s4;
	s8 =	sadd.s32 s7, s8;
	s9 =	sadd.s32 s9, s1  }
0xd: {  	s0 =	ssub.s32 s0, s10;
	s7 =	sor.u32 $0x1C07, s26;
	s12 =	sshrl.u32 s24, $0x3  }
0xe: {  	s24 =	simm.s32 $0x2;
	s26 =	simm.s32 $0x8F20;
	_ =	strace $0x80000047  }
0xf: {  	s6 =	sadd.s32 s6, s1;
	s8 =	sshrl.u32 s8, $0x3;
	s25 =	sadd.s32 $0x24000, s9  }
0x10: {  	s11 =	smax.u32 s0, $0x1;
	[dreg:$0x4] =	wrdreg s25;
	s29 =	sadd.s32 $0x1A200, s6  }
0x11: {  	s1 =	sadd.s32 s8, s1;
	s6 =	sadd.s32 $0x10400, s6;
	[dreg:$0x5] =	wrdreg s29  }
0x12: {  	s25 =	simm.s32 $0x4;
	[dreg:$0x6] =	wrdreg s6;
	s10 =	sadd.s32 $0x3D000, s1  }
.LBB2_1:
0x13: {  	s0 =	rddreg [dreg:$0x4]  }
0x14: {  	[spmem:s12], [sflag:s7] =	dma.local [hbm:s0], $0x1900  }
0x15: {  	_ =	swait.ge [sflag:s13], $0x1900  }
0x16: {  	[sflag:s13] =	ssyncset.done $0x0  }
0x17: {  	s14 =	rddreg [dreg:$0x5];
	[sflag:s13] =	ssyncadd.s32 $0xFFFFE700  }
0x18: {  	[tilespmem:s4], [sflag:$0x7] =	stream.linear.gather [hbm4b:s14+s4], $0x2710, $0x38;
	[tilespmem:$0x17020] =	vst v63  }
0x19: {  	_ =	swait.ge [sflag:s13], $0x2710  }
0x1a: {  	[sflag:s13] =	ssyncset.done $0x0  }
0x1b: {  	s1 =	simm.s32 $0x2710;
	s19 =	rddreg [dreg:$0x6];
	[sflag:s13] =	ssyncadd.s32 $0xFFFFD8F0  }
0x1c: {  	[tilespmem:s1], [sflag:$0x7] =	stream.linear.gather [hbm4b:s19+s4], $0x2710, $0x38;
	[tilespmem:$0x17020] =	vst v63  }
0x1d: {  	_ =	swait.ge [sflag:s13], $0x2710  }
0x1e: {  	[sflag:s13] =	ssyncset.done $0x0  }
0x1f: {  	[sflag:s13] =	ssyncadd.s32 $0xFFFFD8F0  }
0x20: {  	[bflag:$0x0] =	sbarrier.arrive $0xFFFF  }
0x21: {  	[tilespmem:s16], [sflag:$0x1] =	stream.indirect.gather [hbm4b:s5+s15], $0x30, s4, s15, $0xb8;
	[tilespmem:$0x17020] =	vst v63  }
0x22: {  	_ = 	snop  }
0x23: {  	[tilespmem:s17], [sflag:$0x3] =	stream.indirect.gather [hbm4b:s2+s15], $0x10, s1, s15, $0xb8;
	[tilespmem:$0x17020] =	vst v63  }
0x24: {  	_ = 	snop  }
0x25: {  	[tilespmem:s18], [sflag:$0x2] =	stream.indirect.gather [hbm4b:s5+s15], $0x30, s15, s15, $0xb8;
	[tilespmem:$0x17020] =	vst v63  }
0x26: {  	s29 =	simm.s32 $0x2760;
	s1 =	simm.s32 $0x0  }
0x27: {  	[tilespmem:s20], [sflag:$0x4] =	stream.indirect.gather [hbm4b:s2+s15], $0x10, s29, s15, $0xb8;
	[tilespmem:$0x17020] =	vst v63  }
.LBB2_2:
0x28: {  	_ =	swait.ge [sflag:s21], $0xF00  }
0x29: {  	[sflag:s21] =	ssyncset.done $0x0  }
0x2a: {  	[sflag:s21] =	ssyncadd.s32 $0xFFFFF100  }
0x2b: {  	_ =	swait.ge [sflag:s22], $0x500  }
0x2c: {  	p0 =	seq.s32 s1, $0x0;
	[sflag:s22] =	ssyncset.done $0x0  }
0x2d: {  	s0 =	simm.s32 @!p0 $0x5;
	[sflag:s22] =	ssyncadd.s32 $0xFFFFFB00  }
0x2e: {  	_ =	swait.ge @!p0 [sflag:s0], $0x1900  }
0x2f: {  	[sflag:s0] =	ssyncset.done @!p0 $0x0  }
0x30: {  	s19 =	simm.s32 $0x6C40;
	[sflag:s0] =	ssyncadd.s32 @!p0 $0xFFFFE700  }
0x31: {  	s14 =	simm.s32 $0x4E80;
	v0 =	vld [tilespmem:s19+$0xFFFFFFE0]  }
0x32: {  	v1 =	vld [tilespmem:s14+$0xFFFFFFC0];
	_ =	sdelay $0x4  }
0x33: {  	v1 =	vunpack.i.l.bf16.f32 v1;
	v0 =	vunpack.i.l.bf16.f32 v0  }
0x34: {  	v0 =	vadd.f32 v0, v1;
	_ =	sdelay $0x1  }
0x35: {  	v1 =	vmul.f32 $2.000000030e-01, v0  }
0x36: {  	vm0 =	vge.f32 v0, $0.0e+00  }
0x37: {  	v0 =	vsel vm0, v0, v1  }
0x38: {  	v0 =	vmul.f32 $1.442695020e+00, v0;
	_ =	sdelay $0x1  }
0x39: {  	(erf) = vpow2.f32 v0;
	_ =	sdelay $0x3  }
0x3a: {  	v0 =	vld [tilespmem:s14+$0xFFFFFFA0]  }
0x3b: {  	v1 =	vld [tilespmem:s14+$0xFFFFFFB0];
	_ =	sdelay $0x3  }
0x3c: {  	v2 =	vunpack.i.u.bf16.f32 v0;
	v3 =	vpop (erf)  }
0x3d: {  	s0 =	simm.s32 $0x76C0;
	v4 =	vunpack.i.u.bf16.f32 v1;
	v2 =	vmul.f32 v3, v2  }
0x3e: {  	v0 =	vunpack.i.l.bf16.f32 v0;
	[tilespmem:s0+$0xFFFFFFA0] =	vst v3;
	v4 =	vmul.f32 v3, v4  }
0x3f: {  	v1 =	vunpack.i.l.bf16.f32 v1;
	v0 =	vmul.f32 v3, v0;
	[tilespmem:s0+$0xFFFFFF70] =	vst v2  }
0x40: {  	v1 =	vmul.f32 v1, v3;
	[tilespmem:s0+$0xFFFFFF90] =	vst v4  }
0x41: {  	[tilespmem:s0+$0xFFFFFF60] =	vst v0  }
0x42: {  	[tilespmem:s0+$0xFFFFFF80] =	vst v1  }
0x43: {  	v0 =	vld [tilespmem:s14+$0xFFFFFFF0]  }
0x44: {  	v1 =	vld [tilespmem:s19+$0xFFFFFFF0];
	_ =	sdelay $0x4  }
0x45: {  	v0 =	vunpack.i.l.bf16.f32 v0;
	v1 =	vunpack.i.l.bf16.f32 v1  }
0x46: {  	v0 =	vadd.f32 v1, v0;
	_ =	sdelay $0x1  }
0x47: {  	v1 =	vmul.f32 $2.000000030e-01, v0  }
0x48: {  	vm0 =	vge.f32 v0, $0.0e+00  }
0x49: {  	v0 =	vsel vm0, v0, v1  }
0x4a: {  	v0 =	vmul.f32 $1.442695020e+00, v0;
	_ =	sdelay $0x1  }
0x4b: {  	(erf) = vpow2.f32 v0;
	_ =	sdelay $0x3  }
0x4c: {  	v0 =	vld [tilespmem:s14+$0xFFFFFFD0];
	_ =	sdelay $0x1  }
0x4d: {  	v1 =	vld [tilespmem:s14+$0xFFFFFFE0];
	_ =	sdelay $0x2  }
0x4e: {  	v2 =	vunpack.i.l.bf16.f32 v0;
	v3 =	vpop (erf)  }
0x4f: {  	v0 =	vunpack.i.u.bf16.f32 v0;
	v2 =	vmul.f32 v3, v2  }
0x50: {  	v4 =	vunpack.i.u.bf16.f32 v1;
	v0 =	vmul.f32 v3, v0;
	[tilespmem:s0+$0xFFFFFFF0] =	vst v3  }
0x51: {  	v1 =	vunpack.i.l.bf16.f32 v1;
	v4 =	vmul.f32 v3, v4;
	[tilespmem:s0+$0xFFFFFFB0] =	vst v2  }
0x52: {  	v1 =	vmul.f32 v1, v3;
	[tilespmem:s0+$0xFFFFFFC0] =	vst v0  }
0x53: {  	[tilespmem:s0+$0xFFFFFFE0] =	vst v4  }
0x54: {  	[tilespmem:s0+$0xFFFFFFD0] =	vst v1  }
0x55: {  	v0 =	vld [tilespmem:s14+$0x20]  }
0x56: {  	v1 =	vld [tilespmem:s19+$0x0];
	_ =	sdelay $0x4  }
0x57: {  	v0 =	vunpack.i.l.bf16.f32 v0;
	v1 =	vunpack.i.l.bf16.f32 v1  }
0x58: {  	v0 =	vadd.f32 v1, v0;
	_ =	sdelay $0x1  }
0x59: {  	v1 =	vmul.f32 $2.000000030e-01, v0  }
0x5a: {  	vm0 =	vge.f32 v0, $0.0e+00  }
0x5b: {  	v0 =	vsel vm0, v0, v1  }
0x5c: {  	v0 =	vmul.f32 $1.442695020e+00, v0;
	_ =	sdelay $0x1  }
0x5d: {  	(erf) = vpow2.f32 v0;
	_ =	sdelay $0x3  }
0x5e: {  	v0 =	vld [tilespmem:s14+$0x0];
	_ =	sdelay $0x1  }
0x5f: {  	v1 =	vld [tilespmem:s14+$0x10];
	_ =	sdelay $0x2  }
0x60: {  	v2 =	vunpack.i.l.bf16.f32 v0;
	v3 =	vpop (erf)  }
0x61: {  	v0 =	vunpack.i.u.bf16.f32 v0;
	v2 =	vmul.f32 v3, v2  }
0x62: {  	v4 =	vunpack.i.l.bf16.f32 v1;
	v1 =	vunpack.i.u.bf16.f32 v1;
	v0 =	vmul.f32 v3, v0;
	[tilespmem:s0+$0x40] =	vst v3  }
0x63: {  	v1 =	vmul.f32 v3, v1;
	[tilespmem:s0+$0x0] =	vst v2  }
0x64: {  	v2 =	vmul.f32 v4, v3;
	[tilespmem:s0+$0x10] =	vst v0  }
0x65: {  	[tilespmem:s0+$0x30] =	vst v1  }
0x66: {  	[tilespmem:s0+$0x20] =	vst v2  }
0x67: {  	v0 =	vld [tilespmem:s14+$0x50]  }
0x68: {  	v1 =	vld [tilespmem:s19+$0x10];
	_ =	sdelay $0x4  }
0x69: {  	v0 =	vunpack.i.l.bf16.f32 v0;
	v1 =	vunpack.i.l.bf16.f32 v1  }
0x6a: {  	v2 =	vadd.f32 v1, v0  }
0x6b: {  	v0 =	vld [tilespmem:s14+$0x30]  }
0x6c: {  	s6 =	simm.s32 $0x0;
	s8 =	simm.s32 $0x7800;
	v1 =	vld [tilespmem:s14+$0x40];
	vm0 =	vge.f32 v2, $0.0e+00;
	v3 =	vmul.f32 $2.000000030e-01, v2  }
.LBB2_3:
0x6d: {  	s6 =	sadd.s32 $0x4, s6;
	s19 =	sadd.s32 $0x40, s19;
	s14 =	sadd.s32 $0xC0, s14  }
0x6e: {  	p1 =	slt.u32 s6, $0x4C;
	v2 =	vsel vm0, v2, v3  }
0x6f: {  	v2 =	vmul.f32 $1.442695020e+00, v2;
	_ =	sdelay $0x1  }
0x70: {  	(erf) = vpow2.f32 v2;
	_ =	sdelay $0x8  }
0x71: {  	v3 =	vunpack.i.l.bf16.f32 v1;
	v2 =	vunpack.i.u.bf16.f32 v0;
	v0 =	vunpack.i.l.bf16.f32 v0;
	v4 =	vpop (erf)  }
0x72: {  	v1 =	vunpack.i.u.bf16.f32 v1;
	v0 =	vmul.f32 v4, v0;
	v2 =	vmul.f32 v4, v2;
	[tilespmem:s0+$0x90] =	vst v4  }
0x73: {  	v3 =	vmul.f32 v3, v4;
	v1 =	vmul.f32 v4, v1  }
0x74: {  	[tilespmem:s0+$0x50] =	vst v0  }
0x75: {  	[tilespmem:s0+$0x80] =	vst v1  }
0x76: {  	[tilespmem:s0+$0x70] =	vst v3  }
0x77: {  	[tilespmem:s0+$0x60] =	vst v2;
	s0 =	smov.u32 s8  }
0x78: {  	v0 =	vld [tilespmem:s19+$0xFFFFFFE0]  }
0x79: {  	v1 =	vld [tilespmem:s14+$0xFFFFFFC0];
	_ =	sdelay $0x4  }
0x7a: {  	v0 =	vunpack.i.l.bf16.f32 v0;
	v1 =	vunpack.i.l.bf16.f32 v1  }
0x7b: {  	v0 =	vadd.f32 v0, v1;
	_ =	sdelay $0x1  }
0x7c: {  	v1 =	vmul.f32 $2.000000030e-01, v0  }
0x7d: {  	vm0 =	vge.f32 v0, $0.0e+00  }
0x7e: {  	v0 =	vsel vm0, v0, v1  }
0x7f: {  	v0 =	vmul.f32 $1.442695020e+00, v0;
	_ =	sdelay $0x1  }
0x80: {  	(erf) = vpow2.f32 v0  }
0x81: {  	v0 =	vld [tilespmem:s14+$0xFFFFFFB0]  }
0x82: {  	v1 =	vld [tilespmem:s14+$0xFFFFFFA0];
	_ =	sdelay $0x4  }
0x83: {  	v3 =	vunpack.i.u.bf16.f32 v0;
	v0 =	vunpack.i.l.bf16.f32 v0;
	v2 =	vunpack.i.l.bf16.f32 v1  }
0x84: {  	v1 =	vunpack.i.u.bf16.f32 v1  }
0x85: {  	v4 =	vpop (erf)  }
0x86: {  	v1 =	vmul.f32 v4, v1;
	v0 =	vmul.f32 v0, v4;
	[tilespmem:s8+$0xFFFFFFA0] =	vst v4  }
0x87: {  	v2 =	vmul.f32 v4, v2;
	v3 =	vmul.f32 v4, v3  }
0x88: {  	[tilespmem:s8+$0xFFFFFF70] =	vst v1  }
0x89: {  	[tilespmem:s8+$0xFFFFFF90] =	vst v3  }
0x8a: {  	[tilespmem:s8+$0xFFFFFF60] =	vst v2  }
0x8b: {  	[tilespmem:s8+$0xFFFFFF80] =	vst v0  }
0x8c: {  	v0 =	vld [tilespmem:s14+$0xFFFFFFF0]  }
0x8d: {  	v1 =	vld [tilespmem:s19+$0xFFFFFFF0];
	_ =	sdelay $0x4  }
0x8e: {  	v0 =	vunpack.i.l.bf16.f32 v0;
	v1 =	vunpack.i.l.bf16.f32 v1  }
0x8f: {  	v0 =	vadd.f32 v1, v0;
	_ =	sdelay $0x1  }
0x90: {  	v1 =	vmul.f32 $2.000000030e-01, v0  }
0x91: {  	vm0 =	vge.f32 v0, $0.0e+00  }
0x92: {  	v0 =	vsel vm0, v0, v1  }
0x93: {  	v0 =	vmul.f32 $1.442695020e+00, v0;
	_ =	sdelay $0x1  }
0x94: {  	(erf) = vpow2.f32 v0;
	_ =	sdelay $0x3  }
0x95: {  	v0 =	vld [tilespmem:s14+$0xFFFFFFD0]  }
0x96: {  	v1 =	vld [tilespmem:s14+$0xFFFFFFE0];
	_ =	sdelay $0x3  }
0x97: {  	v2 =	vunpack.i.u.bf16.f32 v0;
	v0 =	vunpack.i.l.bf16.f32 v0;
	v3 =	vpop (erf)  }
0x98: {  	v4 =	vunpack.i.u.bf16.f32 v1;
	v0 =	vmul.f32 v3, v0;
	v2 =	vmul.f32 v3, v2;
	[tilespmem:s8+$0xFFFFFFF0] =	vst v3  }
0x99: {  	v1 =	vunpack.i.l.bf16.f32 v1;
	v4 =	vmul.f32 v3, v4  }
0x9a: {  	[tilespmem:s8+$0xFFFFFFB0] =	vst v0;
	v0 =	vmul.f32 v1, v3;
	_ =	sdelay $0x1  }
0x9b: {  	[tilespmem:s8+$0xFFFFFFC0] =	vst v2  }
0x9c: {  	[tilespmem:s8+$0xFFFFFFE0] =	vst v4  }
0x9d: {  	[tilespmem:s8+$0xFFFFFFD0] =	vst v0  }
0x9e: {  	v0 =	vld [tilespmem:s14+$0x20]  }
0x9f: {  	v1 =	vld [tilespmem:s19+$0x0];
	_ =	sdelay $0x3  }
0xa0: {  	v0 =	vunpack.i.l.bf16.f32 v0  }
0xa1: {  	v1 =	vunpack.i.l.bf16.f32 v1  }
0xa2: {  	v0 =	vadd.f32 v1, v0;
	_ =	sdelay $0x1  }
0xa3: {  	v1 =	vmul.f32 $2.000000030e-01, v0  }
0xa4: {  	vm0 =	vge.f32 v0, $0.0e+00  }
0xa5: {  	v0 =	vsel vm0, v0, v1  }
0xa6: {  	v0 =	vmul.f32 $1.442695020e+00, v0;
	_ =	sdelay $0x1  }
0xa7: {  	(erf) = vpow2.f32 v0;
	_ =	sdelay $0x3  }
0xa8: {  	v0 =	vld [tilespmem:s14+$0x0]  }
0xa9: {  	v1 =	vld [tilespmem:s14+$0x10];
	_ =	sdelay $0x3  }
0xaa: {  	v2 =	vunpack.i.u.bf16.f32 v0;
	v0 =	vunpack.i.l.bf16.f32 v0;
	v3 =	vpop (erf)  }
0xab: {  	v4 =	vunpack.i.u.bf16.f32 v1;
	v0 =	vmul.f32 v3, v0;
	v2 =	vmul.f32 v3, v2;
	[tilespmem:s8+$0x40] =	vst v3  }
0xac: {  	v1 =	vunpack.i.l.bf16.f32 v1;
	v4 =	vmul.f32 v3, v4  }
0xad: {  	[tilespmem:s8+$0x0] =	vst v0;
	v0 =	vmul.f32 v1, v3;
	_ =	sdelay $0x1  }
0xae: {  	[tilespmem:s8+$0x10] =	vst v2  }
0xaf: {  	[tilespmem:s8+$0x20] =	vst v0  }
0xb0: {  	[tilespmem:s8+$0x30] =	vst v4  }
0xb1: {  	v2 =	vld [tilespmem:s14+$0x50]  }
0xb2: {  	v3 =	vld [tilespmem:s19+$0x10]  }
0xb3: {  	v0 =	vld [tilespmem:s14+$0x30]  }
0xb4: {  	v1 =	vld [tilespmem:s14+$0x40];
	_ =	sdelay $0x1  }
.Ltmp0:
0xb5: {  	(pc) =	sbr.rel @p1 .LBB2_3-.Ltmp0, $3  }
0xb6: {  	v2 =	vunpack.i.l.bf16.f32 v2;
	v3 =	vunpack.i.l.bf16.f32 v3  }
0xb7: {  	v2 =	vadd.f32 v3, v2;
	_ =	sdelay $0x1  }
0xb8: {  	s8 =	sadd.s32 $0x140, s8;
	vm0 =	vge.f32 v2, $0.0e+00;
	v3 =	vmul.f32 $2.000000030e-01, v2  }
0xb9: {  	_ = 	snop  }
0xba: {  	v2 =	vsel vm0, v2, v3  }
0xbb: {  	v2 =	vmul.f32 $1.442695020e+00, v2;
	_ =	sdelay $0x1  }
0xbc: {  	(erf) = vpow2.f32 v2;
	_ =	sdelay $0x8  }
0xbd: {  	v2 =	vunpack.i.l.bf16.f32 v0;
	v3 =	vpop (erf)  }
0xbe: {  	v4 =	vunpack.i.u.bf16.f32 v1;
	v2 =	vmul.f32 v3, v2  }
0xbf: {  	v1 =	vunpack.i.l.bf16.f32 v1;
	[tilespmem:s0+$0x90] =	vst v3;
	v4 =	vmul.f32 v3, v4  }
0xc0: {  	s6 =	smul.u32 $0x280, s1;
	v0 =	vunpack.i.u.bf16.f32 v0;
	v1 =	vmul.f32 v1, v3;
	[tilespmem:s0+$0x50] =	vst v2  }
0xc1: {  	v0 =	vmul.f32 v3, v0;
	[tilespmem:s0+$0x80] =	vst v4  }
0xc2: {  	s19 =	sshra.s32 s6, $0x2;
	[tilespmem:s0+$0x70] =	vst v1  }
0xc3: {  	s6 =	sadd.s32 $0x2710, s19;
	[tilespmem:s0+$0x60] =	vst v0;
	s0 =	smul.u32 $0xA0, s1  }
0xc4: {  	[spmem:s3] =	stream.indirect.scatter.add.f32 [tilespmem:s23], [sflag:$0x5], $0x50, s6, s15, $0xb8;
	[tilespmem:$0x17020] =	vst v63  }
0xc5: {  	s9 =	sadd.s32 $0xA0, s0  }
0xc6: {  	[tilespmem:s16], [sflag:$0x1] =	stream.indirect.gather [hbm4b:s5+s15], $0x30, s9, s15, $0xb8;
	[tilespmem:$0x17020] =	vst v63  }
0xc7: {  	s14 =	sadd.s32 $0x27B0, s0  }
0xc8: {  	[tilespmem:s17], [sflag:$0x3] =	stream.indirect.gather [hbm4b:s2+s15], $0x10, s14, s15, $0xb8;
	[tilespmem:$0x17020] =	vst v63  }
0xc9: {  	_ =	swait.ge [sflag:s24], $0xF00  }
0xca: {  	[sflag:s24] =	ssyncset.done $0x0  }
0xcb: {  	[sflag:s24] =	ssyncadd.s32 $0xFFFFF100  }
0xcc: {  	_ =	swait.ge [sflag:s25], $0x500  }
0xcd: {  	[sflag:s25] =	ssyncset.done $0x0  }
0xce: {  	s6 =	simm.s32 @!p0 $0x6;
	[sflag:s25] =	ssyncadd.s32 $0xFFFFFB00  }
0xcf: {  	_ =	swait.ge @!p0 [sflag:s6], $0x1900  }
0xd0: {  	[sflag:s6] =	ssyncset.done @!p0 $0x0  }
0xd1: {  	s14 =	simm.s32 $0x7140;
	[sflag:s6] =	ssyncadd.s32 @!p0 $0xFFFFE700  }
0xd2: {  	s6 =	simm.s32 $0x5D80;
	v0 =	vld [tilespmem:s14+$0xFFFFFFE0]  }
0xd3: {  	v1 =	vld [tilespmem:s6+$0xFFFFFFC0];
	_ =	sdelay $0x4  }
0xd4: {  	v1 =	vunpack.i.l.bf16.f32 v1;
	v0 =	vunpack.i.l.bf16.f32 v0  }
0xd5: {  	v0 =	vadd.f32 v0, v1;
	_ =	sdelay $0x1  }
0xd6: {  	v1 =	vmul.f32 $2.000000030e-01, v0  }
0xd7: {  	vm0 =	vge.f32 v0, $0.0e+00  }
0xd8: {  	v0 =	vsel vm0, v0, v1  }
0xd9: {  	v0 =	vmul.f32 $1.442695020e+00, v0;
	_ =	sdelay $0x1  }
0xda: {  	(erf) = vpow2.f32 v0;
	_ =	sdelay $0x3  }
0xdb: {  	v0 =	vld [tilespmem:s6+$0xFFFFFFA0]  }
0xdc: {  	v1 =	vld [tilespmem:s6+$0xFFFFFFB0];
	_ =	sdelay $0x3  }
0xdd: {  	v2 =	vunpack.i.u.bf16.f32 v0;
	v3 =	vpop (erf)  }
0xde: {  	s29 =	simm.s32 $0x8FC0;
	v4 =	vunpack.i.u.bf16.f32 v1;
	v2 =	vmul.f32 v3, v2  }
0xdf: {  	v0 =	vunpack.i.l.bf16.f32 v0;
	[tilespmem:s29+$0xFFFFFFA0] =	vst v3;
	v4 =	vmul.f32 v3, v4  }
0xe0: {  	v1 =	vunpack.i.l.bf16.f32 v1;
	v0 =	vmul.f32 v3, v0;
	[tilespmem:s29+$0xFFFFFF70] =	vst v2  }
0xe1: {  	v1 =	vmul.f32 v1, v3;
	[tilespmem:s29+$0xFFFFFF90] =	vst v4  }
0xe2: {  	[tilespmem:s29+$0xFFFFFF60] =	vst v0  }
0xe3: {  	[tilespmem:s29+$0xFFFFFF80] =	vst v1  }
0xe4: {  	v0 =	vld [tilespmem:s6+$0xFFFFFFF0]  }
0xe5: {  	v1 =	vld [tilespmem:s14+$0xFFFFFFF0];
	_ =	sdelay $0x4  }
0xe6: {  	v0 =	vunpack.i.l.bf16.f32 v0;
	v1 =	vunpack.i.l.bf16.f32 v1  }
0xe7: {  	v0 =	vadd.f32 v1, v0;
	_ =	sdelay $0x1  }
0xe8: {  	v1 =	vmul.f32 $2.000000030e-01, v0  }
0xe9: {  	vm0 =	vge.f32 v0, $0.0e+00  }
0xea: {  	v0 =	vsel vm0, v0, v1  }
0xeb: {  	v0 =	vmul.f32 $1.442695020e+00, v0;
	_ =	sdelay $0x1  }
0xec: {  	(erf) = vpow2.f32 v0;
	_ =	sdelay $0x3  }
0xed: {  	v0 =	vld [tilespmem:s6+$0xFFFFFFD0];
	_ =	sdelay $0x1  }
0xee: {  	v1 =	vld [tilespmem:s6+$0xFFFFFFE0];
	_ =	sdelay $0x2  }
0xef: {  	v2 =	vunpack.i.l.bf16.f32 v0;
	v3 =	vpop (erf)  }
0xf0: {  	v0 =	vunpack.i.u.bf16.f32 v0;
	v2 =	vmul.f32 v3, v2  }
0xf1: {  	v4 =	vunpack.i.u.bf16.f32 v1;
	v0 =	vmul.f32 v3, v0;
	[tilespmem:s29+$0xFFFFFFF0] =	vst v3  }
0xf2: {  	v1 =	vunpack.i.l.bf16.f32 v1;
	v4 =	vmul.f32 v3, v4;
	[tilespmem:s29+$0xFFFFFFB0] =	vst v2  }
0xf3: {  	v1 =	vmul.f32 v1, v3;
	[tilespmem:s29+$0xFFFFFFC0] =	vst v0  }
0xf4: {  	[tilespmem:s29+$0xFFFFFFE0] =	vst v4  }
0xf5: {  	[tilespmem:s29+$0xFFFFFFD0] =	vst v1  }
0xf6: {  	v0 =	vld [tilespmem:s6+$0x20]  }
0xf7: {  	v1 =	vld [tilespmem:s14+$0x0];
	_ =	sdelay $0x4  }
0xf8: {  	v0 =	vunpack.i.l.bf16.f32 v0;
	v1 =	vunpack.i.l.bf16.f32 v1  }
0xf9: {  	v0 =	vadd.f32 v1, v0;
	_ =	sdelay $0x1  }
0xfa: {  	v1 =	vmul.f32 $2.000000030e-01, v0  }
0xfb: {  	vm0 =	vge.f32 v0, $0.0e+00  }
0xfc: {  	v0 =	vsel vm0, v0, v1  }
0xfd: {  	v0 =	vmul.f32 $1.442695020e+00, v0;
	_ =	sdelay $0x1  }
0xfe: {  	(erf) = vpow2.f32 v0;
	_ =	sdelay $0x3  }
0xff: {  	v0 =	vld [tilespmem:s6+$0x0];
	_ =	sdelay $0x1  }
0x100: {  	v1 =	vld [tilespmem:s6+$0x10];
	_ =	sdelay $0x2  }
0x101: {  	v2 =	vunpack.i.l.bf16.f32 v0;
	v3 =	vpop (erf)  }
0x102: {  	v0 =	vunpack.i.u.bf16.f32 v0;
	v2 =	vmul.f32 v3, v2  }
0x103: {  	v4 =	vunpack.i.l.bf16.f32 v1;
	v1 =	vunpack.i.u.bf16.f32 v1;
	v0 =	vmul.f32 v3, v0;
	[tilespmem:s29+$0x40] =	vst v3  }
0x104: {  	v1 =	vmul.f32 v3, v1;
	[tilespmem:s29+$0x0] =	vst v2  }
0x105: {  	v2 =	vmul.f32 v4, v3;
	[tilespmem:s29+$0x10] =	vst v0  }
0x106: {  	[tilespmem:s29+$0x30] =	vst v1  }
0x107: {  	[tilespmem:s29+$0x20] =	vst v2  }
0x108: {  	v0 =	vld [tilespmem:s6+$0x50]  }
0x109: {  	v1 =	vld [tilespmem:s14+$0x10];
	_ =	sdelay $0x4  }
0x10a: {  	v0 =	vunpack.i.l.bf16.f32 v0;
	v1 =	vunpack.i.l.bf16.f32 v1  }
0x10b: {  	v2 =	vadd.f32 v1, v0  }
0x10c: {  	v0 =	vld [tilespmem:s6+$0x30]  }
0x10d: {  	s8 =	simm.s32 $0x0;
	s9 =	simm.s32 $0x9100;
	v1 =	vld [tilespmem:s6+$0x40];
	vm0 =	vge.f32 v2, $0.0e+00;
	v3 =	vmul.f32 $2.000000030e-01, v2  }
.LBB2_5:
0x10e: {  	s8 =	sadd.s32 $0x4, s8;
	s14 =	sadd.s32 $0x40, s14;
	s6 =	sadd.s32 $0xC0, s6  }
0x10f: {  	p0 =	slt.u32 s8, $0x4C;
	v2 =	vsel vm0, v2, v3  }
0x110: {  	v2 =	vmul.f32 $1.442695020e+00, v2;
	_ =	sdelay $0x1  }
0x111: {  	(erf) = vpow2.f32 v2;
	_ =	sdelay $0x8  }
0x112: {  	v3 =	vunpack.i.l.bf16.f32 v1;
	v2 =	vunpack.i.u.bf16.f32 v0;
	v0 =	vunpack.i.l.bf16.f32 v0;
	v4 =	vpop (erf)  }
0x113: {  	v1 =	vunpack.i.u.bf16.f32 v1;
	v0 =	vmul.f32 v4, v0;
	v2 =	vmul.f32 v4, v2;
	[tilespmem:s29+$0x90] =	vst v4  }
0x114: {  	v3 =	vmul.f32 v3, v4;
	v1 =	vmul.f32 v4, v1  }
0x115: {  	[tilespmem:s29+$0x50] =	vst v0  }
0x116: {  	[tilespmem:s29+$0x80] =	vst v1  }
0x117: {  	[tilespmem:s29+$0x70] =	vst v3  }
0x118: {  	[tilespmem:s29+$0x60] =	vst v2;
	s29 =	smov.u32 s9  }
0x119: {  	v0 =	vld [tilespmem:s14+$0xFFFFFFE0]  }
0x11a: {  	v1 =	vld [tilespmem:s6+$0xFFFFFFC0];
	_ =	sdelay $0x4  }
0x11b: {  	v0 =	vunpack.i.l.bf16.f32 v0;
	v1 =	vunpack.i.l.bf16.f32 v1  }
0x11c: {  	v0 =	vadd.f32 v0, v1;
	_ =	sdelay $0x1  }
0x11d: {  	v1 =	vmul.f32 $2.000000030e-01, v0  }
0x11e: {  	vm0 =	vge.f32 v0, $0.0e+00  }
0x11f: {  	v0 =	vsel vm0, v0, v1  }
0x120: {  	v0 =	vmul.f32 $1.442695020e+00, v0;
	_ =	sdelay $0x1  }
0x121: {  	(erf) = vpow2.f32 v0  }
0x122: {  	v0 =	vld [tilespmem:s6+$0xFFFFFFB0]  }
0x123: {  	v1 =	vld [tilespmem:s6+$0xFFFFFFA0];
	_ =	sdelay $0x4  }
0x124: {  	v3 =	vunpack.i.u.bf16.f32 v0;
	v0 =	vunpack.i.l.bf16.f32 v0;
	v2 =	vunpack.i.l.bf16.f32 v1  }
0x125: {  	v1 =	vunpack.i.u.bf16.f32 v1  }
0x126: {  	v4 =	vpop (erf)  }
0x127: {  	v1 =	vmul.f32 v4, v1;
	v0 =	vmul.f32 v0, v4;
	[tilespmem:s9+$0xFFFFFFA0] =	vst v4  }
0x128: {  	v2 =	vmul.f32 v4, v2;
	v3 =	vmul.f32 v4, v3  }
0x129: {  	[tilespmem:s9+$0xFFFFFF70] =	vst v1  }
0x12a: {  	[tilespmem:s9+$0xFFFFFF90] =	vst v3  }
0x12b: {  	[tilespmem:s9+$0xFFFFFF60] =	vst v2  }
0x12c: {  	[tilespmem:s9+$0xFFFFFF80] =	vst v0  }
0x12d: {  	v0 =	vld [tilespmem:s6+$0xFFFFFFF0]  }
0x12e: {  	v1 =	vld [tilespmem:s14+$0xFFFFFFF0];
	_ =	sdelay $0x4  }
0x12f: {  	v0 =	vunpack.i.l.bf16.f32 v0;
	v1 =	vunpack.i.l.bf16.f32 v1  }
0x130: {  	v0 =	vadd.f32 v1, v0;
	_ =	sdelay $0x1  }
0x131: {  	v1 =	vmul.f32 $2.000000030e-01, v0  }
0x132: {  	vm0 =	vge.f32 v0, $0.0e+00  }
0x133: {  	v0 =	vsel vm0, v0, v1  }
0x134: {  	v0 =	vmul.f32 $1.442695020e+00, v0;
	_ =	sdelay $0x1  }
0x135: {  	(erf) = vpow2.f32 v0;
	_ =	sdelay $0x3  }
0x136: {  	v0 =	vld [tilespmem:s6+$0xFFFFFFD0]  }
0x137: {  	v1 =	vld [tilespmem:s6+$0xFFFFFFE0];
	_ =	sdelay $0x3  }
0x138: {  	v2 =	vunpack.i.u.bf16.f32 v0;
	v0 =	vunpack.i.l.bf16.f32 v0;
	v3 =	vpop (erf)  }
0x139: {  	v4 =	vunpack.i.u.bf16.f32 v1;
	v0 =	vmul.f32 v3, v0;
	v2 =	vmul.f32 v3, v2;
	[tilespmem:s9+$0xFFFFFFF0] =	vst v3  }
0x13a: {  	v1 =	vunpack.i.l.bf16.f32 v1;
	v4 =	vmul.f32 v3, v4  }
0x13b: {  	[tilespmem:s9+$0xFFFFFFB0] =	vst v0;
	v0 =	vmul.f32 v1, v3;
	_ =	sdelay $0x1  }
0x13c: {  	[tilespmem:s9+$0xFFFFFFC0] =	vst v2  }
0x13d: {  	[tilespmem:s9+$0xFFFFFFE0] =	vst v4  }
0x13e: {  	[tilespmem:s9+$0xFFFFFFD0] =	vst v0  }
0x13f: {  	v0 =	vld [tilespmem:s6+$0x20]  }
0x140: {  	v1 =	vld [tilespmem:s14+$0x0];
	_ =	sdelay $0x3  }
0x141: {  	v0 =	vunpack.i.l.bf16.f32 v0  }
0x142: {  	v1 =	vunpack.i.l.bf16.f32 v1  }
0x143: {  	v0 =	vadd.f32 v1, v0;
	_ =	sdelay $0x1  }
0x144: {  	v1 =	vmul.f32 $2.000000030e-01, v0  }
0x145: {  	vm0 =	vge.f32 v0, $0.0e+00  }
0x146: {  	v0 =	vsel vm0, v0, v1  }
0x147: {  	v0 =	vmul.f32 $1.442695020e+00, v0;
	_ =	sdelay $0x1  }
0x148: {  	(erf) = vpow2.f32 v0;
	_ =	sdelay $0x3  }
0x149: {  	v0 =	vld [tilespmem:s6+$0x0]  }
0x14a: {  	v1 =	vld [tilespmem:s6+$0x10];
	_ =	sdelay $0x3  }
0x14b: {  	v2 =	vunpack.i.u.bf16.f32 v0;
	v0 =	vunpack.i.l.bf16.f32 v0;
	v3 =	vpop (erf)  }
0x14c: {  	v4 =	vunpack.i.u.bf16.f32 v1;
	v0 =	vmul.f32 v3, v0;
	v2 =	vmul.f32 v3, v2;
	[tilespmem:s9+$0x40] =	vst v3  }
0x14d: {  	v1 =	vunpack.i.l.bf16.f32 v1;
	v4 =	vmul.f32 v3, v4  }
0x14e: {  	[tilespmem:s9+$0x0] =	vst v0;
	v0 =	vmul.f32 v1, v3;
	_ =	sdelay $0x1  }
0x14f: {  	[tilespmem:s9+$0x10] =	vst v2  }
0x150: {  	[tilespmem:s9+$0x20] =	vst v0  }
0x151: {  	[tilespmem:s9+$0x30] =	vst v4  }
0x152: {  	v2 =	vld [tilespmem:s6+$0x50]  }
0x153: {  	v3 =	vld [tilespmem:s14+$0x10]  }
0x154: {  	v0 =	vld [tilespmem:s6+$0x30]  }
0x155: {  	v1 =	vld [tilespmem:s6+$0x40];
	_ =	sdelay $0x1  }
.Ltmp1:
0x156: {  	(pc) =	sbr.rel @p0 .LBB2_5-.Ltmp1, $3  }
0x157: {  	v2 =	vunpack.i.l.bf16.f32 v2;
	v3 =	vunpack.i.l.bf16.f32 v3  }
0x158: {  	v2 =	vadd.f32 v3, v2;
	_ =	sdelay $0x1  }
0x159: {  	s9 =	sadd.s32 $0x140, s9;
	vm0 =	vge.f32 v2, $0.0e+00;
	v3 =	vmul.f32 $2.000000030e-01, v2  }
0x15a: {  	_ = 	snop  }
0x15b: {  	v2 =	vsel vm0, v2, v3  }
0x15c: {  	v2 =	vmul.f32 $1.442695020e+00, v2;
	_ =	sdelay $0x1  }
0x15d: {  	(erf) = vpow2.f32 v2;
	_ =	sdelay $0x8  }
0x15e: {  	v60 =	vunpack.i.l.bf16.f32 v0;
	v61 =	vpop (erf)  }
0x15f: {  	v4 =	vunpack.i.u.bf16.f32 v1;
	v2 =	vmul.f32 v61, v60  }
0x160: {  	v62 =	vunpack.i.l.bf16.f32 v1;
	p0 =	seq.s32 s1, $0x3D;
	[tilespmem:s29+$0x90] =	vst v61;
	v4 =	vmul.f32 v61, v4  }
.Ltmp2:
0x161: {  	v63 =	vunpack.i.u.bf16.f32 v0;
	v1 =	vmul.f32 v62, v61;
	[tilespmem:s29+$0x50] =	vst v2;
	(pc) =	sbr.rel @p0 .LBB2_8-.Ltmp2, $4  }
0x162: {  	v0 =	vmul.f32 v61, v63;
	[tilespmem:s29+$0x80] =	vst v4  }
0x163: {  	[tilespmem:s29+$0x70] =	vst v1  }
0x164: {  	s6 =	sadd.s32 $0x2760, s19;
	[tilespmem:s29+$0x60] =	vst v0  }
0x165: {  	[spmem:s3] =	stream.indirect.scatter.add.f32 [tilespmem:s26], [sflag:$0x6], $0x50, s6, s15, $0xb8;
	[tilespmem:$0x17020] =	vst v63  }
.Ltmp3:
0x166: {  	(pc) =	sbr.rel .LBB2_2-.Ltmp3, $4  }
0x167: {  	s6 =	sadd.s32 $0xF0, s0  }
0x168: {  	[tilespmem:s18], [sflag:$0x2] =	stream.indirect.gather [hbm4b:s5+s15], $0x30, s6, s15, $0xb8;
	[tilespmem:$0x17020] =	vst v63  }
0x169: {  	s29 =	sadd.s32 $0x2800, s0;
	s1 =	sadd.s32 $0x1, s1  }
0x16a: {  	[tilespmem:s20], [sflag:$0x4] =	stream.indirect.gather [hbm4b:s2+s15], $0x10, s29, s15, $0xb8;
	[tilespmem:$0x17020] =	vst v63  }
.LBB2_8:
0x16b: {  	_ =	swait.ge [sflag:s21], $0xF00  }
0x16c: {  	[sflag:s21] =	ssyncset.done $0x0  }
0x16d: {  	[sflag:s21] =	ssyncadd.s32 $0xFFFFF100  }
0x16e: {  	_ =	swait.ge [sflag:s22], $0x500  }
0x16f: {  	[sflag:s22] =	ssyncset.done $0x0  }
0x170: {  	[sflag:s22] =	ssyncadd.s32 $0xFFFFFB00  }
0x171: {  	_ =	swait.ge [sflag:s28], $0x1900  }
0x172: {  	[sflag:s28] =	ssyncset.done $0x0  }
0x173: {  	s1 =	simm.s32 $0x6C40;
	[sflag:s28] =	ssyncadd.s32 $0xFFFFE700  }
0x174: {  	s6 =	simm.s32 $0x4E80;
	v0 =	vld [tilespmem:s1+$0xFFFFFFE0]  }
0x175: {  	v1 =	vld [tilespmem:s6+$0xFFFFFFC0];
	_ =	sdelay $0x4  }
0x176: {  	v1 =	vunpack.i.l.bf16.f32 v1;
	v0 =	vunpack.i.l.bf16.f32 v0  }
0x177: {  	v0 =	vadd.f32 v0, v1;
	_ =	sdelay $0x1  }
0x178: {  	v1 =	vmul.f32 $2.000000030e-01, v0  }
0x179: {  	vm0 =	vge.f32 v0, $0.0e+00  }
0x17a: {  	v0 =	vsel vm0, v0, v1  }
0x17b: {  	v0 =	vmul.f32 $1.442695020e+00, v0;
	_ =	sdelay $0x1  }
0x17c: {  	(erf) = vpow2.f32 v0;
	_ =	sdelay $0x3  }
0x17d: {  	v0 =	vld [tilespmem:s6+$0xFFFFFFA0]  }
0x17e: {  	v1 =	vld [tilespmem:s6+$0xFFFFFFB0];
	_ =	sdelay $0x3  }
0x17f: {  	v2 =	vunpack.i.u.bf16.f32 v0;
	v3 =	vpop (erf)  }
0x180: {  	s0 =	simm.s32 $0x76C0;
	v4 =	vunpack.i.u.bf16.f32 v1;
	v2 =	vmul.f32 v3, v2  }
0x181: {  	v0 =	vunpack.i.l.bf16.f32 v0;
	[tilespmem:s0+$0xFFFFFFA0] =	vst v3;
	v4 =	vmul.f32 v3, v4  }
0x182: {  	v1 =	vunpack.i.l.bf16.f32 v1;
	v0 =	vmul.f32 v3, v0;
	[tilespmem:s0+$0xFFFFFF70] =	vst v2  }
0x183: {  	v1 =	vmul.f32 v1, v3;
	[tilespmem:s0+$0xFFFFFF90] =	vst v4  }
0x184: {  	[tilespmem:s0+$0xFFFFFF60] =	vst v0  }
0x185: {  	[tilespmem:s0+$0xFFFFFF80] =	vst v1  }
0x186: {  	v0 =	vld [tilespmem:s6+$0xFFFFFFF0]  }
0x187: {  	v1 =	vld [tilespmem:s1+$0xFFFFFFF0];
	_ =	sdelay $0x4  }
0x188: {  	v0 =	vunpack.i.l.bf16.f32 v0;
	v1 =	vunpack.i.l.bf16.f32 v1  }
0x189: {  	v0 =	vadd.f32 v1, v0;
	_ =	sdelay $0x1  }
0x18a: {  	v1 =	vmul.f32 $2.000000030e-01, v0  }
0x18b: {  	vm0 =	vge.f32 v0, $0.0e+00  }
0x18c: {  	v0 =	vsel vm0, v0, v1  }
0x18d: {  	v0 =	vmul.f32 $1.442695020e+00, v0;
	_ =	sdelay $0x1  }
0x18e: {  	(erf) = vpow2.f32 v0;
	_ =	sdelay $0x3  }
0x18f: {  	v0 =	vld [tilespmem:s6+$0xFFFFFFD0];
	_ =	sdelay $0x1  }
0x190: {  	v1 =	vld [tilespmem:s6+$0xFFFFFFE0];
	_ =	sdelay $0x2  }
0x191: {  	v2 =	vunpack.i.l.bf16.f32 v0;
	v3 =	vpop (erf)  }
0x192: {  	v0 =	vunpack.i.u.bf16.f32 v0;
	v2 =	vmul.f32 v3, v2  }
0x193: {  	v4 =	vunpack.i.u.bf16.f32 v1;
	v0 =	vmul.f32 v3, v0;
	[tilespmem:s0+$0xFFFFFFF0] =	vst v3  }
0x194: {  	v1 =	vunpack.i.l.bf16.f32 v1;
	v4 =	vmul.f32 v3, v4;
	[tilespmem:s0+$0xFFFFFFB0] =	vst v2  }
0x195: {  	v1 =	vmul.f32 v1, v3;
	[tilespmem:s0+$0xFFFFFFC0] =	vst v0  }
0x196: {  	[tilespmem:s0+$0xFFFFFFE0] =	vst v4  }
0x197: {  	[tilespmem:s0+$0xFFFFFFD0] =	vst v1  }
0x198: {  	v0 =	vld [tilespmem:s6+$0x20]  }
0x199: {  	v1 =	vld [tilespmem:s1+$0x0];
	_ =	sdelay $0x4  }
0x19a: {  	v0 =	vunpack.i.l.bf16.f32 v0;
	v1 =	vunpack.i.l.bf16.f32 v1  }
0x19b: {  	v0 =	vadd.f32 v1, v0;
	_ =	sdelay $0x1  }
0x19c: {  	v1 =	vmul.f32 $2.000000030e-01, v0  }
0x19d: {  	vm0 =	vge.f32 v0, $0.0e+00  }
0x19e: {  	v0 =	vsel vm0, v0, v1  }
0x19f: {  	v0 =	vmul.f32 $1.442695020e+00, v0;
	_ =	sdelay $0x1  }
0x1a0: {  	(erf) = vpow2.f32 v0;
	_ =	sdelay $0x3  }
0x1a1: {  	v0 =	vld [tilespmem:s6+$0x0];
	_ =	sdelay $0x1  }
0x1a2: {  	v1 =	vld [tilespmem:s6+$0x10];
	_ =	sdelay $0x2  }
0x1a3: {  	v2 =	vunpack.i.l.bf16.f32 v0;
	v3 =	vpop (erf)  }
0x1a4: {  	v0 =	vunpack.i.u.bf16.f32 v0;
	v2 =	vmul.f32 v3, v2  }
0x1a5: {  	v4 =	vunpack.i.l.bf16.f32 v1;
	v1 =	vunpack.i.u.bf16.f32 v1;
	v0 =	vmul.f32 v3, v0;
	[tilespmem:s0+$0x40] =	vst v3  }
0x1a6: {  	v1 =	vmul.f32 v3, v1;
	[tilespmem:s0+$0x0] =	vst v2  }
0x1a7: {  	v2 =	vmul.f32 v4, v3;
	[tilespmem:s0+$0x10] =	vst v0  }
0x1a8: {  	[tilespmem:s0+$0x30] =	vst v1  }
0x1a9: {  	[tilespmem:s0+$0x20] =	vst v2  }
0x1aa: {  	v0 =	vld [tilespmem:s6+$0x50]  }
0x1ab: {  	v1 =	vld [tilespmem:s1+$0x10];
	_ =	sdelay $0x4  }
0x1ac: {  	v0 =	vunpack.i.l.bf16.f32 v0;
	v1 =	vunpack.i.l.bf16.f32 v1  }
0x1ad: {  	v2 =	vadd.f32 v1, v0  }
0x1ae: {  	v0 =	vld [tilespmem:s6+$0x30]  }
0x1af: {  	s8 =	simm.s32 $0x0;
	s9 =	simm.s32 $0x7800;
	v1 =	vld [tilespmem:s6+$0x40];
	vm0 =	vge.f32 v2, $0.0e+00;
	v3 =	vmul.f32 $2.000000030e-01, v2  }
.LBB2_9:
0x1b0: {  	s8 =	sadd.s32 $0x4, s8;
	s1 =	sadd.s32 $0x40, s1;
	s6 =	sadd.s32 $0xC0, s6  }
0x1b1: {  	p0 =	slt.u32 s8, $0x4C;
	v2 =	vsel vm0, v2, v3  }
0x1b2: {  	v2 =	vmul.f32 $1.442695020e+00, v2;
	_ =	sdelay $0x1  }
0x1b3: {  	(erf) = vpow2.f32 v2;
	_ =	sdelay $0x8  }
0x1b4: {  	v3 =	vunpack.i.l.bf16.f32 v1;
	v2 =	vunpack.i.u.bf16.f32 v0;
	v0 =	vunpack.i.l.bf16.f32 v0;
	v4 =	vpop (erf)  }
0x1b5: {  	v1 =	vunpack.i.u.bf16.f32 v1;
	v0 =	vmul.f32 v4, v0;
	v2 =	vmul.f32 v4, v2;
	[tilespmem:s0+$0x90] =	vst v4  }
0x1b6: {  	v3 =	vmul.f32 v3, v4;
	v1 =	vmul.f32 v4, v1  }
0x1b7: {  	[tilespmem:s0+$0x50] =	vst v0  }
0x1b8: {  	[tilespmem:s0+$0x80] =	vst v1  }
0x1b9: {  	[tilespmem:s0+$0x70] =	vst v3  }
0x1ba: {  	[tilespmem:s0+$0x60] =	vst v2;
	s0 =	smov.u32 s9  }
0x1bb: {  	v0 =	vld [tilespmem:s1+$0xFFFFFFE0]  }
0x1bc: {  	v1 =	vld [tilespmem:s6+$0xFFFFFFC0];
	_ =	sdelay $0x4  }
0x1bd: {  	v0 =	vunpack.i.l.bf16.f32 v0;
	v1 =	vunpack.i.l.bf16.f32 v1  }
0x1be: {  	v0 =	vadd.f32 v0, v1;
	_ =	sdelay $0x1  }
0x1bf: {  	v1 =	vmul.f32 $2.000000030e-01, v0  }
0x1c0: {  	vm0 =	vge.f32 v0, $0.0e+00  }
0x1c1: {  	v0 =	vsel vm0, v0, v1  }
0x1c2: {  	v0 =	vmul.f32 $1.442695020e+00, v0;
	_ =	sdelay $0x1  }
0x1c3: {  	(erf) = vpow2.f32 v0  }
0x1c4: {  	v0 =	vld [tilespmem:s6+$0xFFFFFFB0]  }
0x1c5: {  	v1 =	vld [tilespmem:s6+$0xFFFFFFA0];
	_ =	sdelay $0x4  }
0x1c6: {  	v3 =	vunpack.i.u.bf16.f32 v0;
	v0 =	vunpack.i.l.bf16.f32 v0;
	v2 =	vunpack.i.l.bf16.f32 v1  }
0x1c7: {  	v1 =	vunpack.i.u.bf16.f32 v1  }
0x1c8: {  	v4 =	vpop (erf)  }
0x1c9: {  	v1 =	vmul.f32 v4, v1;
	v0 =	vmul.f32 v0, v4;
	[tilespmem:s9+$0xFFFFFFA0] =	vst v4  }
0x1ca: {  	v2 =	vmul.f32 v4, v2;
	v3 =	vmul.f32 v4, v3  }
0x1cb: {  	[tilespmem:s9+$0xFFFFFF70] =	vst v1  }
0x1cc: {  	[tilespmem:s9+$0xFFFFFF90] =	vst v3  }
0x1cd: {  	[tilespmem:s9+$0xFFFFFF60] =	vst v2  }
0x1ce: {  	[tilespmem:s9+$0xFFFFFF80] =	vst v0  }
0x1cf: {  	v0 =	vld [tilespmem:s6+$0xFFFFFFF0]  }
0x1d0: {  	v1 =	vld [tilespmem:s1+$0xFFFFFFF0];
	_ =	sdelay $0x4  }
0x1d1: {  	v0 =	vunpack.i.l.bf16.f32 v0;
	v1 =	vunpack.i.l.bf16.f32 v1  }
0x1d2: {  	v0 =	vadd.f32 v1, v0;
	_ =	sdelay $0x1  }
0x1d3: {  	v1 =	vmul.f32 $2.000000030e-01, v0  }
0x1d4: {  	vm0 =	vge.f32 v0, $0.0e+00  }
0x1d5: {  	v0 =	vsel vm0, v0, v1  }
0x1d6: {  	v0 =	vmul.f32 $1.442695020e+00, v0;
	_ =	sdelay $0x1  }
0x1d7: {  	(erf) = vpow2.f32 v0;
	_ =	sdelay $0x3  }
0x1d8: {  	v0 =	vld [tilespmem:s6+$0xFFFFFFD0]  }
0x1d9: {  	v1 =	vld [tilespmem:s6+$0xFFFFFFE0];
	_ =	sdelay $0x3  }
0x1da: {  	v2 =	vunpack.i.u.bf16.f32 v0;
	v0 =	vunpack.i.l.bf16.f32 v0;
	v3 =	vpop (erf)  }
0x1db: {  	v4 =	vunpack.i.u.bf16.f32 v1;
	v0 =	vmul.f32 v3, v0;
	v2 =	vmul.f32 v3, v2;
	[tilespmem:s9+$0xFFFFFFF0] =	vst v3  }
0x1dc: {  	v1 =	vunpack.i.l.bf16.f32 v1;
	v4 =	vmul.f32 v3, v4  }
0x1dd: {  	[tilespmem:s9+$0xFFFFFFB0] =	vst v0;
	v0 =	vmul.f32 v1, v3;
	_ =	sdelay $0x1  }
0x1de: {  	[tilespmem:s9+$0xFFFFFFC0] =	vst v2  }
0x1df: {  	[tilespmem:s9+$0xFFFFFFE0] =	vst v4  }
0x1e0: {  	[tilespmem:s9+$0xFFFFFFD0] =	vst v0  }
0x1e1: {  	v0 =	vld [tilespmem:s6+$0x20]  }
0x1e2: {  	v1 =	vld [tilespmem:s1+$0x0];
	_ =	sdelay $0x3  }
0x1e3: {  	v0 =	vunpack.i.l.bf16.f32 v0  }
0x1e4: {  	v1 =	vunpack.i.l.bf16.f32 v1  }
0x1e5: {  	v0 =	vadd.f32 v1, v0;
	_ =	sdelay $0x1  }
0x1e6: {  	v1 =	vmul.f32 $2.000000030e-01, v0  }
0x1e7: {  	vm0 =	vge.f32 v0, $0.0e+00  }
0x1e8: {  	v0 =	vsel vm0, v0, v1  }
0x1e9: {  	v0 =	vmul.f32 $1.442695020e+00, v0;
	_ =	sdelay $0x1  }
0x1ea: {  	(erf) = vpow2.f32 v0;
	_ =	sdelay $0x3  }
0x1eb: {  	v0 =	vld [tilespmem:s6+$0x0]  }
0x1ec: {  	v1 =	vld [tilespmem:s6+$0x10];
	_ =	sdelay $0x3  }
0x1ed: {  	v2 =	vunpack.i.u.bf16.f32 v0;
	v0 =	vunpack.i.l.bf16.f32 v0;
	v3 =	vpop (erf)  }
0x1ee: {  	v4 =	vunpack.i.u.bf16.f32 v1;
	v0 =	vmul.f32 v3, v0;
	v2 =	vmul.f32 v3, v2;
	[tilespmem:s9+$0x40] =	vst v3  }
0x1ef: {  	v1 =	vunpack.i.l.bf16.f32 v1;
	v4 =	vmul.f32 v3, v4  }
0x1f0: {  	[tilespmem:s9+$0x0] =	vst v0;
	v0 =	vmul.f32 v1, v3;
	_ =	sdelay $0x1  }
0x1f1: {  	[tilespmem:s9+$0x10] =	vst v2  }
0x1f2: {  	[tilespmem:s9+$0x20] =	vst v0  }
0x1f3: {  	[tilespmem:s9+$0x30] =	vst v4  }
0x1f4: {  	v2 =	vld [tilespmem:s6+$0x50]  }
0x1f5: {  	v3 =	vld [tilespmem:s1+$0x10]  }
0x1f6: {  	v0 =	vld [tilespmem:s6+$0x30]  }
0x1f7: {  	v1 =	vld [tilespmem:s6+$0x40];
	_ =	sdelay $0x1  }
.Ltmp4:
0x1f8: {  	(pc) =	sbr.rel @p0 .LBB2_9-.Ltmp4, $3  }
0x1f9: {  	v2 =	vunpack.i.l.bf16.f32 v2;
	v3 =	vunpack.i.l.bf16.f32 v3  }
0x1fa: {  	v2 =	vadd.f32 v3, v2;
	_ =	sdelay $0x1  }
0x1fb: {  	s9 =	sadd.s32 $0x140, s9;
	vm0 =	vge.f32 v2, $0.0e+00;
	v3 =	vmul.f32 $2.000000030e-01, v2  }
0x1fc: {  	_ = 	snop  }
0x1fd: {  	v2 =	vsel vm0, v2, v3  }
0x1fe: {  	v2 =	vmul.f32 $1.442695020e+00, v2;
	_ =	sdelay $0x1  }
0x1ff: {  	(erf) = vpow2.f32 v2;
	_ =	sdelay $0x8  }
0x200: {  	v60 =	vunpack.i.l.bf16.f32 v0;
	v61 =	vpop (erf)  }
0x201: {  	v4 =	vunpack.i.u.bf16.f32 v1;
	v2 =	vmul.f32 v61, v60  }
0x202: {  	v62 =	vunpack.i.l.bf16.f32 v1;
	[tilespmem:s0+$0x90] =	vst v61;
	v4 =	vmul.f32 v61, v4  }
0x203: {  	v63 =	vunpack.i.u.bf16.f32 v0;
	v1 =	vmul.f32 v62, v61;
	[tilespmem:s0+$0x50] =	vst v2  }
0x204: {  	v0 =	vmul.f32 v61, v63;
	[tilespmem:s0+$0x80] =	vst v4  }
0x205: {  	[tilespmem:s0+$0x70] =	vst v1  }
0x206: {  	s29 =	simm.s32 $0x4DD0;
	[tilespmem:s0+$0x60] =	vst v0  }
0x207: {  	[spmem:s3] =	stream.indirect.scatter.add.f32 [tilespmem:s23], [sflag:$0x5], $0x50, s29, s15, $0xb8;
	[tilespmem:$0x17020] =	vst v63  }
0x208: {  	_ =	swait.ge [sflag:s30], $0x1900  }
0x209: {  	[sflag:s30] =	ssyncset.done $0x0  }
0x20a: {  	[sflag:s30] =	ssyncadd.s32 $0xFFFFE700  }
0x20b: {  	_ =	swait.ge [sflag:s28], $0x1900  }
0x20c: {  	s31 =	sadd.s32 $0x1, s31;
	[sflag:s28] =	ssyncset.done $0x0  }
0x20d: {  	p0 =	sne.s32 s31, s11;
	[sflag:s28] =	ssyncadd.s32 $0xFFFFE700  }
.Ltmp5:
0x20e: {  	[bflag:$0x0] =	sbarrier.arrive $0xFFFF;
	(pc) =	sbr.rel @p0 .LBB2_1-.Ltmp5, $4  }
0x20f: {  	[hbm:s10], [sflag:s7] =	dma.local [spmem:s12], $0x1900  }
0x210: {  	_ =	swait.ge [sflag:s13], $0x1900  }
0x211: {  	[sflag:s13] =	ssyncset.done $0x0  }
0x212: {  	[sflag:s13] =	ssyncadd.s32 $0xFFFFE700  }
0x213: {  	_ =	sfence.sel $0x180000  }
0x214: {  	[bflag:$0x0] =	sbarrier.arrive $0xFFFF  }
0x215: {  	_ =	strace $0x90000047  }
0x216: {  	s0 =	stileid.u32;
	[bflag:$0x2] =	sbarrier.arrive $0xFFFF  }
0x217: {  	p0 =	sne.s32 s0, $0x0;
	s0 =	rddreg [dreg:$0x3]  }
0x218: {  	s0 =	sadd.s32 @!p0 $0x100000, s0  }
0x219: {  	[sflag:s0] =	ssyncadd.tile.s32 @!p0 $0x1;
	_ =	shalt  }
.Lfunc_end2:
_tile_overlayer_lowered:
.L_overlay_start_2:
0x21a: {  	(tag) =	ssettag $0x2  }
0x21b: {  	s0 =	rddreg [dreg:$0x0];
	s2 =	stileid.u32  }
0x21c: {  	s1 =	rddreg [dreg:$0x1];
	p0 =	sne.s32 s2, $0x0  }
0x21d: {  	s3 =	rddreg [dreg:$0x2];
	[bflag:$0x3] =	sbarrier.arrive $0xFFFF;
	s2 =	simm.s32 @!p0 $0x1C07  }
0x21e: {  	[timem:s3], [sflag:s2] =	dma.local @!p0 [hbm:s0], s1  }
0x21f: {  	s0 =	simm.s32 @!p0 $0x7  }
0x220: {  	_ =	swait.ge @!p0 [sflag:s0], s1  }
0x221: {  	s1 =	ssub.s32 @!p0 $0x0, s1;
	[sflag:s0] =	ssyncset.done @!p0 $0x0  }
0x222: {  	[sflag:s0] =	ssyncadd.s32 @!p0 s1  }
0x223: {  	[bflag:$0x3] =	sbarrier.arrive $0xFFFF  }
0x224: {  	_ =	shalt  }

</sc_bundles>
